<compile_context>
chip_gen: v7x
topology: tpu7x:2x2x1
jax: 0.10.2.dev20260603
libtpu: 0.0.44.dev20260713+nightly
codegen_flags: <defaults>
</compile_context>

<pallas_src>
import functools

import jax
import jax.numpy as jnp
from jax import lax
from jax.experimental import pallas as pl
from jax.experimental.pallas import tpu as pltpu
from jax.experimental.pallas import tpu_sc as plsc

_NC = 2
_NS = 16
_NW = _NC * _NS
_L = 16
_CH = 32


@functools.lru_cache(maxsize=None)
def _make_gather(B: int, V: int, D: int):
    assert B % (8 * _NW) == 0
    bpw = B // _NW
    D2 = 2 * D

    mesh = plsc.VectorSubcoreMesh(core_axis_name="c", subcore_axis_name="s")

    @functools.partial(
        pl.kernel,
        out_type=jax.ShapeDtypeStruct((B // 2, D2), jnp.float32),
        mesh=mesh,
        scratch_types=[
            pltpu.VMEM((bpw,), jnp.int32),
            pltpu.VMEM((2, _CH, 8, D), jnp.float32),
            pltpu.VMEM((_CH // 2, D2), jnp.float32),
            pltpu.SemaphoreType.DMA,
            pltpu.SemaphoreType.DMA,
        ],
        compiler_params=pltpu.CompilerParams(
            use_tc_tiling_on_sc=True, needs_layout_passes=False),
    )
    def gather(table_hbm, idx_hbm, out_hbm, ids_v, buf_v, out_v, semA, semB):
        wid = lax.axis_index("s") * _NC + lax.axis_index("c")
        base = pl.multiple_of(wid * bpw, bpw)
        pltpu.sync_copy(idx_hbm.at[pl.ds(base, bpw)], ids_v)
        lanes = lax.iota(jnp.int32, _L)
        sems = (semA, semB)
        n_waves = bpw // _CH

        def fire_wave(c, slot):
            sem = sems[slot]

            def fire(k, _, c=c, slot=slot, sem=sem):
                v16 = ids_v[pl.ds(c * _CH + k * _L, _L)]
                for l in range(_L):
                    t = jnp.max(jnp.where(lanes == l, v16, 0))
                    r8 = pl.multiple_of(
                        jax.lax.shift_left(
                            jax.lax.shift_right_logical(t, 3), 3), 8)
                    pltpu.make_async_copy(
                        table_hbm.at[pl.ds(r8, 8), :],
                        buf_v.at[slot, k * _L + l],
                        sem,
                    ).start()
                return _
            lax.fori_loop(0, _CH // _L, fire, 0)

        def drain_wave(slot):
            sem = sems[slot]

            def drain(j, _, slot=slot, sem=sem):
                pltpu.make_async_copy(
                    table_hbm.at[pl.ds(0, 8), :], buf_v.at[slot, 0], sem,
                ).wait()
                return _
            lax.fori_loop(0, _CH, drain, 0, unroll=8)

        def extract_wave(c, slot):
            def extract(k, _, c=c, slot=slot):
                j = lax.iota(jnp.int32, _L) + k * _L
                ids16 = ids_v[pl.ds(c * _CH + k * _L, _L)]
                rlo = jax.lax.bitwise_and(ids16, jnp.int32(7))
                jp = jax.lax.shift_right_logical(j, 1)
                poff = jax.lax.shift_left(
                    jax.lax.bitwise_and(j, jnp.int32(1)), jnp.int32(6))
                sv = jnp.full((_L,), slot, jnp.int32)

                def inner(f, _2):
                    fv = jnp.full((_L,), 0, jnp.int32) + f
                    vals = plsc.load_gather(buf_v, [sv, j, rlo, fv])
                    plsc.store_scatter(out_v, [jp, poff + f], vals)
                    return _2
                lax.fori_loop(0, D, inner, 0, unroll=8)
                return _
            lax.fori_loop(0, _CH // _L, extract, 0)

            orow = pl.multiple_of((base + c * _CH) // 2, _CH // 2)
            pltpu.sync_copy(out_v, out_hbm.at[pl.ds(orow, _CH // 2), :])

        n_pairs = n_waves // 2
        fire_wave(0, 0)

        def pair(p, _):
            c0 = p * 2
            fire_wave(c0 + 1, 1)
            drain_wave(0)
            extract_wave(c0, 0)

            @pl.when(p + 1 < n_pairs)
            def _fire_next():
                fire_wave(c0 + 2, 0)

            drain_wave(1)
            extract_wave(c0 + 1, 1)
            return _
        lax.fori_loop(0, n_pairs, pair, 0)

    return gather


def kernel(input_ids, labels, alibi, attention_mask, embed_table):
    V, D = embed_table.shape
    ids = input_ids.reshape(-1).astype(jnp.int32)
    B = ids.shape[0]
    hidden = _make_gather(B, V, D)(embed_table, ids)
    hidden = hidden.reshape(input_ids.shape + (D,))
    return (hidden, labels, alibi, attention_mask)

# --- scband reference (transcript-rebuilt; emitter-appended) ---
"""Pipeline reference for scband-embedding-block-49881750175757 (READ-ONLY COPY).

The authoritative reference and input builder live on the scoring server;
editing this copy changes nothing except your own understanding.
"""

import jax, jax.numpy as jnp
import numpy as np

VOCAB = 1000000
EMBED_DIM = 64
BATCH = 4
SEQ = 8192
N_HEADS = 16


def setup_inputs(seed: int = 0) -> dict:
    key = jax.random.key(seed)
    k1, k2, k3, k4 = jax.random.split(key, 4)
    input_ids = jax.random.randint(k1, (BATCH, SEQ), 0, VOCAB)
    labels = jax.random.randint(k2, (BATCH, SEQ), 0, VOCAB)
    alibi = jax.random.normal(k3, (BATCH, N_HEADS, 1, SEQ), dtype=jnp.float32)
    attention_mask = jnp.ones((BATCH, SEQ), dtype=bool)
    embed_table = jax.random.normal(k4, (VOCAB, EMBED_DIM), dtype=jnp.float32) * 0.02
    return {
        "input_ids": input_ids,
        "labels": labels,
        "alibi": alibi,
        "attention_mask": attention_mask,
        "embed_table": embed_table,
    }


def reference(input_ids, labels, alibi, attention_mask, embed_table):
    # EmbeddingBlock.forward: hidden = self.embed(input_ids); pass-through rest
    hidden = jnp.take(embed_table, input_ids, axis=0)
    return (hidden, labels, alibi, attention_mask)

if __name__ == "__main__":
    import jax
    _d = setup_inputs()
    print(jax.jit(kernel)(*tuple(_d.values())))

</pallas_src>

<mosaic_0001>
#map = affine_map<(d0, d1) -> (0, 0)>
#map1 = affine_map<(d0, d1) -> (0)>
module attributes {stable_mosaic.version = 14 : i64} {
  func.func @gather(%arg0: i32, %arg1: i32, %arg2: memref<1000000x64xf32, #tpu.memory_space<hbm>>, %arg3: memref<32768xi32, #tpu.memory_space<hbm>>, %arg4: memref<16384x128xf32, #tpu.memory_space<hbm>>, %arg5: memref<1024xi32, #tpu.memory_space<vmem>>, %arg6: memref<2x32x8x64xf32, #tpu.memory_space<vmem>>, %arg7: memref<16x128xf32, #tpu.memory_space<vmem>>, %arg8: memref<!tpu.dma_semaphore, #tpu.memory_space<semaphore_mem>>, %arg9: memref<!tpu.dma_semaphore, #tpu.memory_space<semaphore_mem>>) attributes {dimension_semantics = [#tpu.dimension_semantics<core_parallel>, #tpu.dimension_semantics<subcore_parallel>], iteration_bounds = array<i64: 2, 16>, scalar_prefetch = 0 : i64, scratch_operands = 5 : i64, tpu.core_type = #tpu.core_type<sc_vector_subcore>, window_params = [{transform_indices = #map}, {transform_indices = #map1}, {transform_indices = #map}]} {
    %mul3A = arith.constant 2 : i32
    %mul3A_0 = arith.muli %arg1, %mul3A : i32
    %add3A = arith.addi %mul3A_0, %arg0 : i32
    %mul3A_1 = arith.constant 1024 : i32
    %mul3A_2 = arith.muli %add3A, %mul3A_1 : i32
    %multiple_of3A = tpu.assume_multiple %mul3A_2, 1024 : i32
    "tpu.region"() ({
      %run_scoped3A = tpu.sem_alloc : memref<!tpu.dma_semaphore, #tpu.memory_space<semaphore_mem>>
      %dma_start3A = tpu.memref_slice %arg3[%multiple_of3A] : memref<32768xi32, #tpu.memory_space<hbm>> -> memref<1024xi32, #tpu.memory_space<hbm>>
      %dma_start3A_14 = tpu.memref_slice %arg3[%multiple_of3A] : memref<32768xi32, #tpu.memory_space<hbm>> -> memref<1024xi32, #tpu.memory_space<hbm>>
      tpu.enqueue_dma source(%dma_start3A_14 : memref<1024xi32, #tpu.memory_space<hbm>>) target(%arg5 : memref<1024xi32, #tpu.memory_space<vmem>>) target_semaphore(%run_scoped3A : memref<!tpu.dma_semaphore, #tpu.memory_space<semaphore_mem>>)
      %dma_wait3A = tpu.memref_slice %arg3[%multiple_of3A] : memref<32768xi32, #tpu.memory_space<hbm>> -> memref<1024xi32, #tpu.memory_space<hbm>>
      %dma_wait3A_15 = tpu.memref_slice %arg3[%multiple_of3A] : memref<32768xi32, #tpu.memory_space<hbm>> -> memref<1024xi32, #tpu.memory_space<hbm>>
      tpu.wait_dma2 semaphore(%run_scoped3A : memref<!tpu.dma_semaphore, #tpu.memory_space<semaphore_mem>>) src(%dma_wait3A_15 : memref<1024xi32, #tpu.memory_space<hbm>>) dst(%arg5 : memref<1024xi32, #tpu.memory_space<vmem>>)
      tpu.yield
    }) : () -> ()
    %iota3A = tpu.iota {dimensions = array<i32: 0>} : vector<16xi32>
    %scan3A = arith.constant 0 : i32
    %scan3A_3 = arith.constant 0 : i32
    %scan3A_4 = arith.constant 2 : i32
    %scan3A_5 = arith.addi %scan3A_3, %scan3A_4 : i32
    %scan3A_6 = arith.constant 1 : i32
    scf.for %scan3A_14 = %scan3A_3 to %scan3A_5 step %scan3A_6  : i32 {
      %mul3A_15 = arith.constant 16 : i32
      %mul3A_16 = arith.muli %scan3A_14, %mul3A_15 : i32
      %add3A_17 = arith.constant 0 : i32
      %add3A_18 = arith.addi %add3A_17, %mul3A_16 : i32
      %get3A = arith.index_cast %add3A_18 : i32 to index
      %get3A_19 = tpu.vector_load %arg5[%get3A] {strides = array<i32>} : memref<1024xi32, #tpu.memory_space<vmem>>, vector<16xi32>,
      %eq3A = arith.constant 0 : i32
      %eq3A_20 = vector.broadcast %eq3A : i32 to vector<16xi32>
      %eq3A_21 = arith.cmpi eq, %iota3A, %eq3A_20 : vector<16xi32>
      %jit3A = arith.constant 0 : i32
      %broadcast_in_dim3A = vector.broadcast %jit3A : i32 to vector<16xi32>
      %select_n3A = arith.select %eq3A_21, %get3A_19, %broadcast_in_dim3A : vector<16xi1>, vector<16xi32>
      %reduce_max3A = arith.constant true
      %reduce_max3A_22 = vector.broadcast %reduce_max3A : i1 to vector<16xi1>
      %reduce_max3A_23 = arith.constant -2147483648 : i32
      %reduce_max3A_24 = vector.broadcast %reduce_max3A_23 : i32 to vector<16xi32>
      %reduce_max3A_25 = arith.xori %select_n3A, %reduce_max3A_24 : vector<16xi32>
      %reduce_max3A_26 = tpu.scan <max>, %reduce_max3A_25 masked %reduce_max3A_22 : vector<16xi32>, vector<16xi1> -> vector<16xi32>
      %reduce_max3A_27 = arith.xori %reduce_max3A_26, %reduce_max3A_24 : vector<16xi32>
      %reduce_max3A_28 = vector.extract %reduce_max3A_27[15] : i32 from vector<16xi32>
      %shift_right_logical3A = arith.constant 3 : i32
      %shift_right_logical3A_29 = arith.shrui %reduce_max3A_28, %shift_right_logical3A : i32
      %shift_left3A = arith.constant 3 : i32
      %shift_left3A_30 = arith.shli %shift_right_logical3A_29, %shift_left3A : i32
      %multiple_of3A_31 = tpu.assume_multiple %shift_left3A_30, 8 : i32
      %mul3A_32 = arith.constant 16 : i32
      %mul3A_33 = arith.muli %scan3A_14, %mul3A_32 : i32
      %add3A_34 = arith.constant 0 : i32
      %add3A_35 = arith.addi %mul3A_33, %add3A_34 : i32
      %dma_start3A = arith.constant 0 : i32
      %dma_start3A_36 = arith.constant 0 : i32
      %dma_start3A_37 = arith.constant 0 : i32
      %dma_start3A_38 = tpu.memref_slice %arg6[%dma_start3A, %add3A_35, %dma_start3A_36, %dma_start3A_37] : memref<2x32x8x64xf32, #tpu.memory_space<vmem>> -> memref<1x1x8x64xf32, #tpu.memory_space<vmem>>
      %dma_start3A_39 = tpu.memref_squeeze %dma_start3A_38 : memref<1x1x8x64xf32, #tpu.memory_space<vmem>> -> memref<8x64xf32, #tpu.memory_space<vmem>>
      %dma_start3A_40 = arith.constant 0 : i32
      %dma_start3A_41 = tpu.memref_slice %arg2[%multiple_of3A_31, %dma_start3A_40] : memref<1000000x64xf32, #tpu.memory_space<hbm>> -> memref<8x64xf32, #tpu.memory_space<hbm>>
      %dma_start3A_42 = arith.constant 0 : i32
      %dma_start3A_43 = arith.constant 0 : i32
      %dma_start3A_44 = tpu.memref_slice %arg6[%dma_start3A, %add3A_35, %dma_start3A_42, %dma_start3A_43] : memref<2x32x8x64xf32, #tpu.memory_space<vmem>> -> memref<1x1x8x64xf32, #tpu.memory_space<vmem>>
      %dma_start3A_45 = tpu.memref_squeeze %dma_start3A_44 : memref<1x1x8x64xf32, #tpu.memory_space<vmem>> -> memref<8x64xf32, #tpu.memory_space<vmem>>
      %dma_start3A_46 = arith.constant 0 : i32
      %dma_start3A_47 = tpu.memref_slice %arg2[%multiple_of3A_31, %dma_start3A_46] : memref<1000000x64xf32, #tpu.memory_space<hbm>> -> memref<8x64xf32, #tpu.memory_space<hbm>>
      tpu.enqueue_dma source(%dma_start3A_47 : memref<8x64xf32, #tpu.memory_space<hbm>>) target(%dma_start3A_45 : memref<8x64xf32, #tpu.memory_space<vmem>>) target_semaphore(%arg8 : memref<!tpu.dma_semaphore, #tpu.memory_space<semaphore_mem>>)
      %eq3A_48 = arith.constant 1 : i32
      %eq3A_49 = vector.broadcast %eq3A_48 : i32 to vector<16xi32>
      %eq3A_50 = arith.cmpi eq, %iota3A, %eq3A_49 : vector<16xi32>
      %jit3A_51 = arith.constant 0 : i32
      %broadcast_in_dim3A_52 = vector.broadcast %jit3A_51 : i32 to vector<16xi32>
      %select_n3A_53 = arith.select %eq3A_50, %get3A_19, %broadcast_in_dim3A_52 : vector<16xi1>, vector<16xi32>
      %reduce_max3A_54 = arith.constant true
      %reduce_max3A_55 = vector.broadcast %reduce_max3A_54 : i1 to vector<16xi1>
      %reduce_max3A_56 = arith.constant -2147483648 : i32
      %reduce_max3A_57 = vector.broadcast %reduce_max3A_56 : i32 to vector<16xi32>
      %reduce_max3A_58 = arith.xori %select_n3A_53, %reduce_max3A_57 : vector<16xi32>
      %reduce_max3A_59 = tpu.scan <max>, %reduce_max3A_58 masked %reduce_max3A_55 : vector<16xi32>, vector<16xi1> -> vector<16xi32>
      %reduce_max3A_60 = arith.xori %reduce_max3A_59, %reduce_max3A_57 : vector<16xi32>
      %reduce_max3A_61 = vector.extract %reduce_max3A_60[15] : i32 from vector<16xi32>
      %shift_right_logical3A_62 = arith.constant 3 : i32
      %shift_right_logical3A_63 = arith.shrui %reduce_max3A_61, %shift_right_logical3A_62 : i32
      %shift_left3A_64 = arith.constant 3 : i32
      %shift_left3A_65 = arith.shli %shift_right_logical3A_63, %shift_left3A_64 : i32
      %multiple_of3A_66 = tpu.assume_multiple %shift_left3A_65, 8 : i32
      %mul3A_67 = arith.constant 16 : i32
      %mul3A_68 = arith.muli %scan3A_14, %mul3A_67 : i32
      %add3A_69 = arith.constant 1 : i32
      %add3A_70 = arith.addi %mul3A_68, %add3A_69 : i32
      %dma_start3A_71 = arith.constant 0 : i32
      %dma_start3A_72 = arith.constant 0 : i32
      %dma_start3A_73 = arith.constant 0 : i32
      %dma_start3A_74 = tpu.memref_slice %arg6[%dma_start3A_71, %add3A_70, %dma_start3A_72, %dma_start3A_73] : memref<2x32x8x64xf32, #tpu.memory_space<vmem>> -> memref<1x1x8x64xf32, #tpu.memory_space<vmem>>
      %dma_start3A_75 = tpu.memref_squeeze %dma_start3A_74 : memref<1x1x8x64xf32, #tpu.memory_space<vmem>> -> memref<8x64xf32, #tpu.memory_space<vmem>>
      %dma_start3A_76 = arith.constant 0 : i32
      %dma_start3A_77 = tpu.memref_slice %arg2[%multiple_of3A_66, %dma_start3A_76] : memref<1000000x64xf32, #tpu.memory_space<hbm>> -> memref<8x64xf32, #tpu.memory_space<hbm>>
      %dma_start3A_78 = arith.constant 0 : i32
      %dma_start3A_79 = arith.constant 0 : i32
      %dma_start3A_80 = tpu.memref_slice %arg6[%dma_start3A_71, %add3A_70, %dma_start3A_78, %dma_start3A_79] : memref<2x32x8x64xf32, #tpu.memory_space<vmem>> -> memref<1x1x8x64xf32, #tpu.memory_space<vmem>>
      %dma_start3A_81 = tpu.memref_squeeze %dma_start3A_80 : memref<1x1x8x64xf32, #tpu.memory_space<vmem>> -> memref<8x64xf32, #tpu.memory_space<vmem>>
      %dma_start3A_82 = arith.constant 0 : i32
      %dma_start3A_83 = tpu.memref_slice %arg2[%multiple_of3A_66, %dma_start3A_82] : memref<1000000x64xf32, #tpu.memory_space<hbm>> -> memref<8x64xf32, #tpu.memory_space<hbm>>
      tpu.enqueue_dma source(%dma_start3A_83 : memref<8x64xf32, #tpu.memory_space<hbm>>) target(%dma_start3A_81 : memref<8x64xf32, #tpu.memory_space<vmem>>) target_semaphore(%arg8 : memref<!tpu.dma_semaphore, #tpu.memory_space<semaphore_mem>>)
      %eq3A_84 = arith.constant 2 : i32
      %eq3A_85 = vector.broadcast %eq3A_84 : i32 to vector<16xi32>
      %eq3A_86 = arith.cmpi eq, %iota3A, %eq3A_85 : vector<16xi32>
      %jit3A_87 = arith.constant 0 : i32
      %broadcast_in_dim3A_88 = vector.broadcast %jit3A_87 : i32 to vector<16xi32>
      %select_n3A_89 = arith.select %eq3A_86, %get3A_19, %broadcast_in_dim3A_88 : vector<16xi1>, vector<16xi32>
      %reduce_max3A_90 = arith.constant true
      %reduce_max3A_91 = vector.broadcast %reduce_max3A_90 : i1 to vector<16xi1>
      %reduce_max3A_92 = arith.constant -2147483648 : i32
      %reduce_max3A_93 = vector.broadcast %reduce_max3A_92 : i32 to vector<16xi32>
      %reduce_max3A_94 = arith.xori %select_n3A_89, %reduce_max3A_93 : vector<16xi32>
      %reduce_max3A_95 = tpu.scan <max>, %reduce_max3A_94 masked %reduce_max3A_91 : vector<16xi32>, vector<16xi1> -> vector<16xi32>
      %reduce_max3A_96 = arith.xori %reduce_max3A_95, %reduce_max3A_93 : vector<16xi32>
      %reduce_max3A_97 = vector.extract %reduce_max3A_96[15] : i32 from vector<16xi32>
      %shift_right_logical3A_98 = arith.constant 3 : i32
      %shift_right_logical3A_99 = arith.shrui %reduce_max3A_97, %shift_right_logical3A_98 : i32
      %shift_left3A_100 = arith.constant 3 : i32
      %shift_left3A_101 = arith.shli %shift_right_logical3A_99, %shift_left3A_100 : i32
      %multiple_of3A_102 = tpu.assume_multiple %shift_left3A_101, 8 : i32
      %mul3A_103 = arith.constant 16 : i32
      %mul3A_104 = arith.muli %scan3A_14, %mul3A_103 : i32
      %add3A_105 = arith.constant 2 : i32
      %add3A_106 = arith.addi %mul3A_104, %add3A_105 : i32
      %dma_start3A_107 = arith.constant 0 : i32
      %dma_start3A_108 = arith.constant 0 : i32
      %dma_start3A_109 = arith.constant 0 : i32
      %dma_start3A_110 = tpu.memref_slice %arg6[%dma_start3A_107, %add3A_106, %dma_start3A_108, %dma_start3A_109] : memref<2x32x8x64xf32, #tpu.memory_space<vmem>> -> memref<1x1x8x64xf32, #tpu.memory_space<vmem>>
      %dma_start3A_111 = tpu.memref_squeeze %dma_start3A_110 : memref<1x1x8x64xf32, #tpu.memory_space<vmem>> -> memref<8x64xf32, #tpu.memory_space<vmem>>
      %dma_start3A_112 = arith.constant 0 : i32
      %dma_start3A_113 = tpu.memref_slice %arg2[%multiple_of3A_102, %dma_start3A_112] : memref<1000000x64xf32, #tpu.memory_space<hbm>> -> memref<8x64xf32, #tpu.memory_space<hbm>>
      %dma_start3A_114 = arith.constant 0 : i32
      %dma_start3A_115 = arith.constant 0 : i32
      %dma_start3A_116 = tpu.memref_slice %arg6[%dma_start3A_107, %add3A_106, %dma_start3A_114, %dma_start3A_115] : memref<2x32x8x64xf32, #tpu.memory_space<vmem>> -> memref<1x1x8x64xf32, #tpu.memory_space<vmem>>
      %dma_start3A_117 = tpu.memref_squeeze %dma_start3A_116 : memref<1x1x8x64xf32, #tpu.memory_space<vmem>> -> memref<8x64xf32, #tpu.memory_space<vmem>>
      %dma_start3A_118 = arith.constant 0 : i32
      %dma_start3A_119 = tpu.memref_slice %arg2[%multiple_of3A_102, %dma_start3A_118] : memref<1000000x64xf32, #tpu.memory_space<hbm>> -> memref<8x64xf32, #tpu.memory_space<hbm>>
      tpu.enqueue_dma source(%dma_start3A_119 : memref<8x64xf32, #tpu.memory_space<hbm>>) target(%dma_start3A_117 : memref<8x64xf32, #tpu.memory_space<vmem>>) target_semaphore(%arg8 : memref<!tpu.dma_semaphore, #tpu.memory_space<semaphore_mem>>)
      %eq3A_120 = arith.constant 3 : i32
      %eq3A_121 = vector.broadcast %eq3A_120 : i32 to vector<16xi32>
      %eq3A_122 = arith.cmpi eq, %iota3A, %eq3A_121 : vector<16xi32>
      %jit3A_123 = arith.constant 0 : i32
      %broadcast_in_dim3A_124 = vector.broadcast %jit3A_123 : i32 to vector<16xi32>
      %select_n3A_125 = arith.select %eq3A_122, %get3A_19, %broadcast_in_dim3A_124 : vector<16xi1>, vector<16xi32>
      %reduce_max3A_126 = arith.constant true
      %reduce_max3A_127 = vector.broadcast %reduce_max3A_126 : i1 to vector<16xi1>
      %reduce_max3A_128 = arith.constant -2147483648 : i32
      %reduce_max3A_129 = vector.broadcast %reduce_max3A_128 : i32 to vector<16xi32>
      %reduce_max3A_130 = arith.xori %select_n3A_125, %reduce_max3A_129 : vector<16xi32>
      %reduce_max3A_131 = tpu.scan <max>, %reduce_max3A_130 masked %reduce_max3A_127 : vector<16xi32>, vector<16xi1> -> vector<16xi32>
      %reduce_max3A_132 = arith.xori %reduce_max3A_131, %reduce_max3A_129 : vector<16xi32>
      %reduce_max3A_133 = vector.extract %reduce_max3A_132[15] : i32 from vector<16xi32>
      %shift_right_logical3A_134 = arith.constant 3 : i32
      %shift_right_logical3A_135 = arith.shrui %reduce_max3A_133, %shift_right_logical3A_134 : i32
      %shift_left3A_136 = arith.constant 3 : i32
      %shift_left3A_137 = arith.shli %shift_right_logical3A_135, %shift_left3A_136 : i32
      %multiple_of3A_138 = tpu.assume_multiple %shift_left3A_137, 8 : i32
      %mul3A_139 = arith.constant 16 : i32
      %mul3A_140 = arith.muli %scan3A_14, %mul3A_139 : i32
      %add3A_141 = arith.constant 3 : i32
      %add3A_142 = arith.addi %mul3A_140, %add3A_141 : i32
      %dma_start3A_143 = arith.constant 0 : i32
      %dma_start3A_144 = arith.constant 0 : i32
      %dma_start3A_145 = arith.constant 0 : i32
      %dma_start3A_146 = tpu.memref_slice %arg6[%dma_start3A_143, %add3A_142, %dma_start3A_144, %dma_start3A_145] : memref<2x32x8x64xf32, #tpu.memory_space<vmem>> -> memref<1x1x8x64xf32, #tpu.memory_space<vmem>>
      %dma_start3A_147 = tpu.memref_squeeze %dma_start3A_146 : memref<1x1x8x64xf32, #tpu.memory_space<vmem>> -> memref<8x64xf32, #tpu.memory_space<vmem>>
      %dma_start3A_148 = arith.constant 0 : i32
      %dma_start3A_149 = tpu.memref_slice %arg2[%multiple_of3A_138, %dma_start3A_148] : memref<1000000x64xf32, #tpu.memory_space<hbm>> -> memref<8x64xf32, #tpu.memory_space<hbm>>
      %dma_start3A_150 = arith.constant 0 : i32
      %dma_start3A_151 = arith.constant 0 : i32
      %dma_start3A_152 = tpu.memref_slice %arg6[%dma_start3A_143, %add3A_142, %dma_start3A_150, %dma_start3A_151] : memref<2x32x8x64xf32, #tpu.memory_space<vmem>> -> memref<1x1x8x64xf32, #tpu.memory_space<vmem>>
      %dma_start3A_153 = tpu.memref_squeeze %dma_start3A_152 : memref<1x1x8x64xf32, #tpu.memory_space<vmem>> -> memref<8x64xf32, #tpu.memory_space<vmem>>
      %dma_start3A_154 = arith.constant 0 : i32
      %dma_start3A_155 = tpu.memref_slice %arg2[%multiple_of3A_138, %dma_start3A_154] : memref<1000000x64xf32, #tpu.memory_space<hbm>> -> memref<8x64xf32, #tpu.memory_space<hbm>>
      tpu.enqueue_dma source(%dma_start3A_155 : memref<8x64xf32, #tpu.memory_space<hbm>>) target(%dma_start3A_153 : memref<8x64xf32, #tpu.memory_space<vmem>>) target_semaphore(%arg8 : memref<!tpu.dma_semaphore, #tpu.memory_space<semaphore_mem>>)
      %eq3A_156 = arith.constant 4 : i32
      %eq3A_157 = vector.broadcast %eq3A_156 : i32 to vector<16xi32>
      %eq3A_158 = arith.cmpi eq, %iota3A, %eq3A_157 : vector<16xi32>
      %jit3A_159 = arith.constant 0 : i32
      %broadcast_in_dim3A_160 = vector.broadcast %jit3A_159 : i32 to vector<16xi32>
      %select_n3A_161 = arith.select %eq3A_158, %get3A_19, %broadcast_in_dim3A_160 : vector<16xi1>, vector<16xi32>
      %reduce_max3A_162 = arith.constant true
      %reduce_max3A_163 = vector.broadcast %reduce_max3A_162 : i1 to vector<16xi1>
      %reduce_max3A_164 = arith.constant -2147483648 : i32
      %reduce_max3A_165 = vector.broadcast %reduce_max3A_164 : i32 to vector<16xi32>
      %reduce_max3A_166 = arith.xori %select_n3A_161, %reduce_max3A_165 : vector<16xi32>
      %reduce_max3A_167 = tpu.scan <max>, %reduce_max3A_166 masked %reduce_max3A_163 : vector<16xi32>, vector<16xi1> -> vector<16xi32>
      %reduce_max3A_168 = arith.xori %reduce_max3A_167, %reduce_max3A_165 : vector<16xi32>
      %reduce_max3A_169 = vector.extract %reduce_max3A_168[15] : i32 from vector<16xi32>
      %shift_right_logical3A_170 = arith.constant 3 : i32
      %shift_right_logical3A_171 = arith.shrui %reduce_max3A_169, %shift_right_logical3A_170 : i32
      %shift_left3A_172 = arith.constant 3 : i32
      %shift_left3A_173 = arith.shli %shift_right_logical3A_171, %shift_left3A_172 : i32
      %multiple_of3A_174 = tpu.assume_multiple %shift_left3A_173, 8 : i32
      %mul3A_175 = arith.constant 16 : i32
      %mul3A_176 = arith.muli %scan3A_14, %mul3A_175 : i32
      %add3A_177 = arith.constant 4 : i32
      %add3A_178 = arith.addi %mul3A_176, %add3A_177 : i32
      %dma_start3A_179 = arith.constant 0 : i32
      %dma_start3A_180 = arith.constant 0 : i32
      %dma_start3A_181 = arith.constant 0 : i32
      %dma_start3A_182 = tpu.memref_slice %arg6[%dma_start3A_179, %add3A_178, %dma_start3A_180, %dma_start3A_181] : memref<2x32x8x64xf32, #tpu.memory_space<vmem>> -> memref<1x1x8x64xf32, #tpu.memory_space<vmem>>
      %dma_start3A_183 = tpu.memref_squeeze %dma_start3A_182 : memref<1x1x8x64xf32, #tpu.memory_space<vmem>> -> memref<8x64xf32, #tpu.memory_space<vmem>>
      %dma_start3A_184 = arith.constant 0 : i32
      %dma_start3A_185 = tpu.memref_slice %arg2[%multiple_of3A_174, %dma_start3A_184] : memref<1000000x64xf32, #tpu.memory_space<hbm>> -> memref<8x64xf32, #tpu.memory_space<hbm>>
      %dma_start3A_186 = arith.constant 0 : i32
      %dma_start3A_187 = arith.constant 0 : i32
      %dma_start3A_188 = tpu.memref_slice %arg6[%dma_start3A_179, %add3A_178, %dma_start3A_186, %dma_start3A_187] : memref<2x32x8x64xf32, #tpu.memory_space<vmem>> -> memref<1x1x8x64xf32, #tpu.memory_space<vmem>>
      %dma_start3A_189 = tpu.memref_squeeze %dma_start3A_188 : memref<1x1x8x64xf32, #tpu.memory_space<vmem>> -> memref<8x64xf32, #tpu.memory_space<vmem>>
      %dma_start3A_190 = arith.constant 0 : i32
      %dma_start3A_191 = tpu.memref_slice %arg2[%multiple_of3A_174, %dma_start3A_190] : memref<1000000x64xf32, #tpu.memory_space<hbm>> -> memref<8x64xf32, #tpu.memory_space<hbm>>
      tpu.enqueue_dma source(%dma_start3A_191 : memref<8x64xf32, #tpu.memory_space<hbm>>) target(%dma_start3A_189 : memref<8x64xf32, #tpu.memory_space<vmem>>) target_semaphore(%arg8 : memref<!tpu.dma_semaphore, #tpu.memory_space<semaphore_mem>>)
      %eq3A_192 = arith.constant 5 : i32
      %eq3A_193 = vector.broadcast %eq3A_192 : i32 to vector<16xi32>
      %eq3A_194 = arith.cmpi eq, %iota3A, %eq3A_193 : vector<16xi32>
      %jit3A_195 = arith.constant 0 : i32
      %broadcast_in_dim3A_196 = vector.broadcast %jit3A_195 : i32 to vector<16xi32>
      %select_n3A_197 = arith.select %eq3A_194, %get3A_19, %broadcast_in_dim3A_196 : vector<16xi1>, vector<16xi32>
      %reduce_max3A_198 = arith.constant true
      %reduce_max3A_199 = vector.broadcast %reduce_max3A_198 : i1 to vector<16xi1>
      %reduce_max3A_200 = arith.constant -2147483648 : i32
      %reduce_max3A_201 = vector.broadcast %reduce_max3A_200 : i32 to vector<16xi32>
      %reduce_max3A_202 = arith.xori %select_n3A_197, %reduce_max3A_201 : vector<16xi32>
      %reduce_max3A_203 = tpu.scan <max>, %reduce_max3A_202 masked %reduce_max3A_199 : vector<16xi32>, vector<16xi1> -> vector<16xi32>
      %reduce_max3A_204 = arith.xori %reduce_max3A_203, %reduce_max3A_201 : vector<16xi32>
      %reduce_max3A_205 = vector.extract %reduce_max3A_204[15] : i32 from vector<16xi32>
      %shift_right_logical3A_206 = arith.constant 3 : i32
      %shift_right_logical3A_207 = arith.shrui %reduce_max3A_205, %shift_right_logical3A_206 : i32
      %shift_left3A_208 = arith.constant 3 : i32
      %shift_left3A_209 = arith.shli %shift_right_logical3A_207, %shift_left3A_208 : i32
      %multiple_of3A_210 = tpu.assume_multiple %shift_left3A_209, 8 : i32
      %mul3A_211 = arith.constant 16 : i32
      %mul3A_212 = arith.muli %scan3A_14, %mul3A_211 : i32
      %add3A_213 = arith.constant 5 : i32
      %add3A_214 = arith.addi %mul3A_212, %add3A_213 : i32
      %dma_start3A_215 = arith.constant 0 : i32
      %dma_start3A_216 = arith.constant 0 : i32
      %dma_start3A_217 = arith.constant 0 : i32
      %dma_start3A_218 = tpu.memref_slice %arg6[%dma_start3A_215, %add3A_214, %dma_start3A_216, %dma_start3A_217] : memref<2x32x8x64xf32, #tpu.memory_space<vmem>> -> memref<1x1x8x64xf32, #tpu.memory_space<vmem>>
      %dma_start3A_219 = tpu.memref_squeeze %dma_start3A_218 : memref<1x1x8x64xf32, #tpu.memory_space<vmem>> -> memref<8x64xf32, #tpu.memory_space<vmem>>
      %dma_start3A_220 = arith.constant 0 : i32
      %dma_start3A_221 = tpu.memref_slice %arg2[%multiple_of3A_210, %dma_start3A_220] : memref<1000000x64xf32, #tpu.memory_space<hbm>> -> memref<8x64xf32, #tpu.memory_space<hbm>>
      %dma_start3A_222 = arith.constant 0 : i32
      %dma_start3A_223 = arith.constant 0 : i32
      %dma_start3A_224 = tpu.memref_slice %arg6[%dma_start3A_215, %add3A_214, %dma_start3A_222, %dma_start3A_223] : memref<2x32x8x64xf32, #tpu.memory_space<vmem>> -> memref<1x1x8x64xf32, #tpu.memory_space<vmem>>
      %dma_start3A_225 = tpu.memref_squeeze %dma_start3A_224 : memref<1x1x8x64xf32, #tpu.memory_space<vmem>> -> memref<8x64xf32, #tpu.memory_space<vmem>>
      %dma_start3A_226 = arith.constant 0 : i32
      %dma_start3A_227 = tpu.memref_slice %arg2[%multiple_of3A_210, %dma_start3A_226] : memref<1000000x64xf32, #tpu.memory_space<hbm>> -> memref<8x64xf32, #tpu.memory_space<hbm>>
      tpu.enqueue_dma source(%dma_start3A_227 : memref<8x64xf32, #tpu.memory_space<hbm>>) target(%dma_start3A_225 : memref<8x64xf32, #tpu.memory_space<vmem>>) target_semaphore(%arg8 : memref<!tpu.dma_semaphore, #tpu.memory_space<semaphore_mem>>)
      %eq3A_228 = arith.constant 6 : i32
      %eq3A_229 = vector.broadcast %eq3A_228 : i32 to vector<16xi32>
      %eq3A_230 = arith.cmpi eq, %iota3A, %eq3A_229 : vector<16xi32>
      %jit3A_231 = arith.constant 0 : i32
      %broadcast_in_dim3A_232 = vector.broadcast %jit3A_231 : i32 to vector<16xi32>
      %select_n3A_233 = arith.select %eq3A_230, %get3A_19, %broadcast_in_dim3A_232 : vector<16xi1>, vector<16xi32>
      %reduce_max3A_234 = arith.constant true
      %reduce_max3A_235 = vector.broadcast %reduce_max3A_234 : i1 to vector<16xi1>
      %reduce_max3A_236 = arith.constant -2147483648 : i32
      %reduce_max3A_237 = vector.broadcast %reduce_max3A_236 : i32 to vector<16xi32>
      %reduce_max3A_238 = arith.xori %select_n3A_233, %reduce_max3A_237 : vector<16xi32>
      %reduce_max3A_239 = tpu.scan <max>, %reduce_max3A_238 masked %reduce_max3A_235 : vector<16xi32>, vector<16xi1> -> vector<16xi32>
      %reduce_max3A_240 = arith.xori %reduce_max3A_239, %reduce_max3A_237 : vector<16xi32>
      %reduce_max3A_241 = vector.extract %reduce_max3A_240[15] : i32 from vector<16xi32>
      %shift_right_logical3A_242 = arith.constant 3 : i32
      %shift_right_logical3A_243 = arith.shrui %reduce_max3A_241, %shift_right_logical3A_242 : i32
      %shift_left3A_244 = arith.constant 3 : i32
      %shift_left3A_245 = arith.shli %shift_right_logical3A_243, %shift_left3A_244 : i32
      %multiple_of3A_246 = tpu.assume_multiple %shift_left3A_245, 8 : i32
      %mul3A_247 = arith.constant 16 : i32
      %mul3A_248 = arith.muli %scan3A_14, %mul3A_247 : i32
      %add3A_249 = arith.constant 6 : i32
      %add3A_250 = arith.addi %mul3A_248, %add3A_249 : i32
      %dma_start3A_251 = arith.constant 0 : i32
      %dma_start3A_252 = arith.constant 0 : i32
      %dma_start3A_253 = arith.constant 0 : i32
      %dma_start3A_254 = tpu.memref_slice %arg6[%dma_start3A_251, %add3A_250, %dma_start3A_252, %dma_start3A_253] : memref<2x32x8x64xf32, #tpu.memory_space<vmem>> -> memref<1x1x8x64xf32, #tpu.memory_space<vmem>>
      %dma_start3A_255 = tpu.memref_squeeze %dma_start3A_254 : memref<1x1x8x64xf32, #tpu.memory_space<vmem>> -> memref<8x64xf32, #tpu.memory_space<vmem>>
      %dma_start3A_256 = arith.constant 0 : i32
      %dma_start3A_257 = tpu.memref_slice %arg2[%multiple_of3A_246, %dma_start3A_256] : memref<1000000x64xf32, #tpu.memory_space<hbm>> -> memref<8x64xf32, #tpu.memory_space<hbm>>
      %dma_start3A_258 = arith.constant 0 : i32
      %dma_start3A_259 = arith.constant 0 : i32
      %dma_start3A_260 = tpu.memref_slice %arg6[%dma_start3A_251, %add3A_250, %dma_start3A_258, %dma_start3A_259] : memref<2x32x8x64xf32, #tpu.memory_space<vmem>> -> memref<1x1x8x64xf32, #tpu.memory_space<vmem>>
      %dma_start3A_261 = tpu.memref_squeeze %dma_start3A_260 : memref<1x1x8x64xf32, #tpu.memory_space<vmem>> -> memref<8x64xf32, #tpu.memory_space<vmem>>
      %dma_start3A_262 = arith.constant 0 : i32
      %dma_start3A_263 = tpu.memref_slice %arg2[%multiple_of3A_246, %dma_start3A_262] : memref<1000000x64xf32, #tpu.memory_space<hbm>> -> memref<8x64xf32, #tpu.memory_space<hbm>>
      tpu.enqueue_dma source(%dma_start3A_263 : memref<8x64xf32, #tpu.memory_space<hbm>>) target(%dma_start3A_261 : memref<8x64xf32, #tpu.memory_space<vmem>>) target_semaphore(%arg8 : memref<!tpu.dma_semaphore, #tpu.memory_space<semaphore_mem>>)
      %eq3A_264 = arith.constant 7 : i32
      %eq3A_265 = vector.broadcast %eq3A_264 : i32 to vector<16xi32>
      %eq3A_266 = arith.cmpi eq, %iota3A, %eq3A_265 : vector<16xi32>
      %jit3A_267 = arith.constant 0 : i32
      %broadcast_in_dim3A_268 = vector.broadcast %jit3A_267 : i32 to vector<16xi32>
      %select_n3A_269 = arith.select %eq3A_266, %get3A_19, %broadcast_in_dim3A_268 : vector<16xi1>, vector<16xi32>
      %reduce_max3A_270 = arith.constant true
      %reduce_max3A_271 = vector.broadcast %reduce_max3A_270 : i1 to vector<16xi1>
      %reduce_max3A_272 = arith.constant -2147483648 : i32
      %reduce_max3A_273 = vector.broadcast %reduce_max3A_272 : i32 to vector<16xi32>
      %reduce_max3A_274 = arith.xori %select_n3A_269, %reduce_max3A_273 : vector<16xi32>
      %reduce_max3A_275 = tpu.scan <max>, %reduce_max3A_274 masked %reduce_max3A_271 : vector<16xi32>, vector<16xi1> -> vector<16xi32>
      %reduce_max3A_276 = arith.xori %reduce_max3A_275, %reduce_max3A_273 : vector<16xi32>
      %reduce_max3A_277 = vector.extract %reduce_max3A_276[15] : i32 from vector<16xi32>
      %shift_right_logical3A_278 = arith.constant 3 : i32
      %shift_right_logical3A_279 = arith.shrui %reduce_max3A_277, %shift_right_logical3A_278 : i32
      %shift_left3A_280 = arith.constant 3 : i32
      %shift_left3A_281 = arith.shli %shift_right_logical3A_279, %shift_left3A_280 : i32
      %multiple_of3A_282 = tpu.assume_multiple %shift_left3A_281, 8 : i32
      %mul3A_283 = arith.constant 16 : i32
      %mul3A_284 = arith.muli %scan3A_14, %mul3A_283 : i32
      %add3A_285 = arith.constant 7 : i32
      %add3A_286 = arith.addi %mul3A_284, %add3A_285 : i32
      %dma_start3A_287 = arith.constant 0 : i32
      %dma_start3A_288 = arith.constant 0 : i32
      %dma_start3A_289 = arith.constant 0 : i32
      %dma_start3A_290 = tpu.memref_slice %arg6[%dma_start3A_287, %add3A_286, %dma_start3A_288, %dma_start3A_289] : memref<2x32x8x64xf32, #tpu.memory_space<vmem>> -> memref<1x1x8x64xf32, #tpu.memory_space<vmem>>
      %dma_start3A_291 = tpu.memref_squeeze %dma_start3A_290 : memref<1x1x8x64xf32, #tpu.memory_space<vmem>> -> memref<8x64xf32, #tpu.memory_space<vmem>>
      %dma_start3A_292 = arith.constant 0 : i32
      %dma_start3A_293 = tpu.memref_slice %arg2[%multiple_of3A_282, %dma_start3A_292] : memref<1000000x64xf32, #tpu.memory_space<hbm>> -> memref<8x64xf32, #tpu.memory_space<hbm>>
      %dma_start3A_294 = arith.constant 0 : i32
      %dma_start3A_295 = arith.constant 0 : i32
      %dma_start3A_296 = tpu.memref_slice %arg6[%dma_start3A_287, %add3A_286, %dma_start3A_294, %dma_start3A_295] : memref<2x32x8x64xf32, #tpu.memory_space<vmem>> -> memref<1x1x8x64xf32, #tpu.memory_space<vmem>>
      %dma_start3A_297 = tpu.memref_squeeze %dma_start3A_296 : memref<1x1x8x64xf32, #tpu.memory_space<vmem>> -> memref<8x64xf32, #tpu.memory_space<vmem>>
      %dma_start3A_298 = arith.constant 0 : i32
      %dma_start3A_299 = tpu.memref_slice %arg2[%multiple_of3A_282, %dma_start3A_298] : memref<1000000x64xf32, #tpu.memory_space<hbm>> -> memref<8x64xf32, #tpu.memory_space<hbm>>
      tpu.enqueue_dma source(%dma_start3A_299 : memref<8x64xf32, #tpu.memory_space<hbm>>) target(%dma_start3A_297 : memref<8x64xf32, #tpu.memory_space<vmem>>) target_semaphore(%arg8 : memref<!tpu.dma_semaphore, #tpu.memory_space<semaphore_mem>>)
      %eq3A_300 = arith.constant 8 : i32
      %eq3A_301 = vector.broadcast %eq3A_300 : i32 to vector<16xi32>
      %eq3A_302 = arith.cmpi eq, %iota3A, %eq3A_301 : vector<16xi32>
      %jit3A_303 = arith.constant 0 : i32
      %broadcast_in_dim3A_304 = vector.broadcast %jit3A_303 : i32 to vector<16xi32>
      %select_n3A_305 = arith.select %eq3A_302, %get3A_19, %broadcast_in_dim3A_304 : vector<16xi1>, vector<16xi32>
      %reduce_max3A_306 = arith.constant true
      %reduce_max3A_307 = vector.broadcast %reduce_max3A_306 : i1 to vector<16xi1>
      %reduce_max3A_308 = arith.constant -2147483648 : i32
      %reduce_max3A_309 = vector.broadcast %reduce_max3A_308 : i32 to vector<16xi32>
      %reduce_max3A_310 = arith.xori %select_n3A_305, %reduce_max3A_309 : vector<16xi32>
      %reduce_max3A_311 = tpu.scan <max>, %reduce_max3A_310 masked %reduce_max3A_307 : vector<16xi32>, vector<16xi1> -> vector<16xi32>
      %reduce_max3A_312 = arith.xori %reduce_max3A_311, %reduce_max3A_309 : vector<16xi32>
      %reduce_max3A_313 = vector.extract %reduce_max3A_312[15] : i32 from vector<16xi32>
      %shift_right_logical3A_314 = arith.constant 3 : i32
      %shift_right_logical3A_315 = arith.shrui %reduce_max3A_313, %shift_right_logical3A_314 : i32
      %shift_left3A_316 = arith.constant 3 : i32
      %shift_left3A_317 = arith.shli %shift_right_logical3A_315, %shift_left3A_316 : i32
      %multiple_of3A_318 = tpu.assume_multiple %shift_left3A_317, 8 : i32
      %mul3A_319 = arith.constant 16 : i32
      %mul3A_320 = arith.muli %scan3A_14, %mul3A_319 : i32
      %add3A_321 = arith.constant 8 : i32
      %add3A_322 = arith.addi %mul3A_320, %add3A_321 : i32
      %dma_start3A_323 = arith.constant 0 : i32
      %dma_start3A_324 = arith.constant 0 : i32
      %dma_start3A_325 = arith.constant 0 : i32
      %dma_start3A_326 = tpu.memref_slice %arg6[%dma_start3A_323, %add3A_322, %dma_start3A_324, %dma_start3A_325] : memref<2x32x8x64xf32, #tpu.memory_space<vmem>> -> memref<1x1x8x64xf32, #tpu.memory_space<vmem>>
      %dma_start3A_327 = tpu.memref_squeeze %dma_start3A_326 : memref<1x1x8x64xf32, #tpu.memory_space<vmem>> -> memref<8x64xf32, #tpu.memory_space<vmem>>
      %dma_start3A_328 = arith.constant 0 : i32
      %dma_start3A_329 = tpu.memref_slice %arg2[%multiple_of3A_318, %dma_start3A_328] : memref<1000000x64xf32, #tpu.memory_space<hbm>> -> memref<8x64xf32, #tpu.memory_space<hbm>>
      %dma_start3A_330 = arith.constant 0 : i32
      %dma_start3A_331 = arith.constant 0 : i32
      %dma_start3A_332 = tpu.memref_slice %arg6[%dma_start3A_323, %add3A_322, %dma_start3A_330, %dma_start3A_331] : memref<2x32x8x64xf32, #tpu.memory_space<vmem>> -> memref<1x1x8x64xf32, #tpu.memory_space<vmem>>
      %dma_start3A_333 = tpu.memref_squeeze %dma_start3A_332 : memref<1x1x8x64xf32, #tpu.memory_space<vmem>> -> memref<8x64xf32, #tpu.memory_space<vmem>>
      %dma_start3A_334 = arith.constant 0 : i32
      %dma_start3A_335 = tpu.memref_slice %arg2[%multiple_of3A_318, %dma_start3A_334] : memref<1000000x64xf32, #tpu.memory_space<hbm>> -> memref<8x64xf32, #tpu.memory_space<hbm>>
      tpu.enqueue_dma source(%dma_start3A_335 : memref<8x64xf32, #tpu.memory_space<hbm>>) target(%dma_start3A_333 : memref<8x64xf32, #tpu.memory_space<vmem>>) target_semaphore(%arg8 : memref<!tpu.dma_semaphore, #tpu.memory_space<semaphore_mem>>)
      %eq3A_336 = arith.constant 9 : i32
      %eq3A_337 = vector.broadcast %eq3A_336 : i32 to vector<16xi32>
      %eq3A_338 = arith.cmpi eq, %iota3A, %eq3A_337 : vector<16xi32>
      %jit3A_339 = arith.constant 0 : i32
      %broadcast_in_dim3A_340 = vector.broadcast %jit3A_339 : i32 to vector<16xi32>
      %select_n3A_341 = arith.select %eq3A_338, %get3A_19, %broadcast_in_dim3A_340 : vector<16xi1>, vector<16xi32>
      %reduce_max3A_342 = arith.constant true
      %reduce_max3A_343 = vector.broadcast %reduce_max3A_342 : i1 to vector<16xi1>
      %reduce_max3A_344 = arith.constant -2147483648 : i32
      %reduce_max3A_345 = vector.broadcast %reduce_max3A_344 : i32 to vector<16xi32>
      %reduce_max3A_346 = arith.xori %select_n3A_341, %reduce_max3A_345 : vector<16xi32>
      %reduce_max3A_347 = tpu.scan <max>, %reduce_max3A_346 masked %reduce_max3A_343 : vector<16xi32>, vector<16xi1> -> vector<16xi32>
      %reduce_max3A_348 = arith.xori %reduce_max3A_347, %reduce_max3A_345 : vector<16xi32>
      %reduce_max3A_349 = vector.extract %reduce_max3A_348[15] : i32 from vector<16xi32>
      %shift_right_logical3A_350 = arith.constant 3 : i32
      %shift_right_logical3A_351 = arith.shrui %reduce_max3A_349, %shift_right_logical3A_350 : i32
      %shift_left3A_352 = arith.constant 3 : i32
      %shift_left3A_353 = arith.shli %shift_right_logical3A_351, %shift_left3A_352 : i32
      %multiple_of3A_354 = tpu.assume_multiple %shift_left3A_353, 8 : i32
      %mul3A_355 = arith.constant 16 : i32
      %mul3A_356 = arith.muli %scan3A_14, %mul3A_355 : i32
      %add3A_357 = arith.constant 9 : i32
      %add3A_358 = arith.addi %mul3A_356, %add3A_357 : i32
      %dma_start3A_359 = arith.constant 0 : i32
      %dma_start3A_360 = arith.constant 0 : i32
      %dma_start3A_361 = arith.constant 0 : i32
      %dma_start3A_362 = tpu.memref_slice %arg6[%dma_start3A_359, %add3A_358, %dma_start3A_360, %dma_start3A_361] : memref<2x32x8x64xf32, #tpu.memory_space<vmem>> -> memref<1x1x8x64xf32, #tpu.memory_space<vmem>>
      %dma_start3A_363 = tpu.memref_squeeze %dma_start3A_362 : memref<1x1x8x64xf32, #tpu.memory_space<vmem>> -> memref<8x64xf32, #tpu.memory_space<vmem>>
      %dma_start3A_364 = arith.constant 0 : i32
      %dma_start3A_365 = tpu.memref_slice %arg2[%multiple_of3A_354, %dma_start3A_364] : memref<1000000x64xf32, #tpu.memory_space<hbm>> -> memref<8x64xf32, #tpu.memory_space<hbm>>
      %dma_start3A_366 = arith.constant 0 : i32
      %dma_start3A_367 = arith.constant 0 : i32
      %dma_start3A_368 = tpu.memref_slice %arg6[%dma_start3A_359, %add3A_358, %dma_start3A_366, %dma_start3A_367] : memref<2x32x8x64xf32, #tpu.memory_space<vmem>> -> memref<1x1x8x64xf32, #tpu.memory_space<vmem>>
      %dma_start3A_369 = tpu.memref_squeeze %dma_start3A_368 : memref<1x1x8x64xf32, #tpu.memory_space<vmem>> -> memref<8x64xf32, #tpu.memory_space<vmem>>
      %dma_start3A_370 = arith.constant 0 : i32
      %dma_start3A_371 = tpu.memref_slice %arg2[%multiple_of3A_354, %dma_start3A_370] : memref<1000000x64xf32, #tpu.memory_space<hbm>> -> memref<8x64xf32, #tpu.memory_space<hbm>>
      tpu.enqueue_dma source(%dma_start3A_371 : memref<8x64xf32, #tpu.memory_space<hbm>>) target(%dma_start3A_369 : memref<8x64xf32, #tpu.memory_space<vmem>>) target_semaphore(%arg8 : memref<!tpu.dma_semaphore, #tpu.memory_space<semaphore_mem>>)
      %eq3A_372 = arith.constant 10 : i32
      %eq3A_373 = vector.broadcast %eq3A_372 : i32 to vector<16xi32>
      %eq3A_374 = arith.cmpi eq, %iota3A, %eq3A_373 : vector<16xi32>
      %jit3A_375 = arith.constant 0 : i32
      %broadcast_in_dim3A_376 = vector.broadcast %jit3A_375 : i32 to vector<16xi32>
      %select_n3A_377 = arith.select %eq3A_374, %get3A_19, %broadcast_in_dim3A_376 : vector<16xi1>, vector<16xi32>
      %reduce_max3A_378 = arith.constant true
      %reduce_max3A_379 = vector.broadcast %reduce_max3A_378 : i1 to vector<16xi1>
      %reduce_max3A_380 = arith.constant -2147483648 : i32
      %reduce_max3A_381 = vector.broadcast %reduce_max3A_380 : i32 to vector<16xi32>
      %reduce_max3A_382 = arith.xori %select_n3A_377, %reduce_max3A_381 : vector<16xi32>
      %reduce_max3A_383 = tpu.scan <max>, %reduce_max3A_382 masked %reduce_max3A_379 : vector<16xi32>, vector<16xi1> -> vector<16xi32>
      %reduce_max3A_384 = arith.xori %reduce_max3A_383, %reduce_max3A_381 : vector<16xi32>
      %reduce_max3A_385 = vector.extract %reduce_max3A_384[15] : i32 from vector<16xi32>
      %shift_right_logical3A_386 = arith.constant 3 : i32
      %shift_right_logical3A_387 = arith.shrui %reduce_max3A_385, %shift_right_logical3A_386 : i32
      %shift_left3A_388 = arith.constant 3 : i32
      %shift_left3A_389 = arith.shli %shift_right_logical3A_387, %shift_left3A_388 : i32
      %multiple_of3A_390 = tpu.assume_multiple %shift_left3A_389, 8 : i32
      %mul3A_391 = arith.constant 16 : i32
      %mul3A_392 = arith.muli %scan3A_14, %mul3A_391 : i32
      %add3A_393 = arith.constant 10 : i32
      %add3A_394 = arith.addi %mul3A_392, %add3A_393 : i32
      %dma_start3A_395 = arith.constant 0 : i32
      %dma_start3A_396 = arith.constant 0 : i32
      %dma_start3A_397 = arith.constant 0 : i32
      %dma_start3A_398 = tpu.memref_slice %arg6[%dma_start3A_395, %add3A_394, %dma_start3A_396, %dma_start3A_397] : memref<2x32x8x64xf32, #tpu.memory_space<vmem>> -> memref<1x1x8x64xf32, #tpu.memory_space<vmem>>
      %dma_start3A_399 = tpu.memref_squeeze %dma_start3A_398 : memref<1x1x8x64xf32, #tpu.memory_space<vmem>> -> memref<8x64xf32, #tpu.memory_space<vmem>>
      %dma_start3A_400 = arith.constant 0 : i32
      %dma_start3A_401 = tpu.memref_slice %arg2[%multiple_of3A_390, %dma_start3A_400] : memref<1000000x64xf32, #tpu.memory_space<hbm>> -> memref<8x64xf32, #tpu.memory_space<hbm>>
      %dma_start3A_402 = arith.constant 0 : i32
      %dma_start3A_403 = arith.constant 0 : i32
      %dma_start3A_404 = tpu.memref_slice %arg6[%dma_start3A_395, %add3A_394, %dma_start3A_402, %dma_start3A_403] : memref<2x32x8x64xf32, #tpu.memory_space<vmem>> -> memref<1x1x8x64xf32, #tpu.memory_space<vmem>>
      %dma_start3A_405 = tpu.memref_squeeze %dma_start3A_404 : memref<1x1x8x64xf32, #tpu.memory_space<vmem>> -> memref<8x64xf32, #tpu.memory_space<vmem>>
      %dma_start3A_406 = arith.constant 0 : i32
      %dma_start3A_407 = tpu.memref_slice %arg2[%multiple_of3A_390, %dma_start3A_406] : memref<1000000x64xf32, #tpu.memory_space<hbm>> -> memref<8x64xf32, #tpu.memory_space<hbm>>
      tpu.enqueue_dma source(%dma_start3A_407 : memref<8x64xf32, #tpu.memory_space<hbm>>) target(%dma_start3A_405 : memref<8x64xf32, #tpu.memory_space<vmem>>) target_semaphore(%arg8 : memref<!tpu.dma_semaphore, #tpu.memory_space<semaphore_mem>>)
      %eq3A_408 = arith.constant 11 : i32
      %eq3A_409 = vector.broadcast %eq3A_408 : i32 to vector<16xi32>
      %eq3A_410 = arith.cmpi eq, %iota3A, %eq3A_409 : vector<16xi32>
      %jit3A_411 = arith.constant 0 : i32
      %broadcast_in_dim3A_412 = vector.broadcast %jit3A_411 : i32 to vector<16xi32>
      %select_n3A_413 = arith.select %eq3A_410, %get3A_19, %broadcast_in_dim3A_412 : vector<16xi1>, vector<16xi32>
      %reduce_max3A_414 = arith.constant true
      %reduce_max3A_415 = vector.broadcast %reduce_max3A_414 : i1 to vector<16xi1>
      %reduce_max3A_416 = arith.constant -2147483648 : i32
      %reduce_max3A_417 = vector.broadcast %reduce_max3A_416 : i32 to vector<16xi32>
      %reduce_max3A_418 = arith.xori %select_n3A_413, %reduce_max3A_417 : vector<16xi32>
      %reduce_max3A_419 = tpu.scan <max>, %reduce_max3A_418 masked %reduce_max3A_415 : vector<16xi32>, vector<16xi1> -> vector<16xi32>
      %reduce_max3A_420 = arith.xori %reduce_max3A_419, %reduce_max3A_417 : vector<16xi32>
      %reduce_max3A_421 = vector.extract %reduce_max3A_420[15] : i32 from vector<16xi32>
      %shift_right_logical3A_422 = arith.constant 3 : i32
      %shift_right_logical3A_423 = arith.shrui %reduce_max3A_421, %shift_right_logical3A_422 : i32
      %shift_left3A_424 = arith.constant 3 : i32
      %shift_left3A_425 = arith.shli %shift_right_logical3A_423, %shift_left3A_424 : i32
      %multiple_of3A_426 = tpu.assume_multiple %shift_left3A_425, 8 : i32
      %mul3A_427 = arith.constant 16 : i32
      %mul3A_428 = arith.muli %scan3A_14, %mul3A_427 : i32
      %add3A_429 = arith.constant 11 : i32
      %add3A_430 = arith.addi %mul3A_428, %add3A_429 : i32
      %dma_start3A_431 = arith.constant 0 : i32
      %dma_start3A_432 = arith.constant 0 : i32
      %dma_start3A_433 = arith.constant 0 : i32
      %dma_start3A_434 = tpu.memref_slice %arg6[%dma_start3A_431, %add3A_430, %dma_start3A_432, %dma_start3A_433] : memref<2x32x8x64xf32, #tpu.memory_space<vmem>> -> memref<1x1x8x64xf32, #tpu.memory_space<vmem>>
      %dma_start3A_435 = tpu.memref_squeeze %dma_start3A_434 : memref<1x1x8x64xf32, #tpu.memory_space<vmem>> -> memref<8x64xf32, #tpu.memory_space<vmem>>
      %dma_start3A_436 = arith.constant 0 : i32
      %dma_start3A_437 = tpu.memref_slice %arg2[%multiple_of3A_426, %dma_start3A_436] : memref<1000000x64xf32, #tpu.memory_space<hbm>> -> memref<8x64xf32, #tpu.memory_space<hbm>>
      %dma_start3A_438 = arith.constant 0 : i32
      %dma_start3A_439 = arith.constant 0 : i32
      %dma_start3A_440 = tpu.memref_slice %arg6[%dma_start3A_431, %add3A_430, %dma_start3A_438, %dma_start3A_439] : memref<2x32x8x64xf32, #tpu.memory_space<vmem>> -> memref<1x1x8x64xf32, #tpu.memory_space<vmem>>
      %dma_start3A_441 = tpu.memref_squeeze %dma_start3A_440 : memref<1x1x8x64xf32, #tpu.memory_space<vmem>> -> memref<8x64xf32, #tpu.memory_space<vmem>>
      %dma_start3A_442 = arith.constant 0 : i32
      %dma_start3A_443 = tpu.memref_slice %arg2[%multiple_of3A_426, %dma_start3A_442] : memref<1000000x64xf32, #tpu.memory_space<hbm>> -> memref<8x64xf32, #tpu.memory_space<hbm>>
      tpu.enqueue_dma source(%dma_start3A_443 : memref<8x64xf32, #tpu.memory_space<hbm>>) target(%dma_start3A_441 : memref<8x64xf32, #tpu.memory_space<vmem>>) target_semaphore(%arg8 : memref<!tpu.dma_semaphore, #tpu.memory_space<semaphore_mem>>)
      %eq3A_444 = arith.constant 12 : i32
      %eq3A_445 = vector.broadcast %eq3A_444 : i32 to vector<16xi32>
      %eq3A_446 = arith.cmpi eq, %iota3A, %eq3A_445 : vector<16xi32>
      %jit3A_447 = arith.constant 0 : i32
      %broadcast_in_dim3A_448 = vector.broadcast %jit3A_447 : i32 to vector<16xi32>
      %select_n3A_449 = arith.select %eq3A_446, %get3A_19, %broadcast_in_dim3A_448 : vector<16xi1>, vector<16xi32>
      %reduce_max3A_450 = arith.constant true
      %reduce_max3A_451 = vector.broadcast %reduce_max3A_450 : i1 to vector<16xi1>
      %reduce_max3A_452 = arith.constant -2147483648 : i32
      %reduce_max3A_453 = vector.broadcast %reduce_max3A_452 : i32 to vector<16xi32>
      %reduce_max3A_454 = arith.xori %select_n3A_449, %reduce_max3A_453 : vector<16xi32>
      %reduce_max3A_455 = tpu.scan <max>, %reduce_max3A_454 masked %reduce_max3A_451 : vector<16xi32>, vector<16xi1> -> vector<16xi32>
      %reduce_max3A_456 = arith.xori %reduce_max3A_455, %reduce_max3A_453 : vector<16xi32>
      %reduce_max3A_457 = vector.extract %reduce_max3A_456[15] : i32 from vector<16xi32>
      %shift_right_logical3A_458 = arith.constant 3 : i32
      %shift_right_logical3A_459 = arith.shrui %reduce_max3A_457, %shift_right_logical3A_458 : i32
      %shift_left3A_460 = arith.constant 3 : i32
      %shift_left3A_461 = arith.shli %shift_right_logical3A_459, %shift_left3A_460 : i32
      %multiple_of3A_462 = tpu.assume_multiple %shift_left3A_461, 8 : i32
      %mul3A_463 = arith.constant 16 : i32
      %mul3A_464 = arith.muli %scan3A_14, %mul3A_463 : i32
      %add3A_465 = arith.constant 12 : i32
      %add3A_466 = arith.addi %mul3A_464, %add3A_465 : i32
      %dma_start3A_467 = arith.constant 0 : i32
      %dma_start3A_468 = arith.constant 0 : i32
      %dma_start3A_469 = arith.constant 0 : i32
      %dma_start3A_470 = tpu.memref_slice %arg6[%dma_start3A_467, %add3A_466, %dma_start3A_468, %dma_start3A_469] : memref<2x32x8x64xf32, #tpu.memory_space<vmem>> -> memref<1x1x8x64xf32, #tpu.memory_space<vmem>>
      %dma_start3A_471 = tpu.memref_squeeze %dma_start3A_470 : memref<1x1x8x64xf32, #tpu.memory_space<vmem>> -> memref<8x64xf32, #tpu.memory_space<vmem>>
      %dma_start3A_472 = arith.constant 0 : i32
      %dma_start3A_473 = tpu.memref_slice %arg2[%multiple_of3A_462, %dma_start3A_472] : memref<1000000x64xf32, #tpu.memory_space<hbm>> -> memref<8x64xf32, #tpu.memory_space<hbm>>
      %dma_start3A_474 = arith.constant 0 : i32
      %dma_start3A_475 = arith.constant 0 : i32
      %dma_start3A_476 = tpu.memref_slice %arg6[%dma_start3A_467, %add3A_466, %dma_start3A_474, %dma_start3A_475] : memref<2x32x8x64xf32, #tpu.memory_space<vmem>> -> memref<1x1x8x64xf32, #tpu.memory_space<vmem>>
      %dma_start3A_477 = tpu.memref_squeeze %dma_start3A_476 : memref<1x1x8x64xf32, #tpu.memory_space<vmem>> -> memref<8x64xf32, #tpu.memory_space<vmem>>
      %dma_start3A_478 = arith.constant 0 : i32
      %dma_start3A_479 = tpu.memref_slice %arg2[%multiple_of3A_462, %dma_start3A_478] : memref<1000000x64xf32, #tpu.memory_space<hbm>> -> memref<8x64xf32, #tpu.memory_space<hbm>>
      tpu.enqueue_dma source(%dma_start3A_479 : memref<8x64xf32, #tpu.memory_space<hbm>>) target(%dma_start3A_477 : memref<8x64xf32, #tpu.memory_space<vmem>>) target_semaphore(%arg8 : memref<!tpu.dma_semaphore, #tpu.memory_space<semaphore_mem>>)
      %eq3A_480 = arith.constant 13 : i32
      %eq3A_481 = vector.broadcast %eq3A_480 : i32 to vector<16xi32>
      %eq3A_482 = arith.cmpi eq, %iota3A, %eq3A_481 : vector<16xi32>
      %jit3A_483 = arith.constant 0 : i32
      %broadcast_in_dim3A_484 = vector.broadcast %jit3A_483 : i32 to vector<16xi32>
      %select_n3A_485 = arith.select %eq3A_482, %get3A_19, %broadcast_in_dim3A_484 : vector<16xi1>, vector<16xi32>
      %reduce_max3A_486 = arith.constant true
      %reduce_max3A_487 = vector.broadcast %reduce_max3A_486 : i1 to vector<16xi1>
      %reduce_max3A_488 = arith.constant -2147483648 : i32
      %reduce_max3A_489 = vector.broadcast %reduce_max3A_488 : i32 to vector<16xi32>
      %reduce_max3A_490 = arith.xori %select_n3A_485, %reduce_max3A_489 : vector<16xi32>
      %reduce_max3A_491 = tpu.scan <max>, %reduce_max3A_490 masked %reduce_max3A_487 : vector<16xi32>, vector<16xi1> -> vector<16xi32>
      %reduce_max3A_492 = arith.xori %reduce_max3A_491, %reduce_max3A_489 : vector<16xi32>
      %reduce_max3A_493 = vector.extract %reduce_max3A_492[15] : i32 from vector<16xi32>
      %shift_right_logical3A_494 = arith.constant 3 : i32
      %shift_right_logical3A_495 = arith.shrui %reduce_max3A_493, %shift_right_logical3A_494 : i32
      %shift_left3A_496 = arith.constant 3 : i32
      %shift_left3A_497 = arith.shli %shift_right_logical3A_495, %shift_left3A_496 : i32
      %multiple_of3A_498 = tpu.assume_multiple %shift_left3A_497, 8 : i32
      %mul3A_499 = arith.constant 16 : i32
      %mul3A_500 = arith.muli %scan3A_14, %mul3A_499 : i32
      %add3A_501 = arith.constant 13 : i32
      %add3A_502 = arith.addi %mul3A_500, %add3A_501 : i32
      %dma_start3A_503 = arith.constant 0 : i32
      %dma_start3A_504 = arith.constant 0 : i32
      %dma_start3A_505 = arith.constant 0 : i32
      %dma_start3A_506 = tpu.memref_slice %arg6[%dma_start3A_503, %add3A_502, %dma_start3A_504, %dma_start3A_505] : memref<2x32x8x64xf32, #tpu.memory_space<vmem>> -> memref<1x1x8x64xf32, #tpu.memory_space<vmem>>
      %dma_start3A_507 = tpu.memref_squeeze %dma_start3A_506 : memref<1x1x8x64xf32, #tpu.memory_space<vmem>> -> memref<8x64xf32, #tpu.memory_space<vmem>>
      %dma_start3A_508 = arith.constant 0 : i32
      %dma_start3A_509 = tpu.memref_slice %arg2[%multiple_of3A_498, %dma_start3A_508] : memref<1000000x64xf32, #tpu.memory_space<hbm>> -> memref<8x64xf32, #tpu.memory_space<hbm>>
      %dma_start3A_510 = arith.constant 0 : i32
      %dma_start3A_511 = arith.constant 0 : i32
      %dma_start3A_512 = tpu.memref_slice %arg6[%dma_start3A_503, %add3A_502, %dma_start3A_510, %dma_start3A_511] : memref<2x32x8x64xf32, #tpu.memory_space<vmem>> -> memref<1x1x8x64xf32, #tpu.memory_space<vmem>>
      %dma_start3A_513 = tpu.memref_squeeze %dma_start3A_512 : memref<1x1x8x64xf32, #tpu.memory_space<vmem>> -> memref<8x64xf32, #tpu.memory_space<vmem>>
      %dma_start3A_514 = arith.constant 0 : i32
      %dma_start3A_515 = tpu.memref_slice %arg2[%multiple_of3A_498, %dma_start3A_514] : memref<1000000x64xf32, #tpu.memory_space<hbm>> -> memref<8x64xf32, #tpu.memory_space<hbm>>
      tpu.enqueue_dma source(%dma_start3A_515 : memref<8x64xf32, #tpu.memory_space<hbm>>) target(%dma_start3A_513 : memref<8x64xf32, #tpu.memory_space<vmem>>) target_semaphore(%arg8 : memref<!tpu.dma_semaphore, #tpu.memory_space<semaphore_mem>>)
      %eq3A_516 = arith.constant 14 : i32
      %eq3A_517 = vector.broadcast %eq3A_516 : i32 to vector<16xi32>
      %eq3A_518 = arith.cmpi eq, %iota3A, %eq3A_517 : vector<16xi32>
      %jit3A_519 = arith.constant 0 : i32
      %broadcast_in_dim3A_520 = vector.broadcast %jit3A_519 : i32 to vector<16xi32>
      %select_n3A_521 = arith.select %eq3A_518, %get3A_19, %broadcast_in_dim3A_520 : vector<16xi1>, vector<16xi32>
      %reduce_max3A_522 = arith.constant true
      %reduce_max3A_523 = vector.broadcast %reduce_max3A_522 : i1 to vector<16xi1>
      %reduce_max3A_524 = arith.constant -2147483648 : i32
      %reduce_max3A_525 = vector.broadcast %reduce_max3A_524 : i32 to vector<16xi32>
      %reduce_max3A_526 = arith.xori %select_n3A_521, %reduce_max3A_525 : vector<16xi32>
      %reduce_max3A_527 = tpu.scan <max>, %reduce_max3A_526 masked %reduce_max3A_523 : vector<16xi32>, vector<16xi1> -> vector<16xi32>
      %reduce_max3A_528 = arith.xori %reduce_max3A_527, %reduce_max3A_525 : vector<16xi32>
      %reduce_max3A_529 = vector.extract %reduce_max3A_528[15] : i32 from vector<16xi32>
      %shift_right_logical3A_530 = arith.constant 3 : i32
      %shift_right_logical3A_531 = arith.shrui %reduce_max3A_529, %shift_right_logical3A_530 : i32
      %shift_left3A_532 = arith.constant 3 : i32
      %shift_left3A_533 = arith.shli %shift_right_logical3A_531, %shift_left3A_532 : i32
      %multiple_of3A_534 = tpu.assume_multiple %shift_left3A_533, 8 : i32
      %mul3A_535 = arith.constant 16 : i32
      %mul3A_536 = arith.muli %scan3A_14, %mul3A_535 : i32
      %add3A_537 = arith.constant 14 : i32
      %add3A_538 = arith.addi %mul3A_536, %add3A_537 : i32
      %dma_start3A_539 = arith.constant 0 : i32
      %dma_start3A_540 = arith.constant 0 : i32
      %dma_start3A_541 = arith.constant 0 : i32
      %dma_start3A_542 = tpu.memref_slice %arg6[%dma_start3A_539, %add3A_538, %dma_start3A_540, %dma_start3A_541] : memref<2x32x8x64xf32, #tpu.memory_space<vmem>> -> memref<1x1x8x64xf32, #tpu.memory_space<vmem>>
      %dma_start3A_543 = tpu.memref_squeeze %dma_start3A_542 : memref<1x1x8x64xf32, #tpu.memory_space<vmem>> -> memref<8x64xf32, #tpu.memory_space<vmem>>
      %dma_start3A_544 = arith.constant 0 : i32
      %dma_start3A_545 = tpu.memref_slice %arg2[%multiple_of3A_534, %dma_start3A_544] : memref<1000000x64xf32, #tpu.memory_space<hbm>> -> memref<8x64xf32, #tpu.memory_space<hbm>>
      %dma_start3A_546 = arith.constant 0 : i32
      %dma_start3A_547 = arith.constant 0 : i32
      %dma_start3A_548 = tpu.memref_slice %arg6[%dma_start3A_539, %add3A_538, %dma_start3A_546, %dma_start3A_547] : memref<2x32x8x64xf32, #tpu.memory_space<vmem>> -> memref<1x1x8x64xf32, #tpu.memory_space<vmem>>
      %dma_start3A_549 = tpu.memref_squeeze %dma_start3A_548 : memref<1x1x8x64xf32, #tpu.memory_space<vmem>> -> memref<8x64xf32, #tpu.memory_space<vmem>>
      %dma_start3A_550 = arith.constant 0 : i32
      %dma_start3A_551 = tpu.memref_slice %arg2[%multiple_of3A_534, %dma_start3A_550] : memref<1000000x64xf32, #tpu.memory_space<hbm>> -> memref<8x64xf32, #tpu.memory_space<hbm>>
      tpu.enqueue_dma source(%dma_start3A_551 : memref<8x64xf32, #tpu.memory_space<hbm>>) target(%dma_start3A_549 : memref<8x64xf32, #tpu.memory_space<vmem>>) target_semaphore(%arg8 : memref<!tpu.dma_semaphore, #tpu.memory_space<semaphore_mem>>)
      %eq3A_552 = arith.constant 15 : i32
      %eq3A_553 = vector.broadcast %eq3A_552 : i32 to vector<16xi32>
      %eq3A_554 = arith.cmpi eq, %iota3A, %eq3A_553 : vector<16xi32>
      %jit3A_555 = arith.constant 0 : i32
      %broadcast_in_dim3A_556 = vector.broadcast %jit3A_555 : i32 to vector<16xi32>
      %select_n3A_557 = arith.select %eq3A_554, %get3A_19, %broadcast_in_dim3A_556 : vector<16xi1>, vector<16xi32>
      %reduce_max3A_558 = arith.constant true
      %reduce_max3A_559 = vector.broadcast %reduce_max3A_558 : i1 to vector<16xi1>
      %reduce_max3A_560 = arith.constant -2147483648 : i32
      %reduce_max3A_561 = vector.broadcast %reduce_max3A_560 : i32 to vector<16xi32>
      %reduce_max3A_562 = arith.xori %select_n3A_557, %reduce_max3A_561 : vector<16xi32>
      %reduce_max3A_563 = tpu.scan <max>, %reduce_max3A_562 masked %reduce_max3A_559 : vector<16xi32>, vector<16xi1> -> vector<16xi32>
      %reduce_max3A_564 = arith.xori %reduce_max3A_563, %reduce_max3A_561 : vector<16xi32>
      %reduce_max3A_565 = vector.extract %reduce_max3A_564[15] : i32 from vector<16xi32>
      %shift_right_logical3A_566 = arith.constant 3 : i32
      %shift_right_logical3A_567 = arith.shrui %reduce_max3A_565, %shift_right_logical3A_566 : i32
      %shift_left3A_568 = arith.constant 3 : i32
      %shift_left3A_569 = arith.shli %shift_right_logical3A_567, %shift_left3A_568 : i32
      %multiple_of3A_570 = tpu.assume_multiple %shift_left3A_569, 8 : i32
      %mul3A_571 = arith.constant 16 : i32
      %mul3A_572 = arith.muli %scan3A_14, %mul3A_571 : i32
      %add3A_573 = arith.constant 15 : i32
      %add3A_574 = arith.addi %mul3A_572, %add3A_573 : i32
      %dma_start3A_575 = arith.constant 0 : i32
      %dma_start3A_576 = arith.constant 0 : i32
      %dma_start3A_577 = arith.constant 0 : i32
      %dma_start3A_578 = tpu.memref_slice %arg6[%dma_start3A_575, %add3A_574, %dma_start3A_576, %dma_start3A_577] : memref<2x32x8x64xf32, #tpu.memory_space<vmem>> -> memref<1x1x8x64xf32, #tpu.memory_space<vmem>>
      %dma_start3A_579 = tpu.memref_squeeze %dma_start3A_578 : memref<1x1x8x64xf32, #tpu.memory_space<vmem>> -> memref<8x64xf32, #tpu.memory_space<vmem>>
      %dma_start3A_580 = arith.constant 0 : i32
      %dma_start3A_581 = tpu.memref_slice %arg2[%multiple_of3A_570, %dma_start3A_580] : memref<1000000x64xf32, #tpu.memory_space<hbm>> -> memref<8x64xf32, #tpu.memory_space<hbm>>
      %dma_start3A_582 = arith.constant 0 : i32
      %dma_start3A_583 = arith.constant 0 : i32
      %dma_start3A_584 = tpu.memref_slice %arg6[%dma_start3A_575, %add3A_574, %dma_start3A_582, %dma_start3A_583] : memref<2x32x8x64xf32, #tpu.memory_space<vmem>> -> memref<1x1x8x64xf32, #tpu.memory_space<vmem>>
      %dma_start3A_585 = tpu.memref_squeeze %dma_start3A_584 : memref<1x1x8x64xf32, #tpu.memory_space<vmem>> -> memref<8x64xf32, #tpu.memory_space<vmem>>
      %dma_start3A_586 = arith.constant 0 : i32
      %dma_start3A_587 = tpu.memref_slice %arg2[%multiple_of3A_570, %dma_start3A_586] : memref<1000000x64xf32, #tpu.memory_space<hbm>> -> memref<8x64xf32, #tpu.memory_space<hbm>>
      tpu.enqueue_dma source(%dma_start3A_587 : memref<8x64xf32, #tpu.memory_space<hbm>>) target(%dma_start3A_585 : memref<8x64xf32, #tpu.memory_space<vmem>>) target_semaphore(%arg8 : memref<!tpu.dma_semaphore, #tpu.memory_space<semaphore_mem>>)
    }
    %scan3A_7 = arith.constant 2 : i32
    %scan3A_8 = arith.constant 0 : i32
    %scan3A_9 = arith.constant 0 : i32
    %scan3A_10 = arith.constant 16 : i32
    %scan3A_11 = arith.addi %scan3A_9, %scan3A_10 : i32
    %scan3A_12 = arith.constant 1 : i32
    scf.for %scan3A_14 = %scan3A_9 to %scan3A_11 step %scan3A_12  : i32 {
      %mul3A_15 = arith.constant 2 : i32
      %mul3A_16 = arith.muli %scan3A_14, %mul3A_15 : i32
      %add3A_17 = arith.constant 1 : i32
      %add3A_18 = arith.addi %mul3A_16, %add3A_17 : i32
      %scan3A_19 = arith.constant 0 : i32
      %scan3A_20 = arith.constant 0 : i32
      %scan3A_21 = arith.constant 2 : i32
      %scan3A_22 = arith.addi %scan3A_20, %scan3A_21 : i32
      %scan3A_23 = arith.constant 1 : i32
      scf.for %scan3A_103 = %scan3A_20 to %scan3A_22 step %scan3A_23  : i32 {
        %mul3A_104 = arith.constant 32 : i32
        %mul3A_105 = arith.muli %add3A_18, %mul3A_104 : i32
        %mul3A_106 = arith.constant 16 : i32
        %mul3A_107 = arith.muli %scan3A_103, %mul3A_106 : i32
        %add3A_108 = arith.addi %mul3A_105, %mul3A_107 : i32
        %get3A = arith.index_cast %add3A_108 : i32 to index
        %get3A_109 = tpu.vector_load %arg5[%get3A] {strides = array<i32>} : memref<1024xi32, #tpu.memory_space<vmem>>, vector<16xi32>,
        %eq3A = arith.constant 0 : i32
        %eq3A_110 = vector.broadcast %eq3A : i32 to vector<16xi32>
        %eq3A_111 = arith.cmpi eq, %iota3A, %eq3A_110 : vector<16xi32>
        %jit3A_112 = arith.constant 0 : i32
        %broadcast_in_dim3A = vector.broadcast %jit3A_112 : i32 to vector<16xi32>
        %select_n3A_113 = arith.select %eq3A_111, %get3A_109, %broadcast_in_dim3A : vector<16xi1>, vector<16xi32>
        %reduce_max3A = arith.constant true
        %reduce_max3A_114 = vector.broadcast %reduce_max3A : i1 to vector<16xi1>
        %reduce_max3A_115 = arith.constant -2147483648 : i32
        %reduce_max3A_116 = vector.broadcast %reduce_max3A_115 : i32 to vector<16xi32>
        %reduce_max3A_117 = arith.xori %select_n3A_113, %reduce_max3A_116 : vector<16xi32>
        %reduce_max3A_118 = tpu.scan <max>, %reduce_max3A_117 masked %reduce_max3A_114 : vector<16xi32>, vector<16xi1> -> vector<16xi32>
        %reduce_max3A_119 = arith.xori %reduce_max3A_118, %reduce_max3A_116 : vector<16xi32>
        %reduce_max3A_120 = vector.extract %reduce_max3A_119[15] : i32 from vector<16xi32>
        %shift_right_logical3A = arith.constant 3 : i32
        %shift_right_logical3A_121 = arith.shrui %reduce_max3A_120, %shift_right_logical3A : i32
        %shift_left3A = arith.constant 3 : i32
        %shift_left3A_122 = arith.shli %shift_right_logical3A_121, %shift_left3A : i32
        %multiple_of3A_123 = tpu.assume_multiple %shift_left3A_122, 8 : i32
        %mul3A_124 = arith.constant 16 : i32
        %mul3A_125 = arith.muli %scan3A_103, %mul3A_124 : i32
        %add3A_126 = arith.constant 0 : i32
        %add3A_127 = arith.addi %mul3A_125, %add3A_126 : i32
        %dma_start3A = arith.constant 1 : i32
        %dma_start3A_128 = arith.constant 0 : i32
        %dma_start3A_129 = arith.constant 0 : i32
        %dma_start3A_130 = tpu.memref_slice %arg6[%dma_start3A, %add3A_127, %dma_start3A_128, %dma_start3A_129] : memref<2x32x8x64xf32, #tpu.memory_space<vmem>> -> memref<1x1x8x64xf32, #tpu.memory_space<vmem>>
        %dma_start3A_131 = tpu.memref_squeeze %dma_start3A_130 : memref<1x1x8x64xf32, #tpu.memory_space<vmem>> -> memref<8x64xf32, #tpu.memory_space<vmem>>
        %dma_start3A_132 = arith.constant 0 : i32
        %dma_start3A_133 = tpu.memref_slice %arg2[%multiple_of3A_123, %dma_start3A_132] : memref<1000000x64xf32, #tpu.memory_space<hbm>> -> memref<8x64xf32, #tpu.memory_space<hbm>>
        %dma_start3A_134 = arith.constant 0 : i32
        %dma_start3A_135 = arith.constant 0 : i32
        %dma_start3A_136 = tpu.memref_slice %arg6[%dma_start3A, %add3A_127, %dma_start3A_134, %dma_start3A_135] : memref<2x32x8x64xf32, #tpu.memory_space<vmem>> -> memref<1x1x8x64xf32, #tpu.memory_space<vmem>>
        %dma_start3A_137 = tpu.memref_squeeze %dma_start3A_136 : memref<1x1x8x64xf32, #tpu.memory_space<vmem>> -> memref<8x64xf32, #tpu.memory_space<vmem>>
        %dma_start3A_138 = arith.constant 0 : i32
        %dma_start3A_139 = tpu.memref_slice %arg2[%multiple_of3A_123, %dma_start3A_138] : memref<1000000x64xf32, #tpu.memory_space<hbm>> -> memref<8x64xf32, #tpu.memory_space<hbm>>
        tpu.enqueue_dma source(%dma_start3A_139 : memref<8x64xf32, #tpu.memory_space<hbm>>) target(%dma_start3A_137 : memref<8x64xf32, #tpu.memory_space<vmem>>) target_semaphore(%arg9 : memref<!tpu.dma_semaphore, #tpu.memory_space<semaphore_mem>>)
        %eq3A_140 = arith.constant 1 : i32
        %eq3A_141 = vector.broadcast %eq3A_140 : i32 to vector<16xi32>
        %eq3A_142 = arith.cmpi eq, %iota3A, %eq3A_141 : vector<16xi32>
        %jit3A_143 = arith.constant 0 : i32
        %broadcast_in_dim3A_144 = vector.broadcast %jit3A_143 : i32 to vector<16xi32>
        %select_n3A_145 = arith.select %eq3A_142, %get3A_109, %broadcast_in_dim3A_144 : vector<16xi1>, vector<16xi32>
        %reduce_max3A_146 = arith.constant true
        %reduce_max3A_147 = vector.broadcast %reduce_max3A_146 : i1 to vector<16xi1>
        %reduce_max3A_148 = arith.constant -2147483648 : i32
        %reduce_max3A_149 = vector.broadcast %reduce_max3A_148 : i32 to vector<16xi32>
        %reduce_max3A_150 = arith.xori %select_n3A_145, %reduce_max3A_149 : vector<16xi32>
        %reduce_max3A_151 = tpu.scan <max>, %reduce_max3A_150 masked %reduce_max3A_147 : vector<16xi32>, vector<16xi1> -> vector<16xi32>
        %reduce_max3A_152 = arith.xori %reduce_max3A_151, %reduce_max3A_149 : vector<16xi32>
        %reduce_max3A_153 = vector.extract %reduce_max3A_152[15] : i32 from vector<16xi32>
        %shift_right_logical3A_154 = arith.constant 3 : i32
        %shift_right_logical3A_155 = arith.shrui %reduce_max3A_153, %shift_right_logical3A_154 : i32
        %shift_left3A_156 = arith.constant 3 : i32
        %shift_left3A_157 = arith.shli %shift_right_logical3A_155, %shift_left3A_156 : i32
        %multiple_of3A_158 = tpu.assume_multiple %shift_left3A_157, 8 : i32
        %mul3A_159 = arith.constant 16 : i32
        %mul3A_160 = arith.muli %scan3A_103, %mul3A_159 : i32
        %add3A_161 = arith.constant 1 : i32
        %add3A_162 = arith.addi %mul3A_160, %add3A_161 : i32
        %dma_start3A_163 = arith.constant 1 : i32
        %dma_start3A_164 = arith.constant 0 : i32
        %dma_start3A_165 = arith.constant 0 : i32
        %dma_start3A_166 = tpu.memref_slice %arg6[%dma_start3A_163, %add3A_162, %dma_start3A_164, %dma_start3A_165] : memref<2x32x8x64xf32, #tpu.memory_space<vmem>> -> memref<1x1x8x64xf32, #tpu.memory_space<vmem>>
        %dma_start3A_167 = tpu.memref_squeeze %dma_start3A_166 : memref<1x1x8x64xf32, #tpu.memory_space<vmem>> -> memref<8x64xf32, #tpu.memory_space<vmem>>
        %dma_start3A_168 = arith.constant 0 : i32
        %dma_start3A_169 = tpu.memref_slice %arg2[%multiple_of3A_158, %dma_start3A_168] : memref<1000000x64xf32, #tpu.memory_space<hbm>> -> memref<8x64xf32, #tpu.memory_space<hbm>>
        %dma_start3A_170 = arith.constant 0 : i32
        %dma_start3A_171 = arith.constant 0 : i32
        %dma_start3A_172 = tpu.memref_slice %arg6[%dma_start3A_163, %add3A_162, %dma_start3A_170, %dma_start3A_171] : memref<2x32x8x64xf32, #tpu.memory_space<vmem>> -> memref<1x1x8x64xf32, #tpu.memory_space<vmem>>
        %dma_start3A_173 = tpu.memref_squeeze %dma_start3A_172 : memref<1x1x8x64xf32, #tpu.memory_space<vmem>> -> memref<8x64xf32, #tpu.memory_space<vmem>>
        %dma_start3A_174 = arith.constant 0 : i32
        %dma_start3A_175 = tpu.memref_slice %arg2[%multiple_of3A_158, %dma_start3A_174] : memref<1000000x64xf32, #tpu.memory_space<hbm>> -> memref<8x64xf32, #tpu.memory_space<hbm>>
        tpu.enqueue_dma source(%dma_start3A_175 : memref<8x64xf32, #tpu.memory_space<hbm>>) target(%dma_start3A_173 : memref<8x64xf32, #tpu.memory_space<vmem>>) target_semaphore(%arg9 : memref<!tpu.dma_semaphore, #tpu.memory_space<semaphore_mem>>)
        %eq3A_176 = arith.constant 2 : i32
        %eq3A_177 = vector.broadcast %eq3A_176 : i32 to vector<16xi32>
        %eq3A_178 = arith.cmpi eq, %iota3A, %eq3A_177 : vector<16xi32>
        %jit3A_179 = arith.constant 0 : i32
        %broadcast_in_dim3A_180 = vector.broadcast %jit3A_179 : i32 to vector<16xi32>
        %select_n3A_181 = arith.select %eq3A_178, %get3A_109, %broadcast_in_dim3A_180 : vector<16xi1>, vector<16xi32>
        %reduce_max3A_182 = arith.constant true
        %reduce_max3A_183 = vector.broadcast %reduce_max3A_182 : i1 to vector<16xi1>
        %reduce_max3A_184 = arith.constant -2147483648 : i32
        %reduce_max3A_185 = vector.broadcast %reduce_max3A_184 : i32 to vector<16xi32>
        %reduce_max3A_186 = arith.xori %select_n3A_181, %reduce_max3A_185 : vector<16xi32>
        %reduce_max3A_187 = tpu.scan <max>, %reduce_max3A_186 masked %reduce_max3A_183 : vector<16xi32>, vector<16xi1> -> vector<16xi32>
        %reduce_max3A_188 = arith.xori %reduce_max3A_187, %reduce_max3A_185 : vector<16xi32>
        %reduce_max3A_189 = vector.extract %reduce_max3A_188[15] : i32 from vector<16xi32>
        %shift_right_logical3A_190 = arith.constant 3 : i32
        %shift_right_logical3A_191 = arith.shrui %reduce_max3A_189, %shift_right_logical3A_190 : i32
        %shift_left3A_192 = arith.constant 3 : i32
        %shift_left3A_193 = arith.shli %shift_right_logical3A_191, %shift_left3A_192 : i32
        %multiple_of3A_194 = tpu.assume_multiple %shift_left3A_193, 8 : i32
        %mul3A_195 = arith.constant 16 : i32
        %mul3A_196 = arith.muli %scan3A_103, %mul3A_195 : i32
        %add3A_197 = arith.constant 2 : i32
        %add3A_198 = arith.addi %mul3A_196, %add3A_197 : i32
        %dma_start3A_199 = arith.constant 1 : i32
        %dma_start3A_200 = arith.constant 0 : i32
        %dma_start3A_201 = arith.constant 0 : i32
        %dma_start3A_202 = tpu.memref_slice %arg6[%dma_start3A_199, %add3A_198, %dma_start3A_200, %dma_start3A_201] : memref<2x32x8x64xf32, #tpu.memory_space<vmem>> -> memref<1x1x8x64xf32, #tpu.memory_space<vmem>>
        %dma_start3A_203 = tpu.memref_squeeze %dma_start3A_202 : memref<1x1x8x64xf32, #tpu.memory_space<vmem>> -> memref<8x64xf32, #tpu.memory_space<vmem>>
        %dma_start3A_204 = arith.constant 0 : i32
        %dma_start3A_205 = tpu.memref_slice %arg2[%multiple_of3A_194, %dma_start3A_204] : memref<1000000x64xf32, #tpu.memory_space<hbm>> -> memref<8x64xf32, #tpu.memory_space<hbm>>
        %dma_start3A_206 = arith.constant 0 : i32
        %dma_start3A_207 = arith.constant 0 : i32
        %dma_start3A_208 = tpu.memref_slice %arg6[%dma_start3A_199, %add3A_198, %dma_start3A_206, %dma_start3A_207] : memref<2x32x8x64xf32, #tpu.memory_space<vmem>> -> memref<1x1x8x64xf32, #tpu.memory_space<vmem>>
        %dma_start3A_209 = tpu.memref_squeeze %dma_start3A_208 : memref<1x1x8x64xf32, #tpu.memory_space<vmem>> -> memref<8x64xf32, #tpu.memory_space<vmem>>
        %dma_start3A_210 = arith.constant 0 : i32
        %dma_start3A_211 = tpu.memref_slice %arg2[%multiple_of3A_194, %dma_start3A_210] : memref<1000000x64xf32, #tpu.memory_space<hbm>> -> memref<8x64xf32, #tpu.memory_space<hbm>>
        tpu.enqueue_dma source(%dma_start3A_211 : memref<8x64xf32, #tpu.memory_space<hbm>>) target(%dma_start3A_209 : memref<8x64xf32, #tpu.memory_space<vmem>>) target_semaphore(%arg9 : memref<!tpu.dma_semaphore, #tpu.memory_space<semaphore_mem>>)
        %eq3A_212 = arith.constant 3 : i32
        %eq3A_213 = vector.broadcast %eq3A_212 : i32 to vector<16xi32>
        %eq3A_214 = arith.cmpi eq, %iota3A, %eq3A_213 : vector<16xi32>
        %jit3A_215 = arith.constant 0 : i32
        %broadcast_in_dim3A_216 = vector.broadcast %jit3A_215 : i32 to vector<16xi32>
        %select_n3A_217 = arith.select %eq3A_214, %get3A_109, %broadcast_in_dim3A_216 : vector<16xi1>, vector<16xi32>
        %reduce_max3A_218 = arith.constant true
        %reduce_max3A_219 = vector.broadcast %reduce_max3A_218 : i1 to vector<16xi1>
        %reduce_max3A_220 = arith.constant -2147483648 : i32
        %reduce_max3A_221 = vector.broadcast %reduce_max3A_220 : i32 to vector<16xi32>
        %reduce_max3A_222 = arith.xori %select_n3A_217, %reduce_max3A_221 : vector<16xi32>
        %reduce_max3A_223 = tpu.scan <max>, %reduce_max3A_222 masked %reduce_max3A_219 : vector<16xi32>, vector<16xi1> -> vector<16xi32>
        %reduce_max3A_224 = arith.xori %reduce_max3A_223, %reduce_max3A_221 : vector<16xi32>
        %reduce_max3A_225 = vector.extract %reduce_max3A_224[15] : i32 from vector<16xi32>
        %shift_right_logical3A_226 = arith.constant 3 : i32
        %shift_right_logical3A_227 = arith.shrui %reduce_max3A_225, %shift_right_logical3A_226 : i32
        %shift_left3A_228 = arith.constant 3 : i32
        %shift_left3A_229 = arith.shli %shift_right_logical3A_227, %shift_left3A_228 : i32
        %multiple_of3A_230 = tpu.assume_multiple %shift_left3A_229, 8 : i32
        %mul3A_231 = arith.constant 16 : i32
        %mul3A_232 = arith.muli %scan3A_103, %mul3A_231 : i32
        %add3A_233 = arith.constant 3 : i32
        %add3A_234 = arith.addi %mul3A_232, %add3A_233 : i32
        %dma_start3A_235 = arith.constant 1 : i32
        %dma_start3A_236 = arith.constant 0 : i32
        %dma_start3A_237 = arith.constant 0 : i32
        %dma_start3A_238 = tpu.memref_slice %arg6[%dma_start3A_235, %add3A_234, %dma_start3A_236, %dma_start3A_237] : memref<2x32x8x64xf32, #tpu.memory_space<vmem>> -> memref<1x1x8x64xf32, #tpu.memory_space<vmem>>
        %dma_start3A_239 = tpu.memref_squeeze %dma_start3A_238 : memref<1x1x8x64xf32, #tpu.memory_space<vmem>> -> memref<8x64xf32, #tpu.memory_space<vmem>>
        %dma_start3A_240 = arith.constant 0 : i32
        %dma_start3A_241 = tpu.memref_slice %arg2[%multiple_of3A_230, %dma_start3A_240] : memref<1000000x64xf32, #tpu.memory_space<hbm>> -> memref<8x64xf32, #tpu.memory_space<hbm>>
        %dma_start3A_242 = arith.constant 0 : i32
        %dma_start3A_243 = arith.constant 0 : i32
        %dma_start3A_244 = tpu.memref_slice %arg6[%dma_start3A_235, %add3A_234, %dma_start3A_242, %dma_start3A_243] : memref<2x32x8x64xf32, #tpu.memory_space<vmem>> -> memref<1x1x8x64xf32, #tpu.memory_space<vmem>>
        %dma_start3A_245 = tpu.memref_squeeze %dma_start3A_244 : memref<1x1x8x64xf32, #tpu.memory_space<vmem>> -> memref<8x64xf32, #tpu.memory_space<vmem>>
        %dma_start3A_246 = arith.constant 0 : i32
        %dma_start3A_247 = tpu.memref_slice %arg2[%multiple_of3A_230, %dma_start3A_246] : memref<1000000x64xf32, #tpu.memory_space<hbm>> -> memref<8x64xf32, #tpu.memory_space<hbm>>
        tpu.enqueue_dma source(%dma_start3A_247 : memref<8x64xf32, #tpu.memory_space<hbm>>) target(%dma_start3A_245 : memref<8x64xf32, #tpu.memory_space<vmem>>) target_semaphore(%arg9 : memref<!tpu.dma_semaphore, #tpu.memory_space<semaphore_mem>>)
        %eq3A_248 = arith.constant 4 : i32
        %eq3A_249 = vector.broadcast %eq3A_248 : i32 to vector<16xi32>
        %eq3A_250 = arith.cmpi eq, %iota3A, %eq3A_249 : vector<16xi32>
        %jit3A_251 = arith.constant 0 : i32
        %broadcast_in_dim3A_252 = vector.broadcast %jit3A_251 : i32 to vector<16xi32>
        %select_n3A_253 = arith.select %eq3A_250, %get3A_109, %broadcast_in_dim3A_252 : vector<16xi1>, vector<16xi32>
        %reduce_max3A_254 = arith.constant true
        %reduce_max3A_255 = vector.broadcast %reduce_max3A_254 : i1 to vector<16xi1>
        %reduce_max3A_256 = arith.constant -2147483648 : i32
        %reduce_max3A_257 = vector.broadcast %reduce_max3A_256 : i32 to vector<16xi32>
        %reduce_max3A_258 = arith.xori %select_n3A_253, %reduce_max3A_257 : vector<16xi32>
        %reduce_max3A_259 = tpu.scan <max>, %reduce_max3A_258 masked %reduce_max3A_255 : vector<16xi32>, vector<16xi1> -> vector<16xi32>
        %reduce_max3A_260 = arith.xori %reduce_max3A_259, %reduce_max3A_257 : vector<16xi32>
        %reduce_max3A_261 = vector.extract %reduce_max3A_260[15] : i32 from vector<16xi32>
        %shift_right_logical3A_262 = arith.constant 3 : i32
        %shift_right_logical3A_263 = arith.shrui %reduce_max3A_261, %shift_right_logical3A_262 : i32
        %shift_left3A_264 = arith.constant 3 : i32
        %shift_left3A_265 = arith.shli %shift_right_logical3A_263, %shift_left3A_264 : i32
        %multiple_of3A_266 = tpu.assume_multiple %shift_left3A_265, 8 : i32
        %mul3A_267 = arith.constant 16 : i32
        %mul3A_268 = arith.muli %scan3A_103, %mul3A_267 : i32
        %add3A_269 = arith.constant 4 : i32
        %add3A_270 = arith.addi %mul3A_268, %add3A_269 : i32
        %dma_start3A_271 = arith.constant 1 : i32
        %dma_start3A_272 = arith.constant 0 : i32
        %dma_start3A_273 = arith.constant 0 : i32
        %dma_start3A_274 = tpu.memref_slice %arg6[%dma_start3A_271, %add3A_270, %dma_start3A_272, %dma_start3A_273] : memref<2x32x8x64xf32, #tpu.memory_space<vmem>> -> memref<1x1x8x64xf32, #tpu.memory_space<vmem>>
        %dma_start3A_275 = tpu.memref_squeeze %dma_start3A_274 : memref<1x1x8x64xf32, #tpu.memory_space<vmem>> -> memref<8x64xf32, #tpu.memory_space<vmem>>
        %dma_start3A_276 = arith.constant 0 : i32
        %dma_start3A_277 = tpu.memref_slice %arg2[%multiple_of3A_266, %dma_start3A_276] : memref<1000000x64xf32, #tpu.memory_space<hbm>> -> memref<8x64xf32, #tpu.memory_space<hbm>>
        %dma_start3A_278 = arith.constant 0 : i32
        %dma_start3A_279 = arith.constant 0 : i32
        %dma_start3A_280 = tpu.memref_slice %arg6[%dma_start3A_271, %add3A_270, %dma_start3A_278, %dma_start3A_279] : memref<2x32x8x64xf32, #tpu.memory_space<vmem>> -> memref<1x1x8x64xf32, #tpu.memory_space<vmem>>
        %dma_start3A_281 = tpu.memref_squeeze %dma_start3A_280 : memref<1x1x8x64xf32, #tpu.memory_space<vmem>> -> memref<8x64xf32, #tpu.memory_space<vmem>>
        %dma_start3A_282 = arith.constant 0 : i32
        %dma_start3A_283 = tpu.memref_slice %arg2[%multiple_of3A_266, %dma_start3A_282] : memref<1000000x64xf32, #tpu.memory_space<hbm>> -> memref<8x64xf32, #tpu.memory_space<hbm>>
        tpu.enqueue_dma source(%dma_start3A_283 : memref<8x64xf32, #tpu.memory_space<hbm>>) target(%dma_start3A_281 : memref<8x64xf32, #tpu.memory_space<vmem>>) target_semaphore(%arg9 : memref<!tpu.dma_semaphore, #tpu.memory_space<semaphore_mem>>)
        %eq3A_284 = arith.constant 5 : i32
        %eq3A_285 = vector.broadcast %eq3A_284 : i32 to vector<16xi32>
        %eq3A_286 = arith.cmpi eq, %iota3A, %eq3A_285 : vector<16xi32>
        %jit3A_287 = arith.constant 0 : i32
        %broadcast_in_dim3A_288 = vector.broadcast %jit3A_287 : i32 to vector<16xi32>
        %select_n3A_289 = arith.select %eq3A_286, %get3A_109, %broadcast_in_dim3A_288 : vector<16xi1>, vector<16xi32>
        %reduce_max3A_290 = arith.constant true
        %reduce_max3A_291 = vector.broadcast %reduce_max3A_290 : i1 to vector<16xi1>
        %reduce_max3A_292 = arith.constant -2147483648 : i32
        %reduce_max3A_293 = vector.broadcast %reduce_max3A_292 : i32 to vector<16xi32>
        %reduce_max3A_294 = arith.xori %select_n3A_289, %reduce_max3A_293 : vector<16xi32>
        %reduce_max3A_295 = tpu.scan <max>, %reduce_max3A_294 masked %reduce_max3A_291 : vector<16xi32>, vector<16xi1> -> vector<16xi32>
        %reduce_max3A_296 = arith.xori %reduce_max3A_295, %reduce_max3A_293 : vector<16xi32>
        %reduce_max3A_297 = vector.extract %reduce_max3A_296[15] : i32 from vector<16xi32>
        %shift_right_logical3A_298 = arith.constant 3 : i32
        %shift_right_logical3A_299 = arith.shrui %reduce_max3A_297, %shift_right_logical3A_298 : i32
        %shift_left3A_300 = arith.constant 3 : i32
        %shift_left3A_301 = arith.shli %shift_right_logical3A_299, %shift_left3A_300 : i32
        %multiple_of3A_302 = tpu.assume_multiple %shift_left3A_301, 8 : i32
        %mul3A_303 = arith.constant 16 : i32
        %mul3A_304 = arith.muli %scan3A_103, %mul3A_303 : i32
        %add3A_305 = arith.constant 5 : i32
        %add3A_306 = arith.addi %mul3A_304, %add3A_305 : i32
        %dma_start3A_307 = arith.constant 1 : i32
        %dma_start3A_308 = arith.constant 0 : i32
        %dma_start3A_309 = arith.constant 0 : i32
        %dma_start3A_310 = tpu.memref_slice %arg6[%dma_start3A_307, %add3A_306, %dma_start3A_308, %dma_start3A_309] : memref<2x32x8x64xf32, #tpu.memory_space<vmem>> -> memref<1x1x8x64xf32, #tpu.memory_space<vmem>>
        %dma_start3A_311 = tpu.memref_squeeze %dma_start3A_310 : memref<1x1x8x64xf32, #tpu.memory_space<vmem>> -> memref<8x64xf32, #tpu.memory_space<vmem>>
        %dma_start3A_312 = arith.constant 0 : i32
        %dma_start3A_313 = tpu.memref_slice %arg2[%multiple_of3A_302, %dma_start3A_312] : memref<1000000x64xf32, #tpu.memory_space<hbm>> -> memref<8x64xf32, #tpu.memory_space<hbm>>
        %dma_start3A_314 = arith.constant 0 : i32
        %dma_start3A_315 = arith.constant 0 : i32
        %dma_start3A_316 = tpu.memref_slice %arg6[%dma_start3A_307, %add3A_306, %dma_start3A_314, %dma_start3A_315] : memref<2x32x8x64xf32, #tpu.memory_space<vmem>> -> memref<1x1x8x64xf32, #tpu.memory_space<vmem>>
        %dma_start3A_317 = tpu.memref_squeeze %dma_start3A_316 : memref<1x1x8x64xf32, #tpu.memory_space<vmem>> -> memref<8x64xf32, #tpu.memory_space<vmem>>
        %dma_start3A_318 = arith.constant 0 : i32
        %dma_start3A_319 = tpu.memref_slice %arg2[%multiple_of3A_302, %dma_start3A_318] : memref<1000000x64xf32, #tpu.memory_space<hbm>> -> memref<8x64xf32, #tpu.memory_space<hbm>>
        tpu.enqueue_dma source(%dma_start3A_319 : memref<8x64xf32, #tpu.memory_space<hbm>>) target(%dma_start3A_317 : memref<8x64xf32, #tpu.memory_space<vmem>>) target_semaphore(%arg9 : memref<!tpu.dma_semaphore, #tpu.memory_space<semaphore_mem>>)
        %eq3A_320 = arith.constant 6 : i32
        %eq3A_321 = vector.broadcast %eq3A_320 : i32 to vector<16xi32>
        %eq3A_322 = arith.cmpi eq, %iota3A, %eq3A_321 : vector<16xi32>
        %jit3A_323 = arith.constant 0 : i32
        %broadcast_in_dim3A_324 = vector.broadcast %jit3A_323 : i32 to vector<16xi32>
        %select_n3A_325 = arith.select %eq3A_322, %get3A_109, %broadcast_in_dim3A_324 : vector<16xi1>, vector<16xi32>
        %reduce_max3A_326 = arith.constant true
        %reduce_max3A_327 = vector.broadcast %reduce_max3A_326 : i1 to vector<16xi1>
        %reduce_max3A_328 = arith.constant -2147483648 : i32
        %reduce_max3A_329 = vector.broadcast %reduce_max3A_328 : i32 to vector<16xi32>
        %reduce_max3A_330 = arith.xori %select_n3A_325, %reduce_max3A_329 : vector<16xi32>
        %reduce_max3A_331 = tpu.scan <max>, %reduce_max3A_330 masked %reduce_max3A_327 : vector<16xi32>, vector<16xi1> -> vector<16xi32>
        %reduce_max3A_332 = arith.xori %reduce_max3A_331, %reduce_max3A_329 : vector<16xi32>
        %reduce_max3A_333 = vector.extract %reduce_max3A_332[15] : i32 from vector<16xi32>
        %shift_right_logical3A_334 = arith.constant 3 : i32
        %shift_right_logical3A_335 = arith.shrui %reduce_max3A_333, %shift_right_logical3A_334 : i32
        %shift_left3A_336 = arith.constant 3 : i32
        %shift_left3A_337 = arith.shli %shift_right_logical3A_335, %shift_left3A_336 : i32
        %multiple_of3A_338 = tpu.assume_multiple %shift_left3A_337, 8 : i32
        %mul3A_339 = arith.constant 16 : i32
        %mul3A_340 = arith.muli %scan3A_103, %mul3A_339 : i32
        %add3A_341 = arith.constant 6 : i32
        %add3A_342 = arith.addi %mul3A_340, %add3A_341 : i32
        %dma_start3A_343 = arith.constant 1 : i32
        %dma_start3A_344 = arith.constant 0 : i32
        %dma_start3A_345 = arith.constant 0 : i32
        %dma_start3A_346 = tpu.memref_slice %arg6[%dma_start3A_343, %add3A_342, %dma_start3A_344, %dma_start3A_345] : memref<2x32x8x64xf32, #tpu.memory_space<vmem>> -> memref<1x1x8x64xf32, #tpu.memory_space<vmem>>
        %dma_start3A_347 = tpu.memref_squeeze %dma_start3A_346 : memref<1x1x8x64xf32, #tpu.memory_space<vmem>> -> memref<8x64xf32, #tpu.memory_space<vmem>>
        %dma_start3A_348 = arith.constant 0 : i32
        %dma_start3A_349 = tpu.memref_slice %arg2[%multiple_of3A_338, %dma_start3A_348] : memref<1000000x64xf32, #tpu.memory_space<hbm>> -> memref<8x64xf32, #tpu.memory_space<hbm>>
        %dma_start3A_350 = arith.constant 0 : i32
        %dma_start3A_351 = arith.constant 0 : i32
        %dma_start3A_352 = tpu.memref_slice %arg6[%dma_start3A_343, %add3A_342, %dma_start3A_350, %dma_start3A_351] : memref<2x32x8x64xf32, #tpu.memory_space<vmem>> -> memref<1x1x8x64xf32, #tpu.memory_space<vmem>>
        %dma_start3A_353 = tpu.memref_squeeze %dma_start3A_352 : memref<1x1x8x64xf32, #tpu.memory_space<vmem>> -> memref<8x64xf32, #tpu.memory_space<vmem>>
        %dma_start3A_354 = arith.constant 0 : i32
        %dma_start3A_355 = tpu.memref_slice %arg2[%multiple_of3A_338, %dma_start3A_354] : memref<1000000x64xf32, #tpu.memory_space<hbm>> -> memref<8x64xf32, #tpu.memory_space<hbm>>
        tpu.enqueue_dma source(%dma_start3A_355 : memref<8x64xf32, #tpu.memory_space<hbm>>) target(%dma_start3A_353 : memref<8x64xf32, #tpu.memory_space<vmem>>) target_semaphore(%arg9 : memref<!tpu.dma_semaphore, #tpu.memory_space<semaphore_mem>>)
        %eq3A_356 = arith.constant 7 : i32
        %eq3A_357 = vector.broadcast %eq3A_356 : i32 to vector<16xi32>
        %eq3A_358 = arith.cmpi eq, %iota3A, %eq3A_357 : vector<16xi32>
        %jit3A_359 = arith.constant 0 : i32
        %broadcast_in_dim3A_360 = vector.broadcast %jit3A_359 : i32 to vector<16xi32>
        %select_n3A_361 = arith.select %eq3A_358, %get3A_109, %broadcast_in_dim3A_360 : vector<16xi1>, vector<16xi32>
        %reduce_max3A_362 = arith.constant true
        %reduce_max3A_363 = vector.broadcast %reduce_max3A_362 : i1 to vector<16xi1>
        %reduce_max3A_364 = arith.constant -2147483648 : i32
        %reduce_max3A_365 = vector.broadcast %reduce_max3A_364 : i32 to vector<16xi32>
        %reduce_max3A_366 = arith.xori %select_n3A_361, %reduce_max3A_365 : vector<16xi32>
        %reduce_max3A_367 = tpu.scan <max>, %reduce_max3A_366 masked %reduce_max3A_363 : vector<16xi32>, vector<16xi1> -> vector<16xi32>
        %reduce_max3A_368 = arith.xori %reduce_max3A_367, %reduce_max3A_365 : vector<16xi32>
        %reduce_max3A_369 = vector.extract %reduce_max3A_368[15] : i32 from vector<16xi32>
        %shift_right_logical3A_370 = arith.constant 3 : i32
        %shift_right_logical3A_371 = arith.shrui %reduce_max3A_369, %shift_right_logical3A_370 : i32
        %shift_left3A_372 = arith.constant 3 : i32
        %shift_left3A_373 = arith.shli %shift_right_logical3A_371, %shift_left3A_372 : i32
        %multiple_of3A_374 = tpu.assume_multiple %shift_left3A_373, 8 : i32
        %mul3A_375 = arith.constant 16 : i32
        %mul3A_376 = arith.muli %scan3A_103, %mul3A_375 : i32
        %add3A_377 = arith.constant 7 : i32
        %add3A_378 = arith.addi %mul3A_376, %add3A_377 : i32
        %dma_start3A_379 = arith.constant 1 : i32
        %dma_start3A_380 = arith.constant 0 : i32
        %dma_start3A_381 = arith.constant 0 : i32
        %dma_start3A_382 = tpu.memref_slice %arg6[%dma_start3A_379, %add3A_378, %dma_start3A_380, %dma_start3A_381] : memref<2x32x8x64xf32, #tpu.memory_space<vmem>> -> memref<1x1x8x64xf32, #tpu.memory_space<vmem>>
        %dma_start3A_383 = tpu.memref_squeeze %dma_start3A_382 : memref<1x1x8x64xf32, #tpu.memory_space<vmem>> -> memref<8x64xf32, #tpu.memory_space<vmem>>
        %dma_start3A_384 = arith.constant 0 : i32
        %dma_start3A_385 = tpu.memref_slice %arg2[%multiple_of3A_374, %dma_start3A_384] : memref<1000000x64xf32, #tpu.memory_space<hbm>> -> memref<8x64xf32, #tpu.memory_space<hbm>>
        %dma_start3A_386 = arith.constant 0 : i32
        %dma_start3A_387 = arith.constant 0 : i32
        %dma_start3A_388 = tpu.memref_slice %arg6[%dma_start3A_379, %add3A_378, %dma_start3A_386, %dma_start3A_387] : memref<2x32x8x64xf32, #tpu.memory_space<vmem>> -> memref<1x1x8x64xf32, #tpu.memory_space<vmem>>
        %dma_start3A_389 = tpu.memref_squeeze %dma_start3A_388 : memref<1x1x8x64xf32, #tpu.memory_space<vmem>> -> memref<8x64xf32, #tpu.memory_space<vmem>>
        %dma_start3A_390 = arith.constant 0 : i32
        %dma_start3A_391 = tpu.memref_slice %arg2[%multiple_of3A_374, %dma_start3A_390] : memref<1000000x64xf32, #tpu.memory_space<hbm>> -> memref<8x64xf32, #tpu.memory_space<hbm>>
        tpu.enqueue_dma source(%dma_start3A_391 : memref<8x64xf32, #tpu.memory_space<hbm>>) target(%dma_start3A_389 : memref<8x64xf32, #tpu.memory_space<vmem>>) target_semaphore(%arg9 : memref<!tpu.dma_semaphore, #tpu.memory_space<semaphore_mem>>)
        %eq3A_392 = arith.constant 8 : i32
        %eq3A_393 = vector.broadcast %eq3A_392 : i32 to vector<16xi32>
        %eq3A_394 = arith.cmpi eq, %iota3A, %eq3A_393 : vector<16xi32>
        %jit3A_395 = arith.constant 0 : i32
        %broadcast_in_dim3A_396 = vector.broadcast %jit3A_395 : i32 to vector<16xi32>
        %select_n3A_397 = arith.select %eq3A_394, %get3A_109, %broadcast_in_dim3A_396 : vector<16xi1>, vector<16xi32>
        %reduce_max3A_398 = arith.constant true
        %reduce_max3A_399 = vector.broadcast %reduce_max3A_398 : i1 to vector<16xi1>
        %reduce_max3A_400 = arith.constant -2147483648 : i32
        %reduce_max3A_401 = vector.broadcast %reduce_max3A_400 : i32 to vector<16xi32>
        %reduce_max3A_402 = arith.xori %select_n3A_397, %reduce_max3A_401 : vector<16xi32>
        %reduce_max3A_403 = tpu.scan <max>, %reduce_max3A_402 masked %reduce_max3A_399 : vector<16xi32>, vector<16xi1> -> vector<16xi32>
        %reduce_max3A_404 = arith.xori %reduce_max3A_403, %reduce_max3A_401 : vector<16xi32>
        %reduce_max3A_405 = vector.extract %reduce_max3A_404[15] : i32 from vector<16xi32>
        %shift_right_logical3A_406 = arith.constant 3 : i32
        %shift_right_logical3A_407 = arith.shrui %reduce_max3A_405, %shift_right_logical3A_406 : i32
        %shift_left3A_408 = arith.constant 3 : i32
        %shift_left3A_409 = arith.shli %shift_right_logical3A_407, %shift_left3A_408 : i32
        %multiple_of3A_410 = tpu.assume_multiple %shift_left3A_409, 8 : i32
        %mul3A_411 = arith.constant 16 : i32
        %mul3A_412 = arith.muli %scan3A_103, %mul3A_411 : i32
        %add3A_413 = arith.constant 8 : i32
        %add3A_414 = arith.addi %mul3A_412, %add3A_413 : i32
        %dma_start3A_415 = arith.constant 1 : i32
        %dma_start3A_416 = arith.constant 0 : i32
        %dma_start3A_417 = arith.constant 0 : i32
        %dma_start3A_418 = tpu.memref_slice %arg6[%dma_start3A_415, %add3A_414, %dma_start3A_416, %dma_start3A_417] : memref<2x32x8x64xf32, #tpu.memory_space<vmem>> -> memref<1x1x8x64xf32, #tpu.memory_space<vmem>>
        %dma_start3A_419 = tpu.memref_squeeze %dma_start3A_418 : memref<1x1x8x64xf32, #tpu.memory_space<vmem>> -> memref<8x64xf32, #tpu.memory_space<vmem>>
        %dma_start3A_420 = arith.constant 0 : i32
        %dma_start3A_421 = tpu.memref_slice %arg2[%multiple_of3A_410, %dma_start3A_420] : memref<1000000x64xf32, #tpu.memory_space<hbm>> -> memref<8x64xf32, #tpu.memory_space<hbm>>
        %dma_start3A_422 = arith.constant 0 : i32
        %dma_start3A_423 = arith.constant 0 : i32
        %dma_start3A_424 = tpu.memref_slice %arg6[%dma_start3A_415, %add3A_414, %dma_start3A_422, %dma_start3A_423] : memref<2x32x8x64xf32, #tpu.memory_space<vmem>> -> memref<1x1x8x64xf32, #tpu.memory_space<vmem>>
        %dma_start3A_425 = tpu.memref_squeeze %dma_start3A_424 : memref<1x1x8x64xf32, #tpu.memory_space<vmem>> -> memref<8x64xf32, #tpu.memory_space<vmem>>
        %dma_start3A_426 = arith.constant 0 : i32
        %dma_start3A_427 = tpu.memref_slice %arg2[%multiple_of3A_410, %dma_start3A_426] : memref<1000000x64xf32, #tpu.memory_space<hbm>> -> memref<8x64xf32, #tpu.memory_space<hbm>>
        tpu.enqueue_dma source(%dma_start3A_427 : memref<8x64xf32, #tpu.memory_space<hbm>>) target(%dma_start3A_425 : memref<8x64xf32, #tpu.memory_space<vmem>>) target_semaphore(%arg9 : memref<!tpu.dma_semaphore, #tpu.memory_space<semaphore_mem>>)
        %eq3A_428 = arith.constant 9 : i32
        %eq3A_429 = vector.broadcast %eq3A_428 : i32 to vector<16xi32>
        %eq3A_430 = arith.cmpi eq, %iota3A, %eq3A_429 : vector<16xi32>
        %jit3A_431 = arith.constant 0 : i32
        %broadcast_in_dim3A_432 = vector.broadcast %jit3A_431 : i32 to vector<16xi32>
        %select_n3A_433 = arith.select %eq3A_430, %get3A_109, %broadcast_in_dim3A_432 : vector<16xi1>, vector<16xi32>
        %reduce_max3A_434 = arith.constant true
        %reduce_max3A_435 = vector.broadcast %reduce_max3A_434 : i1 to vector<16xi1>
        %reduce_max3A_436 = arith.constant -2147483648 : i32
        %reduce_max3A_437 = vector.broadcast %reduce_max3A_436 : i32 to vector<16xi32>
        %reduce_max3A_438 = arith.xori %select_n3A_433, %reduce_max3A_437 : vector<16xi32>
        %reduce_max3A_439 = tpu.scan <max>, %reduce_max3A_438 masked %reduce_max3A_435 : vector<16xi32>, vector<16xi1> -> vector<16xi32>
        %reduce_max3A_440 = arith.xori %reduce_max3A_439, %reduce_max3A_437 : vector<16xi32>
        %reduce_max3A_441 = vector.extract %reduce_max3A_440[15] : i32 from vector<16xi32>
        %shift_right_logical3A_442 = arith.constant 3 : i32
        %shift_right_logical3A_443 = arith.shrui %reduce_max3A_441, %shift_right_logical3A_442 : i32
        %shift_left3A_444 = arith.constant 3 : i32
        %shift_left3A_445 = arith.shli %shift_right_logical3A_443, %shift_left3A_444 : i32
        %multiple_of3A_446 = tpu.assume_multiple %shift_left3A_445, 8 : i32
        %mul3A_447 = arith.constant 16 : i32
        %mul3A_448 = arith.muli %scan3A_103, %mul3A_447 : i32
        %add3A_449 = arith.constant 9 : i32
        %add3A_450 = arith.addi %mul3A_448, %add3A_449 : i32
        %dma_start3A_451 = arith.constant 1 : i32
        %dma_start3A_452 = arith.constant 0 : i32
        %dma_start3A_453 = arith.constant 0 : i32
        %dma_start3A_454 = tpu.memref_slice %arg6[%dma_start3A_451, %add3A_450, %dma_start3A_452, %dma_start3A_453] : memref<2x32x8x64xf32, #tpu.memory_space<vmem>> -> memref<1x1x8x64xf32, #tpu.memory_space<vmem>>
        %dma_start3A_455 = tpu.memref_squeeze %dma_start3A_454 : memref<1x1x8x64xf32, #tpu.memory_space<vmem>> -> memref<8x64xf32, #tpu.memory_space<vmem>>
        %dma_start3A_456 = arith.constant 0 : i32
        %dma_start3A_457 = tpu.memref_slice %arg2[%multiple_of3A_446, %dma_start3A_456] : memref<1000000x64xf32, #tpu.memory_space<hbm>> -> memref<8x64xf32, #tpu.memory_space<hbm>>
        %dma_start3A_458 = arith.constant 0 : i32
        %dma_start3A_459 = arith.constant 0 : i32
        %dma_start3A_460 = tpu.memref_slice %arg6[%dma_start3A_451, %add3A_450, %dma_start3A_458, %dma_start3A_459] : memref<2x32x8x64xf32, #tpu.memory_space<vmem>> -> memref<1x1x8x64xf32, #tpu.memory_space<vmem>>
        %dma_start3A_461 = tpu.memref_squeeze %dma_start3A_460 : memref<1x1x8x64xf32, #tpu.memory_space<vmem>> -> memref<8x64xf32, #tpu.memory_space<vmem>>
        %dma_start3A_462 = arith.constant 0 : i32
        %dma_start3A_463 = tpu.memref_slice %arg2[%multiple_of3A_446, %dma_start3A_462] : memref<1000000x64xf32, #tpu.memory_space<hbm>> -> memref<8x64xf32, #tpu.memory_space<hbm>>
        tpu.enqueue_dma source(%dma_start3A_463 : memref<8x64xf32, #tpu.memory_space<hbm>>) target(%dma_start3A_461 : memref<8x64xf32, #tpu.memory_space<vmem>>) target_semaphore(%arg9 : memref<!tpu.dma_semaphore, #tpu.memory_space<semaphore_mem>>)
        %eq3A_464 = arith.constant 10 : i32
        %eq3A_465 = vector.broadcast %eq3A_464 : i32 to vector<16xi32>
        %eq3A_466 = arith.cmpi eq, %iota3A, %eq3A_465 : vector<16xi32>
        %jit3A_467 = arith.constant 0 : i32
        %broadcast_in_dim3A_468 = vector.broadcast %jit3A_467 : i32 to vector<16xi32>
        %select_n3A_469 = arith.select %eq3A_466, %get3A_109, %broadcast_in_dim3A_468 : vector<16xi1>, vector<16xi32>
        %reduce_max3A_470 = arith.constant true
        %reduce_max3A_471 = vector.broadcast %reduce_max3A_470 : i1 to vector<16xi1>
        %reduce_max3A_472 = arith.constant -2147483648 : i32
        %reduce_max3A_473 = vector.broadcast %reduce_max3A_472 : i32 to vector<16xi32>
        %reduce_max3A_474 = arith.xori %select_n3A_469, %reduce_max3A_473 : vector<16xi32>
        %reduce_max3A_475 = tpu.scan <max>, %reduce_max3A_474 masked %reduce_max3A_471 : vector<16xi32>, vector<16xi1> -> vector<16xi32>
        %reduce_max3A_476 = arith.xori %reduce_max3A_475, %reduce_max3A_473 : vector<16xi32>
        %reduce_max3A_477 = vector.extract %reduce_max3A_476[15] : i32 from vector<16xi32>
        %shift_right_logical3A_478 = arith.constant 3 : i32
        %shift_right_logical3A_479 = arith.shrui %reduce_max3A_477, %shift_right_logical3A_478 : i32
        %shift_left3A_480 = arith.constant 3 : i32
        %shift_left3A_481 = arith.shli %shift_right_logical3A_479, %shift_left3A_480 : i32
        %multiple_of3A_482 = tpu.assume_multiple %shift_left3A_481, 8 : i32
        %mul3A_483 = arith.constant 16 : i32
        %mul3A_484 = arith.muli %scan3A_103, %mul3A_483 : i32
        %add3A_485 = arith.constant 10 : i32
        %add3A_486 = arith.addi %mul3A_484, %add3A_485 : i32
        %dma_start3A_487 = arith.constant 1 : i32
        %dma_start3A_488 = arith.constant 0 : i32
        %dma_start3A_489 = arith.constant 0 : i32
        %dma_start3A_490 = tpu.memref_slice %arg6[%dma_start3A_487, %add3A_486, %dma_start3A_488, %dma_start3A_489] : memref<2x32x8x64xf32, #tpu.memory_space<vmem>> -> memref<1x1x8x64xf32, #tpu.memory_space<vmem>>
        %dma_start3A_491 = tpu.memref_squeeze %dma_start3A_490 : memref<1x1x8x64xf32, #tpu.memory_space<vmem>> -> memref<8x64xf32, #tpu.memory_space<vmem>>
        %dma_start3A_492 = arith.constant 0 : i32
        %dma_start3A_493 = tpu.memref_slice %arg2[%multiple_of3A_482, %dma_start3A_492] : memref<1000000x64xf32, #tpu.memory_space<hbm>> -> memref<8x64xf32, #tpu.memory_space<hbm>>
        %dma_start3A_494 = arith.constant 0 : i32
        %dma_start3A_495 = arith.constant 0 : i32
        %dma_start3A_496 = tpu.memref_slice %arg6[%dma_start3A_487, %add3A_486, %dma_start3A_494, %dma_start3A_495] : memref<2x32x8x64xf32, #tpu.memory_space<vmem>> -> memref<1x1x8x64xf32, #tpu.memory_space<vmem>>
        %dma_start3A_497 = tpu.memref_squeeze %dma_start3A_496 : memref<1x1x8x64xf32, #tpu.memory_space<vmem>> -> memref<8x64xf32, #tpu.memory_space<vmem>>
        %dma_start3A_498 = arith.constant 0 : i32
        %dma_start3A_499 = tpu.memref_slice %arg2[%multiple_of3A_482, %dma_start3A_498] : memref<1000000x64xf32, #tpu.memory_space<hbm>> -> memref<8x64xf32, #tpu.memory_space<hbm>>
        tpu.enqueue_dma source(%dma_start3A_499 : memref<8x64xf32, #tpu.memory_space<hbm>>) target(%dma_start3A_497 : memref<8x64xf32, #tpu.memory_space<vmem>>) target_semaphore(%arg9 : memref<!tpu.dma_semaphore, #tpu.memory_space<semaphore_mem>>)
        %eq3A_500 = arith.constant 11 : i32
        %eq3A_501 = vector.broadcast %eq3A_500 : i32 to vector<16xi32>
        %eq3A_502 = arith.cmpi eq, %iota3A, %eq3A_501 : vector<16xi32>
        %jit3A_503 = arith.constant 0 : i32
        %broadcast_in_dim3A_504 = vector.broadcast %jit3A_503 : i32 to vector<16xi32>
        %select_n3A_505 = arith.select %eq3A_502, %get3A_109, %broadcast_in_dim3A_504 : vector<16xi1>, vector<16xi32>
        %reduce_max3A_506 = arith.constant true
        %reduce_max3A_507 = vector.broadcast %reduce_max3A_506 : i1 to vector<16xi1>
        %reduce_max3A_508 = arith.constant -2147483648 : i32
        %reduce_max3A_509 = vector.broadcast %reduce_max3A_508 : i32 to vector<16xi32>
        %reduce_max3A_510 = arith.xori %select_n3A_505, %reduce_max3A_509 : vector<16xi32>
        %reduce_max3A_511 = tpu.scan <max>, %reduce_max3A_510 masked %reduce_max3A_507 : vector<16xi32>, vector<16xi1> -> vector<16xi32>
        %reduce_max3A_512 = arith.xori %reduce_max3A_511, %reduce_max3A_509 : vector<16xi32>
        %reduce_max3A_513 = vector.extract %reduce_max3A_512[15] : i32 from vector<16xi32>
        %shift_right_logical3A_514 = arith.constant 3 : i32
        %shift_right_logical3A_515 = arith.shrui %reduce_max3A_513, %shift_right_logical3A_514 : i32
        %shift_left3A_516 = arith.constant 3 : i32
        %shift_left3A_517 = arith.shli %shift_right_logical3A_515, %shift_left3A_516 : i32
        %multiple_of3A_518 = tpu.assume_multiple %shift_left3A_517, 8 : i32
        %mul3A_519 = arith.constant 16 : i32
        %mul3A_520 = arith.muli %scan3A_103, %mul3A_519 : i32
        %add3A_521 = arith.constant 11 : i32
        %add3A_522 = arith.addi %mul3A_520, %add3A_521 : i32
        %dma_start3A_523 = arith.constant 1 : i32
        %dma_start3A_524 = arith.constant 0 : i32
        %dma_start3A_525 = arith.constant 0 : i32
        %dma_start3A_526 = tpu.memref_slice %arg6[%dma_start3A_523, %add3A_522, %dma_start3A_524, %dma_start3A_525] : memref<2x32x8x64xf32, #tpu.memory_space<vmem>> -> memref<1x1x8x64xf32, #tpu.memory_space<vmem>>
        %dma_start3A_527 = tpu.memref_squeeze %dma_start3A_526 : memref<1x1x8x64xf32, #tpu.memory_space<vmem>> -> memref<8x64xf32, #tpu.memory_space<vmem>>
        %dma_start3A_528 = arith.constant 0 : i32
        %dma_start3A_529 = tpu.memref_slice %arg2[%multiple_of3A_518, %dma_start3A_528] : memref<1000000x64xf32, #tpu.memory_space<hbm>> -> memref<8x64xf32, #tpu.memory_space<hbm>>
        %dma_start3A_530 = arith.constant 0 : i32
        %dma_start3A_531 = arith.constant 0 : i32
        %dma_start3A_532 = tpu.memref_slice %arg6[%dma_start3A_523, %add3A_522, %dma_start3A_530, %dma_start3A_531] : memref<2x32x8x64xf32, #tpu.memory_space<vmem>> -> memref<1x1x8x64xf32, #tpu.memory_space<vmem>>
        %dma_start3A_533 = tpu.memref_squeeze %dma_start3A_532 : memref<1x1x8x64xf32, #tpu.memory_space<vmem>> -> memref<8x64xf32, #tpu.memory_space<vmem>>
        %dma_start3A_534 = arith.constant 0 : i32
        %dma_start3A_535 = tpu.memref_slice %arg2[%multiple_of3A_518, %dma_start3A_534] : memref<1000000x64xf32, #tpu.memory_space<hbm>> -> memref<8x64xf32, #tpu.memory_space<hbm>>
        tpu.enqueue_dma source(%dma_start3A_535 : memref<8x64xf32, #tpu.memory_space<hbm>>) target(%dma_start3A_533 : memref<8x64xf32, #tpu.memory_space<vmem>>) target_semaphore(%arg9 : memref<!tpu.dma_semaphore, #tpu.memory_space<semaphore_mem>>)
        %eq3A_536 = arith.constant 12 : i32
        %eq3A_537 = vector.broadcast %eq3A_536 : i32 to vector<16xi32>
        %eq3A_538 = arith.cmpi eq, %iota3A, %eq3A_537 : vector<16xi32>
        %jit3A_539 = arith.constant 0 : i32
        %broadcast_in_dim3A_540 = vector.broadcast %jit3A_539 : i32 to vector<16xi32>
        %select_n3A_541 = arith.select %eq3A_538, %get3A_109, %broadcast_in_dim3A_540 : vector<16xi1>, vector<16xi32>
        %reduce_max3A_542 = arith.constant true
        %reduce_max3A_543 = vector.broadcast %reduce_max3A_542 : i1 to vector<16xi1>
        %reduce_max3A_544 = arith.constant -2147483648 : i32
        %reduce_max3A_545 = vector.broadcast %reduce_max3A_544 : i32 to vector<16xi32>
        %reduce_max3A_546 = arith.xori %select_n3A_541, %reduce_max3A_545 : vector<16xi32>
        %reduce_max3A_547 = tpu.scan <max>, %reduce_max3A_546 masked %reduce_max3A_543 : vector<16xi32>, vector<16xi1> -> vector<16xi32>
        %reduce_max3A_548 = arith.xori %reduce_max3A_547, %reduce_max3A_545 : vector<16xi32>
        %reduce_max3A_549 = vector.extract %reduce_max3A_548[15] : i32 from vector<16xi32>
        %shift_right_logical3A_550 = arith.constant 3 : i32
        %shift_right_logical3A_551 = arith.shrui %reduce_max3A_549, %shift_right_logical3A_550 : i32
        %shift_left3A_552 = arith.constant 3 : i32
        %shift_left3A_553 = arith.shli %shift_right_logical3A_551, %shift_left3A_552 : i32
        %multiple_of3A_554 = tpu.assume_multiple %shift_left3A_553, 8 : i32
        %mul3A_555 = arith.constant 16 : i32
        %mul3A_556 = arith.muli %scan3A_103, %mul3A_555 : i32
        %add3A_557 = arith.constant 12 : i32
        %add3A_558 = arith.addi %mul3A_556, %add3A_557 : i32
        %dma_start3A_559 = arith.constant 1 : i32
        %dma_start3A_560 = arith.constant 0 : i32
        %dma_start3A_561 = arith.constant 0 : i32
        %dma_start3A_562 = tpu.memref_slice %arg6[%dma_start3A_559, %add3A_558, %dma_start3A_560, %dma_start3A_561] : memref<2x32x8x64xf32, #tpu.memory_space<vmem>> -> memref<1x1x8x64xf32, #tpu.memory_space<vmem>>
        %dma_start3A_563 = tpu.memref_squeeze %dma_start3A_562 : memref<1x1x8x64xf32, #tpu.memory_space<vmem>> -> memref<8x64xf32, #tpu.memory_space<vmem>>
        %dma_start3A_564 = arith.constant 0 : i32
        %dma_start3A_565 = tpu.memref_slice %arg2[%multiple_of3A_554, %dma_start3A_564] : memref<1000000x64xf32, #tpu.memory_space<hbm>> -> memref<8x64xf32, #tpu.memory_space<hbm>>
        %dma_start3A_566 = arith.constant 0 : i32
        %dma_start3A_567 = arith.constant 0 : i32
        %dma_start3A_568 = tpu.memref_slice %arg6[%dma_start3A_559, %add3A_558, %dma_start3A_566, %dma_start3A_567] : memref<2x32x8x64xf32, #tpu.memory_space<vmem>> -> memref<1x1x8x64xf32, #tpu.memory_space<vmem>>
        %dma_start3A_569 = tpu.memref_squeeze %dma_start3A_568 : memref<1x1x8x64xf32, #tpu.memory_space<vmem>> -> memref<8x64xf32, #tpu.memory_space<vmem>>
        %dma_start3A_570 = arith.constant 0 : i32
        %dma_start3A_571 = tpu.memref_slice %arg2[%multiple_of3A_554, %dma_start3A_570] : memref<1000000x64xf32, #tpu.memory_space<hbm>> -> memref<8x64xf32, #tpu.memory_space<hbm>>
        tpu.enqueue_dma source(%dma_start3A_571 : memref<8x64xf32, #tpu.memory_space<hbm>>) target(%dma_start3A_569 : memref<8x64xf32, #tpu.memory_space<vmem>>) target_semaphore(%arg9 : memref<!tpu.dma_semaphore, #tpu.memory_space<semaphore_mem>>)
        %eq3A_572 = arith.constant 13 : i32
        %eq3A_573 = vector.broadcast %eq3A_572 : i32 to vector<16xi32>
        %eq3A_574 = arith.cmpi eq, %iota3A, %eq3A_573 : vector<16xi32>
        %jit3A_575 = arith.constant 0 : i32
        %broadcast_in_dim3A_576 = vector.broadcast %jit3A_575 : i32 to vector<16xi32>
        %select_n3A_577 = arith.select %eq3A_574, %get3A_109, %broadcast_in_dim3A_576 : vector<16xi1>, vector<16xi32>
        %reduce_max3A_578 = arith.constant true
        %reduce_max3A_579 = vector.broadcast %reduce_max3A_578 : i1 to vector<16xi1>
        %reduce_max3A_580 = arith.constant -2147483648 : i32
        %reduce_max3A_581 = vector.broadcast %reduce_max3A_580 : i32 to vector<16xi32>
        %reduce_max3A_582 = arith.xori %select_n3A_577, %reduce_max3A_581 : vector<16xi32>
        %reduce_max3A_583 = tpu.scan <max>, %reduce_max3A_582 masked %reduce_max3A_579 : vector<16xi32>, vector<16xi1> -> vector<16xi32>
        %reduce_max3A_584 = arith.xori %reduce_max3A_583, %reduce_max3A_581 : vector<16xi32>
        %reduce_max3A_585 = vector.extract %reduce_max3A_584[15] : i32 from vector<16xi32>
        %shift_right_logical3A_586 = arith.constant 3 : i32
        %shift_right_logical3A_587 = arith.shrui %reduce_max3A_585, %shift_right_logical3A_586 : i32
        %shift_left3A_588 = arith.constant 3 : i32
        %shift_left3A_589 = arith.shli %shift_right_logical3A_587, %shift_left3A_588 : i32
        %multiple_of3A_590 = tpu.assume_multiple %shift_left3A_589, 8 : i32
        %mul3A_591 = arith.constant 16 : i32
        %mul3A_592 = arith.muli %scan3A_103, %mul3A_591 : i32
        %add3A_593 = arith.constant 13 : i32
        %add3A_594 = arith.addi %mul3A_592, %add3A_593 : i32
        %dma_start3A_595 = arith.constant 1 : i32
        %dma_start3A_596 = arith.constant 0 : i32
        %dma_start3A_597 = arith.constant 0 : i32
        %dma_start3A_598 = tpu.memref_slice %arg6[%dma_start3A_595, %add3A_594, %dma_start3A_596, %dma_start3A_597] : memref<2x32x8x64xf32, #tpu.memory_space<vmem>> -> memref<1x1x8x64xf32, #tpu.memory_space<vmem>>
        %dma_start3A_599 = tpu.memref_squeeze %dma_start3A_598 : memref<1x1x8x64xf32, #tpu.memory_space<vmem>> -> memref<8x64xf32, #tpu.memory_space<vmem>>
        %dma_start3A_600 = arith.constant 0 : i32
        %dma_start3A_601 = tpu.memref_slice %arg2[%multiple_of3A_590, %dma_start3A_600] : memref<1000000x64xf32, #tpu.memory_space<hbm>> -> memref<8x64xf32, #tpu.memory_space<hbm>>
        %dma_start3A_602 = arith.constant 0 : i32
        %dma_start3A_603 = arith.constant 0 : i32
        %dma_start3A_604 = tpu.memref_slice %arg6[%dma_start3A_595, %add3A_594, %dma_start3A_602, %dma_start3A_603] : memref<2x32x8x64xf32, #tpu.memory_space<vmem>> -> memref<1x1x8x64xf32, #tpu.memory_space<vmem>>
        %dma_start3A_605 = tpu.memref_squeeze %dma_start3A_604 : memref<1x1x8x64xf32, #tpu.memory_space<vmem>> -> memref<8x64xf32, #tpu.memory_space<vmem>>
        %dma_start3A_606 = arith.constant 0 : i32
        %dma_start3A_607 = tpu.memref_slice %arg2[%multiple_of3A_590, %dma_start3A_606] : memref<1000000x64xf32, #tpu.memory_space<hbm>> -> memref<8x64xf32, #tpu.memory_space<hbm>>
        tpu.enqueue_dma source(%dma_start3A_607 : memref<8x64xf32, #tpu.memory_space<hbm>>) target(%dma_start3A_605 : memref<8x64xf32, #tpu.memory_space<vmem>>) target_semaphore(%arg9 : memref<!tpu.dma_semaphore, #tpu.memory_space<semaphore_mem>>)
        %eq3A_608 = arith.constant 14 : i32
        %eq3A_609 = vector.broadcast %eq3A_608 : i32 to vector<16xi32>
        %eq3A_610 = arith.cmpi eq, %iota3A, %eq3A_609 : vector<16xi32>
        %jit3A_611 = arith.constant 0 : i32
        %broadcast_in_dim3A_612 = vector.broadcast %jit3A_611 : i32 to vector<16xi32>
        %select_n3A_613 = arith.select %eq3A_610, %get3A_109, %broadcast_in_dim3A_612 : vector<16xi1>, vector<16xi32>
        %reduce_max3A_614 = arith.constant true
        %reduce_max3A_615 = vector.broadcast %reduce_max3A_614 : i1 to vector<16xi1>
        %reduce_max3A_616 = arith.constant -2147483648 : i32
        %reduce_max3A_617 = vector.broadcast %reduce_max3A_616 : i32 to vector<16xi32>
        %reduce_max3A_618 = arith.xori %select_n3A_613, %reduce_max3A_617 : vector<16xi32>
        %reduce_max3A_619 = tpu.scan <max>, %reduce_max3A_618 masked %reduce_max3A_615 : vector<16xi32>, vector<16xi1> -> vector<16xi32>
        %reduce_max3A_620 = arith.xori %reduce_max3A_619, %reduce_max3A_617 : vector<16xi32>
        %reduce_max3A_621 = vector.extract %reduce_max3A_620[15] : i32 from vector<16xi32>
        %shift_right_logical3A_622 = arith.constant 3 : i32
        %shift_right_logical3A_623 = arith.shrui %reduce_max3A_621, %shift_right_logical3A_622 : i32
        %shift_left3A_624 = arith.constant 3 : i32
        %shift_left3A_625 = arith.shli %shift_right_logical3A_623, %shift_left3A_624 : i32
        %multiple_of3A_626 = tpu.assume_multiple %shift_left3A_625, 8 : i32
        %mul3A_627 = arith.constant 16 : i32
        %mul3A_628 = arith.muli %scan3A_103, %mul3A_627 : i32
        %add3A_629 = arith.constant 14 : i32
        %add3A_630 = arith.addi %mul3A_628, %add3A_629 : i32
        %dma_start3A_631 = arith.constant 1 : i32
        %dma_start3A_632 = arith.constant 0 : i32
        %dma_start3A_633 = arith.constant 0 : i32
        %dma_start3A_634 = tpu.memref_slice %arg6[%dma_start3A_631, %add3A_630, %dma_start3A_632, %dma_start3A_633] : memref<2x32x8x64xf32, #tpu.memory_space<vmem>> -> memref<1x1x8x64xf32, #tpu.memory_space<vmem>>
        %dma_start3A_635 = tpu.memref_squeeze %dma_start3A_634 : memref<1x1x8x64xf32, #tpu.memory_space<vmem>> -> memref<8x64xf32, #tpu.memory_space<vmem>>
        %dma_start3A_636 = arith.constant 0 : i32
        %dma_start3A_637 = tpu.memref_slice %arg2[%multiple_of3A_626, %dma_start3A_636] : memref<1000000x64xf32, #tpu.memory_space<hbm>> -> memref<8x64xf32, #tpu.memory_space<hbm>>
        %dma_start3A_638 = arith.constant 0 : i32
        %dma_start3A_639 = arith.constant 0 : i32
        %dma_start3A_640 = tpu.memref_slice %arg6[%dma_start3A_631, %add3A_630, %dma_start3A_638, %dma_start3A_639] : memref<2x32x8x64xf32, #tpu.memory_space<vmem>> -> memref<1x1x8x64xf32, #tpu.memory_space<vmem>>
        %dma_start3A_641 = tpu.memref_squeeze %dma_start3A_640 : memref<1x1x8x64xf32, #tpu.memory_space<vmem>> -> memref<8x64xf32, #tpu.memory_space<vmem>>
        %dma_start3A_642 = arith.constant 0 : i32
        %dma_start3A_643 = tpu.memref_slice %arg2[%multiple_of3A_626, %dma_start3A_642] : memref<1000000x64xf32, #tpu.memory_space<hbm>> -> memref<8x64xf32, #tpu.memory_space<hbm>>
        tpu.enqueue_dma source(%dma_start3A_643 : memref<8x64xf32, #tpu.memory_space<hbm>>) target(%dma_start3A_641 : memref<8x64xf32, #tpu.memory_space<vmem>>) target_semaphore(%arg9 : memref<!tpu.dma_semaphore, #tpu.memory_space<semaphore_mem>>)
        %eq3A_644 = arith.constant 15 : i32
        %eq3A_645 = vector.broadcast %eq3A_644 : i32 to vector<16xi32>
        %eq3A_646 = arith.cmpi eq, %iota3A, %eq3A_645 : vector<16xi32>
        %jit3A_647 = arith.constant 0 : i32
        %broadcast_in_dim3A_648 = vector.broadcast %jit3A_647 : i32 to vector<16xi32>
        %select_n3A_649 = arith.select %eq3A_646, %get3A_109, %broadcast_in_dim3A_648 : vector<16xi1>, vector<16xi32>
        %reduce_max3A_650 = arith.constant true
        %reduce_max3A_651 = vector.broadcast %reduce_max3A_650 : i1 to vector<16xi1>
        %reduce_max3A_652 = arith.constant -2147483648 : i32
        %reduce_max3A_653 = vector.broadcast %reduce_max3A_652 : i32 to vector<16xi32>
        %reduce_max3A_654 = arith.xori %select_n3A_649, %reduce_max3A_653 : vector<16xi32>
        %reduce_max3A_655 = tpu.scan <max>, %reduce_max3A_654 masked %reduce_max3A_651 : vector<16xi32>, vector<16xi1> -> vector<16xi32>
        %reduce_max3A_656 = arith.xori %reduce_max3A_655, %reduce_max3A_653 : vector<16xi32>
        %reduce_max3A_657 = vector.extract %reduce_max3A_656[15] : i32 from vector<16xi32>
        %shift_right_logical3A_658 = arith.constant 3 : i32
        %shift_right_logical3A_659 = arith.shrui %reduce_max3A_657, %shift_right_logical3A_658 : i32
        %shift_left3A_660 = arith.constant 3 : i32
        %shift_left3A_661 = arith.shli %shift_right_logical3A_659, %shift_left3A_660 : i32
        %multiple_of3A_662 = tpu.assume_multiple %shift_left3A_661, 8 : i32
        %mul3A_663 = arith.constant 16 : i32
        %mul3A_664 = arith.muli %scan3A_103, %mul3A_663 : i32
        %add3A_665 = arith.constant 15 : i32
        %add3A_666 = arith.addi %mul3A_664, %add3A_665 : i32
        %dma_start3A_667 = arith.constant 1 : i32
        %dma_start3A_668 = arith.constant 0 : i32
        %dma_start3A_669 = arith.constant 0 : i32
        %dma_start3A_670 = tpu.memref_slice %arg6[%dma_start3A_667, %add3A_666, %dma_start3A_668, %dma_start3A_669] : memref<2x32x8x64xf32, #tpu.memory_space<vmem>> -> memref<1x1x8x64xf32, #tpu.memory_space<vmem>>
        %dma_start3A_671 = tpu.memref_squeeze %dma_start3A_670 : memref<1x1x8x64xf32, #tpu.memory_space<vmem>> -> memref<8x64xf32, #tpu.memory_space<vmem>>
        %dma_start3A_672 = arith.constant 0 : i32
        %dma_start3A_673 = tpu.memref_slice %arg2[%multiple_of3A_662, %dma_start3A_672] : memref<1000000x64xf32, #tpu.memory_space<hbm>> -> memref<8x64xf32, #tpu.memory_space<hbm>>
        %dma_start3A_674 = arith.constant 0 : i32
        %dma_start3A_675 = arith.constant 0 : i32
        %dma_start3A_676 = tpu.memref_slice %arg6[%dma_start3A_667, %add3A_666, %dma_start3A_674, %dma_start3A_675] : memref<2x32x8x64xf32, #tpu.memory_space<vmem>> -> memref<1x1x8x64xf32, #tpu.memory_space<vmem>>
        %dma_start3A_677 = tpu.memref_squeeze %dma_start3A_676 : memref<1x1x8x64xf32, #tpu.memory_space<vmem>> -> memref<8x64xf32, #tpu.memory_space<vmem>>
        %dma_start3A_678 = arith.constant 0 : i32
        %dma_start3A_679 = tpu.memref_slice %arg2[%multiple_of3A_662, %dma_start3A_678] : memref<1000000x64xf32, #tpu.memory_space<hbm>> -> memref<8x64xf32, #tpu.memory_space<hbm>>
        tpu.enqueue_dma source(%dma_start3A_679 : memref<8x64xf32, #tpu.memory_space<hbm>>) target(%dma_start3A_677 : memref<8x64xf32, #tpu.memory_space<vmem>>) target_semaphore(%arg9 : memref<!tpu.dma_semaphore, #tpu.memory_space<semaphore_mem>>)
      }
      %scan3A_24 = arith.constant 2 : i32
      %scan3A_25 = arith.constant 0 : i32
      %scan3A_26 = arith.constant 0 : i32
      %scan3A_27 = arith.constant 32 : i32
      %scan3A_28 = arith.addi %scan3A_26, %scan3A_27 : i32
      %scan3A_29 = arith.constant 8 : i32
      scf.for %scan3A_103 = %scan3A_26 to %scan3A_28 step %scan3A_29  : i32 {
        %dma_wait3A = arith.constant 0 : i32
        %dma_wait3A_104 = arith.constant 0 : i32
        %dma_wait3A_105 = arith.constant 0 : i32
        %dma_wait3A_106 = arith.constant 0 : i32
        %dma_wait3A_107 = tpu.memref_slice %arg6[%dma_wait3A, %dma_wait3A_104, %dma_wait3A_105, %dma_wait3A_106] : memref<2x32x8x64xf32, #tpu.memory_space<vmem>> -> memref<1x1x8x64xf32, #tpu.memory_space<vmem>>
        %dma_wait3A_108 = tpu.memref_squeeze %dma_wait3A_107 : memref<1x1x8x64xf32, #tpu.memory_space<vmem>> -> memref<8x64xf32, #tpu.memory_space<vmem>>
        %dma_wait3A_109 = arith.constant 0 : i32
        %dma_wait3A_110 = arith.constant 0 : i32
        %dma_wait3A_111 = tpu.memref_slice %arg2[%dma_wait3A_109, %dma_wait3A_110] : memref<1000000x64xf32, #tpu.memory_space<hbm>> -> memref<8x64xf32, #tpu.memory_space<hbm>>
        %dma_wait3A_112 = arith.constant 0 : i32
        %dma_wait3A_113 = arith.constant 0 : i32
        %dma_wait3A_114 = tpu.memref_slice %arg6[%dma_wait3A, %dma_wait3A_104, %dma_wait3A_112, %dma_wait3A_113] : memref<2x32x8x64xf32, #tpu.memory_space<vmem>> -> memref<1x1x8x64xf32, #tpu.memory_space<vmem>>
        %dma_wait3A_115 = tpu.memref_squeeze %dma_wait3A_114 : memref<1x1x8x64xf32, #tpu.memory_space<vmem>> -> memref<8x64xf32, #tpu.memory_space<vmem>>
        %dma_wait3A_116 = arith.constant 0 : i32
        %dma_wait3A_117 = arith.constant 0 : i32
        %dma_wait3A_118 = tpu.memref_slice %arg2[%dma_wait3A_116, %dma_wait3A_117] : memref<1000000x64xf32, #tpu.memory_space<hbm>> -> memref<8x64xf32, #tpu.memory_space<hbm>>
        tpu.wait_dma2 semaphore(%arg8 : memref<!tpu.dma_semaphore, #tpu.memory_space<semaphore_mem>>) src(%dma_wait3A_118 : memref<8x64xf32, #tpu.memory_space<hbm>>) dst(%dma_wait3A_115 : memref<8x64xf32, #tpu.memory_space<vmem>>)
        %scan3A_119 = arith.constant 1 : i32
        %scan3A_120 = arith.addi %scan3A_103, %scan3A_119 : i32
        %dma_wait3A_121 = arith.constant 0 : i32
        %dma_wait3A_122 = arith.constant 0 : i32
        %dma_wait3A_123 = arith.constant 0 : i32
        %dma_wait3A_124 = arith.constant 0 : i32
        %dma_wait3A_125 = tpu.memref_slice %arg6[%dma_wait3A_121, %dma_wait3A_122, %dma_wait3A_123, %dma_wait3A_124] : memref<2x32x8x64xf32, #tpu.memory_space<vmem>> -> memref<1x1x8x64xf32, #tpu.memory_space<vmem>>
        %dma_wait3A_126 = tpu.memref_squeeze %dma_wait3A_125 : memref<1x1x8x64xf32, #tpu.memory_space<vmem>> -> memref<8x64xf32, #tpu.memory_space<vmem>>
        %dma_wait3A_127 = arith.constant 0 : i32
        %dma_wait3A_128 = arith.constant 0 : i32
        %dma_wait3A_129 = tpu.memref_slice %arg2[%dma_wait3A_127, %dma_wait3A_128] : memref<1000000x64xf32, #tpu.memory_space<hbm>> -> memref<8x64xf32, #tpu.memory_space<hbm>>
        %dma_wait3A_130 = arith.constant 0 : i32
        %dma_wait3A_131 = arith.constant 0 : i32
        %dma_wait3A_132 = tpu.memref_slice %arg6[%dma_wait3A_121, %dma_wait3A_122, %dma_wait3A_130, %dma_wait3A_131] : memref<2x32x8x64xf32, #tpu.memory_space<vmem>> -> memref<1x1x8x64xf32, #tpu.memory_space<vmem>>
        %dma_wait3A_133 = tpu.memref_squeeze %dma_wait3A_132 : memref<1x1x8x64xf32, #tpu.memory_space<vmem>> -> memref<8x64xf32, #tpu.memory_space<vmem>>
        %dma_wait3A_134 = arith.constant 0 : i32
        %dma_wait3A_135 = arith.constant 0 : i32
        %dma_wait3A_136 = tpu.memref_slice %arg2[%dma_wait3A_134, %dma_wait3A_135] : memref<1000000x64xf32, #tpu.memory_space<hbm>> -> memref<8x64xf32, #tpu.memory_space<hbm>>
        tpu.wait_dma2 semaphore(%arg8 : memref<!tpu.dma_semaphore, #tpu.memory_space<semaphore_mem>>) src(%dma_wait3A_136 : memref<8x64xf32, #tpu.memory_space<hbm>>) dst(%dma_wait3A_133 : memref<8x64xf32, #tpu.memory_space<vmem>>)
        %scan3A_137 = arith.constant 2 : i32
        %scan3A_138 = arith.addi %scan3A_103, %scan3A_137 : i32
        %dma_wait3A_139 = arith.constant 0 : i32
        %dma_wait3A_140 = arith.constant 0 : i32
        %dma_wait3A_141 = arith.constant 0 : i32
        %dma_wait3A_142 = arith.constant 0 : i32
        %dma_wait3A_143 = tpu.memref_slice %arg6[%dma_wait3A_139, %dma_wait3A_140, %dma_wait3A_141, %dma_wait3A_142] : memref<2x32x8x64xf32, #tpu.memory_space<vmem>> -> memref<1x1x8x64xf32, #tpu.memory_space<vmem>>
        %dma_wait3A_144 = tpu.memref_squeeze %dma_wait3A_143 : memref<1x1x8x64xf32, #tpu.memory_space<vmem>> -> memref<8x64xf32, #tpu.memory_space<vmem>>
        %dma_wait3A_145 = arith.constant 0 : i32
        %dma_wait3A_146 = arith.constant 0 : i32
        %dma_wait3A_147 = tpu.memref_slice %arg2[%dma_wait3A_145, %dma_wait3A_146] : memref<1000000x64xf32, #tpu.memory_space<hbm>> -> memref<8x64xf32, #tpu.memory_space<hbm>>
        %dma_wait3A_148 = arith.constant 0 : i32
        %dma_wait3A_149 = arith.constant 0 : i32
        %dma_wait3A_150 = tpu.memref_slice %arg6[%dma_wait3A_139, %dma_wait3A_140, %dma_wait3A_148, %dma_wait3A_149] : memref<2x32x8x64xf32, #tpu.memory_space<vmem>> -> memref<1x1x8x64xf32, #tpu.memory_space<vmem>>
        %dma_wait3A_151 = tpu.memref_squeeze %dma_wait3A_150 : memref<1x1x8x64xf32, #tpu.memory_space<vmem>> -> memref<8x64xf32, #tpu.memory_space<vmem>>
        %dma_wait3A_152 = arith.constant 0 : i32
        %dma_wait3A_153 = arith.constant 0 : i32
        %dma_wait3A_154 = tpu.memref_slice %arg2[%dma_wait3A_152, %dma_wait3A_153] : memref<1000000x64xf32, #tpu.memory_space<hbm>> -> memref<8x64xf32, #tpu.memory_space<hbm>>
        tpu.wait_dma2 semaphore(%arg8 : memref<!tpu.dma_semaphore, #tpu.memory_space<semaphore_mem>>) src(%dma_wait3A_154 : memref<8x64xf32, #tpu.memory_space<hbm>>) dst(%dma_wait3A_151 : memref<8x64xf32, #tpu.memory_space<vmem>>)
        %scan3A_155 = arith.constant 3 : i32
        %scan3A_156 = arith.addi %scan3A_103, %scan3A_155 : i32
        %dma_wait3A_157 = arith.constant 0 : i32
        %dma_wait3A_158 = arith.constant 0 : i32
        %dma_wait3A_159 = arith.constant 0 : i32
        %dma_wait3A_160 = arith.constant 0 : i32
        %dma_wait3A_161 = tpu.memref_slice %arg6[%dma_wait3A_157, %dma_wait3A_158, %dma_wait3A_159, %dma_wait3A_160] : memref<2x32x8x64xf32, #tpu.memory_space<vmem>> -> memref<1x1x8x64xf32, #tpu.memory_space<vmem>>
        %dma_wait3A_162 = tpu.memref_squeeze %dma_wait3A_161 : memref<1x1x8x64xf32, #tpu.memory_space<vmem>> -> memref<8x64xf32, #tpu.memory_space<vmem>>
        %dma_wait3A_163 = arith.constant 0 : i32
        %dma_wait3A_164 = arith.constant 0 : i32
        %dma_wait3A_165 = tpu.memref_slice %arg2[%dma_wait3A_163, %dma_wait3A_164] : memref<1000000x64xf32, #tpu.memory_space<hbm>> -> memref<8x64xf32, #tpu.memory_space<hbm>>
        %dma_wait3A_166 = arith.constant 0 : i32
        %dma_wait3A_167 = arith.constant 0 : i32
        %dma_wait3A_168 = tpu.memref_slice %arg6[%dma_wait3A_157, %dma_wait3A_158, %dma_wait3A_166, %dma_wait3A_167] : memref<2x32x8x64xf32, #tpu.memory_space<vmem>> -> memref<1x1x8x64xf32, #tpu.memory_space<vmem>>
        %dma_wait3A_169 = tpu.memref_squeeze %dma_wait3A_168 : memref<1x1x8x64xf32, #tpu.memory_space<vmem>> -> memref<8x64xf32, #tpu.memory_space<vmem>>
        %dma_wait3A_170 = arith.constant 0 : i32
        %dma_wait3A_171 = arith.constant 0 : i32
        %dma_wait3A_172 = tpu.memref_slice %arg2[%dma_wait3A_170, %dma_wait3A_171] : memref<1000000x64xf32, #tpu.memory_space<hbm>> -> memref<8x64xf32, #tpu.memory_space<hbm>>
        tpu.wait_dma2 semaphore(%arg8 : memref<!tpu.dma_semaphore, #tpu.memory_space<semaphore_mem>>) src(%dma_wait3A_172 : memref<8x64xf32, #tpu.memory_space<hbm>>) dst(%dma_wait3A_169 : memref<8x64xf32, #tpu.memory_space<vmem>>)
        %scan3A_173 = arith.constant 4 : i32
        %scan3A_174 = arith.addi %scan3A_103, %scan3A_173 : i32
        %dma_wait3A_175 = arith.constant 0 : i32
        %dma_wait3A_176 = arith.constant 0 : i32
        %dma_wait3A_177 = arith.constant 0 : i32
        %dma_wait3A_178 = arith.constant 0 : i32
        %dma_wait3A_179 = tpu.memref_slice %arg6[%dma_wait3A_175, %dma_wait3A_176, %dma_wait3A_177, %dma_wait3A_178] : memref<2x32x8x64xf32, #tpu.memory_space<vmem>> -> memref<1x1x8x64xf32, #tpu.memory_space<vmem>>
        %dma_wait3A_180 = tpu.memref_squeeze %dma_wait3A_179 : memref<1x1x8x64xf32, #tpu.memory_space<vmem>> -> memref<8x64xf32, #tpu.memory_space<vmem>>
        %dma_wait3A_181 = arith.constant 0 : i32
        %dma_wait3A_182 = arith.constant 0 : i32
        %dma_wait3A_183 = tpu.memref_slice %arg2[%dma_wait3A_181, %dma_wait3A_182] : memref<1000000x64xf32, #tpu.memory_space<hbm>> -> memref<8x64xf32, #tpu.memory_space<hbm>>
        %dma_wait3A_184 = arith.constant 0 : i32
        %dma_wait3A_185 = arith.constant 0 : i32
        %dma_wait3A_186 = tpu.memref_slice %arg6[%dma_wait3A_175, %dma_wait3A_176, %dma_wait3A_184, %dma_wait3A_185] : memref<2x32x8x64xf32, #tpu.memory_space<vmem>> -> memref<1x1x8x64xf32, #tpu.memory_space<vmem>>
        %dma_wait3A_187 = tpu.memref_squeeze %dma_wait3A_186 : memref<1x1x8x64xf32, #tpu.memory_space<vmem>> -> memref<8x64xf32, #tpu.memory_space<vmem>>
        %dma_wait3A_188 = arith.constant 0 : i32
        %dma_wait3A_189 = arith.constant 0 : i32
        %dma_wait3A_190 = tpu.memref_slice %arg2[%dma_wait3A_188, %dma_wait3A_189] : memref<1000000x64xf32, #tpu.memory_space<hbm>> -> memref<8x64xf32, #tpu.memory_space<hbm>>
        tpu.wait_dma2 semaphore(%arg8 : memref<!tpu.dma_semaphore, #tpu.memory_space<semaphore_mem>>) src(%dma_wait3A_190 : memref<8x64xf32, #tpu.memory_space<hbm>>) dst(%dma_wait3A_187 : memref<8x64xf32, #tpu.memory_space<vmem>>)
        %scan3A_191 = arith.constant 5 : i32
        %scan3A_192 = arith.addi %scan3A_103, %scan3A_191 : i32
        %dma_wait3A_193 = arith.constant 0 : i32
        %dma_wait3A_194 = arith.constant 0 : i32
        %dma_wait3A_195 = arith.constant 0 : i32
        %dma_wait3A_196 = arith.constant 0 : i32
        %dma_wait3A_197 = tpu.memref_slice %arg6[%dma_wait3A_193, %dma_wait3A_194, %dma_wait3A_195, %dma_wait3A_196] : memref<2x32x8x64xf32, #tpu.memory_space<vmem>> -> memref<1x1x8x64xf32, #tpu.memory_space<vmem>>
        %dma_wait3A_198 = tpu.memref_squeeze %dma_wait3A_197 : memref<1x1x8x64xf32, #tpu.memory_space<vmem>> -> memref<8x64xf32, #tpu.memory_space<vmem>>
        %dma_wait3A_199 = arith.constant 0 : i32
        %dma_wait3A_200 = arith.constant 0 : i32
        %dma_wait3A_201 = tpu.memref_slice %arg2[%dma_wait3A_199, %dma_wait3A_200] : memref<1000000x64xf32, #tpu.memory_space<hbm>> -> memref<8x64xf32, #tpu.memory_space<hbm>>
        %dma_wait3A_202 = arith.constant 0 : i32
        %dma_wait3A_203 = arith.constant 0 : i32
        %dma_wait3A_204 = tpu.memref_slice %arg6[%dma_wait3A_193, %dma_wait3A_194, %dma_wait3A_202, %dma_wait3A_203] : memref<2x32x8x64xf32, #tpu.memory_space<vmem>> -> memref<1x1x8x64xf32, #tpu.memory_space<vmem>>
        %dma_wait3A_205 = tpu.memref_squeeze %dma_wait3A_204 : memref<1x1x8x64xf32, #tpu.memory_space<vmem>> -> memref<8x64xf32, #tpu.memory_space<vmem>>
        %dma_wait3A_206 = arith.constant 0 : i32
        %dma_wait3A_207 = arith.constant 0 : i32
        %dma_wait3A_208 = tpu.memref_slice %arg2[%dma_wait3A_206, %dma_wait3A_207] : memref<1000000x64xf32, #tpu.memory_space<hbm>> -> memref<8x64xf32, #tpu.memory_space<hbm>>
        tpu.wait_dma2 semaphore(%arg8 : memref<!tpu.dma_semaphore, #tpu.memory_space<semaphore_mem>>) src(%dma_wait3A_208 : memref<8x64xf32, #tpu.memory_space<hbm>>) dst(%dma_wait3A_205 : memref<8x64xf32, #tpu.memory_space<vmem>>)
        %scan3A_209 = arith.constant 6 : i32
        %scan3A_210 = arith.addi %scan3A_103, %scan3A_209 : i32
        %dma_wait3A_211 = arith.constant 0 : i32
        %dma_wait3A_212 = arith.constant 0 : i32
        %dma_wait3A_213 = arith.constant 0 : i32
        %dma_wait3A_214 = arith.constant 0 : i32
        %dma_wait3A_215 = tpu.memref_slice %arg6[%dma_wait3A_211, %dma_wait3A_212, %dma_wait3A_213, %dma_wait3A_214] : memref<2x32x8x64xf32, #tpu.memory_space<vmem>> -> memref<1x1x8x64xf32, #tpu.memory_space<vmem>>
        %dma_wait3A_216 = tpu.memref_squeeze %dma_wait3A_215 : memref<1x1x8x64xf32, #tpu.memory_space<vmem>> -> memref<8x64xf32, #tpu.memory_space<vmem>>
        %dma_wait3A_217 = arith.constant 0 : i32
        %dma_wait3A_218 = arith.constant 0 : i32
        %dma_wait3A_219 = tpu.memref_slice %arg2[%dma_wait3A_217, %dma_wait3A_218] : memref<1000000x64xf32, #tpu.memory_space<hbm>> -> memref<8x64xf32, #tpu.memory_space<hbm>>
        %dma_wait3A_220 = arith.constant 0 : i32
        %dma_wait3A_221 = arith.constant 0 : i32
        %dma_wait3A_222 = tpu.memref_slice %arg6[%dma_wait3A_211, %dma_wait3A_212, %dma_wait3A_220, %dma_wait3A_221] : memref<2x32x8x64xf32, #tpu.memory_space<vmem>> -> memref<1x1x8x64xf32, #tpu.memory_space<vmem>>
        %dma_wait3A_223 = tpu.memref_squeeze %dma_wait3A_222 : memref<1x1x8x64xf32, #tpu.memory_space<vmem>> -> memref<8x64xf32, #tpu.memory_space<vmem>>
        %dma_wait3A_224 = arith.constant 0 : i32
        %dma_wait3A_225 = arith.constant 0 : i32
        %dma_wait3A_226 = tpu.memref_slice %arg2[%dma_wait3A_224, %dma_wait3A_225] : memref<1000000x64xf32, #tpu.memory_space<hbm>> -> memref<8x64xf32, #tpu.memory_space<hbm>>
        tpu.wait_dma2 semaphore(%arg8 : memref<!tpu.dma_semaphore, #tpu.memory_space<semaphore_mem>>) src(%dma_wait3A_226 : memref<8x64xf32, #tpu.memory_space<hbm>>) dst(%dma_wait3A_223 : memref<8x64xf32, #tpu.memory_space<vmem>>)
        %scan3A_227 = arith.constant 7 : i32
        %scan3A_228 = arith.addi %scan3A_103, %scan3A_227 : i32
        %dma_wait3A_229 = arith.constant 0 : i32
        %dma_wait3A_230 = arith.constant 0 : i32
        %dma_wait3A_231 = arith.constant 0 : i32
        %dma_wait3A_232 = arith.constant 0 : i32
        %dma_wait3A_233 = tpu.memref_slice %arg6[%dma_wait3A_229, %dma_wait3A_230, %dma_wait3A_231, %dma_wait3A_232] : memref<2x32x8x64xf32, #tpu.memory_space<vmem>> -> memref<1x1x8x64xf32, #tpu.memory_space<vmem>>
        %dma_wait3A_234 = tpu.memref_squeeze %dma_wait3A_233 : memref<1x1x8x64xf32, #tpu.memory_space<vmem>> -> memref<8x64xf32, #tpu.memory_space<vmem>>
        %dma_wait3A_235 = arith.constant 0 : i32
        %dma_wait3A_236 = arith.constant 0 : i32
        %dma_wait3A_237 = tpu.memref_slice %arg2[%dma_wait3A_235, %dma_wait3A_236] : memref<1000000x64xf32, #tpu.memory_space<hbm>> -> memref<8x64xf32, #tpu.memory_space<hbm>>
        %dma_wait3A_238 = arith.constant 0 : i32
        %dma_wait3A_239 = arith.constant 0 : i32
        %dma_wait3A_240 = tpu.memref_slice %arg6[%dma_wait3A_229, %dma_wait3A_230, %dma_wait3A_238, %dma_wait3A_239] : memref<2x32x8x64xf32, #tpu.memory_space<vmem>> -> memref<1x1x8x64xf32, #tpu.memory_space<vmem>>
        %dma_wait3A_241 = tpu.memref_squeeze %dma_wait3A_240 : memref<1x1x8x64xf32, #tpu.memory_space<vmem>> -> memref<8x64xf32, #tpu.memory_space<vmem>>
        %dma_wait3A_242 = arith.constant 0 : i32
        %dma_wait3A_243 = arith.constant 0 : i32
        %dma_wait3A_244 = tpu.memref_slice %arg2[%dma_wait3A_242, %dma_wait3A_243] : memref<1000000x64xf32, #tpu.memory_space<hbm>> -> memref<8x64xf32, #tpu.memory_space<hbm>>
        tpu.wait_dma2 semaphore(%arg8 : memref<!tpu.dma_semaphore, #tpu.memory_space<semaphore_mem>>) src(%dma_wait3A_244 : memref<8x64xf32, #tpu.memory_space<hbm>>) dst(%dma_wait3A_241 : memref<8x64xf32, #tpu.memory_space<vmem>>)
      }
      %scan3A_30 = arith.constant 32 : i32
      %scan3A_31 = arith.constant 0 : i32
      %scan3A_32 = arith.constant 0 : i32
      %scan3A_33 = arith.constant 2 : i32
      %scan3A_34 = arith.addi %scan3A_32, %scan3A_33 : i32
      %scan3A_35 = arith.constant 1 : i32
      scf.for %scan3A_103 = %scan3A_32 to %scan3A_34 step %scan3A_35  : i32 {
        %iota3A_104 = tpu.iota {dimensions = array<i32: 0>} : vector<16xi32>
        %mul3A_105 = arith.constant 16 : i32
        %mul3A_106 = arith.muli %scan3A_103, %mul3A_105 : i32
        %add3A_107 = vector.broadcast %mul3A_106 : i32 to vector<16xi32>
        %add3A_108 = arith.addi %iota3A_104, %add3A_107 : vector<16xi32>
        %mul3A_109 = arith.constant 32 : i32
        %mul3A_110 = arith.muli %mul3A_16, %mul3A_109 : i32
        %mul3A_111 = arith.constant 16 : i32
        %mul3A_112 = arith.muli %scan3A_103, %mul3A_111 : i32
        %add3A_113 = arith.addi %mul3A_110, %mul3A_112 : i32
        %get3A = arith.index_cast %add3A_113 : i32 to index
        %get3A_114 = tpu.vector_load %arg5[%get3A] {strides = array<i32>} : memref<1024xi32, #tpu.memory_space<vmem>>, vector<16xi32>,
        %and3A_115 = arith.constant 7 : i32
        %and3A_116 = vector.broadcast %and3A_115 : i32 to vector<16xi32>
        %and3A_117 = arith.andi %get3A_114, %and3A_116 : vector<16xi32>
        %shift_right_logical3A = arith.constant 1 : i32
        %shift_right_logical3A_118 = vector.broadcast %shift_right_logical3A : i32 to vector<16xi32>
        %shift_right_logical3A_119 = arith.shrui %add3A_108, %shift_right_logical3A_118 : vector<16xi32>
        %and3A_120 = arith.constant 1 : i32
        %and3A_121 = vector.broadcast %and3A_120 : i32 to vector<16xi32>
        %and3A_122 = arith.andi %add3A_108, %and3A_121 : vector<16xi32>
        %shift_left3A = arith.constant 6 : i32
        %shift_left3A_123 = vector.broadcast %shift_left3A : i32 to vector<16xi32>
        %shift_left3A_124 = arith.shli %and3A_122, %shift_left3A_123 : vector<16xi32>
        %broadcast_in_dim3A = arith.constant 0 : i32
        %broadcast_in_dim3A_125 = vector.broadcast %broadcast_in_dim3A : i32 to vector<16xi32>
        %scan3A_126 = arith.constant 0 : i32
        %scan3A_127 = arith.constant 0 : i32
        %scan3A_128 = arith.constant 64 : i32
        %scan3A_129 = arith.addi %scan3A_127, %scan3A_128 : i32
        %scan3A_130 = arith.constant 8 : i32
        scf.for %scan3A_132 = %scan3A_127 to %scan3A_129 step %scan3A_130  : i32 {
          %broadcast_in_dim3A_133 = arith.constant 0 : i32
          %broadcast_in_dim3A_134 = vector.broadcast %broadcast_in_dim3A_133 : i32 to vector<16xi32>
          %add3A_135 = vector.broadcast %scan3A_132 : i32 to vector<16xi32>
          %add3A_136 = arith.addi %broadcast_in_dim3A_134, %add3A_135 : vector<16xi32>
          %gather3A = tpu.vector_load_idx %arg6[%broadcast_in_dim3A_125, %add3A_108, %and3A_117, %add3A_136] : memref<2x32x8x64xf32, #tpu.memory_space<vmem>>[vector<16xi32>, vector<16xi32>, vector<16xi32>, vector<16xi32>], vector<16xf32>,
          %add3A_137 = vector.broadcast %scan3A_132 : i32 to vector<16xi32>
          %add3A_138 = arith.addi %shift_left3A_124, %add3A_137 : vector<16xi32>
          tpu.vector_store_idx %arg7[%shift_right_logical3A_119, %add3A_138], %gather3A : memref<16x128xf32, #tpu.memory_space<vmem>>[vector<16xi32>, vector<16xi32>], vector<16xf32>,
          %scan3A_139 = arith.constant 1 : i32
          %scan3A_140 = arith.addi %scan3A_132, %scan3A_139 : i32
          %broadcast_in_dim3A_141 = arith.constant 0 : i32
          %broadcast_in_dim3A_142 = vector.broadcast %broadcast_in_dim3A_141 : i32 to vector<16xi32>
          %add3A_143 = vector.broadcast %scan3A_140 : i32 to vector<16xi32>
          %add3A_144 = arith.addi %broadcast_in_dim3A_142, %add3A_143 : vector<16xi32>
          %gather3A_145 = tpu.vector_load_idx %arg6[%broadcast_in_dim3A_125, %add3A_108, %and3A_117, %add3A_144] : memref<2x32x8x64xf32, #tpu.memory_space<vmem>>[vector<16xi32>, vector<16xi32>, vector<16xi32>, vector<16xi32>], vector<16xf32>,
          %add3A_146 = vector.broadcast %scan3A_140 : i32 to vector<16xi32>
          %add3A_147 = arith.addi %shift_left3A_124, %add3A_146 : vector<16xi32>
          tpu.vector_store_idx %arg7[%shift_right_logical3A_119, %add3A_147], %gather3A_145 : memref<16x128xf32, #tpu.memory_space<vmem>>[vector<16xi32>, vector<16xi32>], vector<16xf32>,
          %scan3A_148 = arith.constant 2 : i32
          %scan3A_149 = arith.addi %scan3A_132, %scan3A_148 : i32
          %broadcast_in_dim3A_150 = arith.constant 0 : i32
          %broadcast_in_dim3A_151 = vector.broadcast %broadcast_in_dim3A_150 : i32 to vector<16xi32>
          %add3A_152 = vector.broadcast %scan3A_149 : i32 to vector<16xi32>
          %add3A_153 = arith.addi %broadcast_in_dim3A_151, %add3A_152 : vector<16xi32>
          %gather3A_154 = tpu.vector_load_idx %arg6[%broadcast_in_dim3A_125, %add3A_108, %and3A_117, %add3A_153] : memref<2x32x8x64xf32, #tpu.memory_space<vmem>>[vector<16xi32>, vector<16xi32>, vector<16xi32>, vector<16xi32>], vector<16xf32>,
          %add3A_155 = vector.broadcast %scan3A_149 : i32 to vector<16xi32>
          %add3A_156 = arith.addi %shift_left3A_124, %add3A_155 : vector<16xi32>
          tpu.vector_store_idx %arg7[%shift_right_logical3A_119, %add3A_156], %gather3A_154 : memref<16x128xf32, #tpu.memory_space<vmem>>[vector<16xi32>, vector<16xi32>], vector<16xf32>,
          %scan3A_157 = arith.constant 3 : i32
          %scan3A_158 = arith.addi %scan3A_132, %scan3A_157 : i32
          %broadcast_in_dim3A_159 = arith.constant 0 : i32
          %broadcast_in_dim3A_160 = vector.broadcast %broadcast_in_dim3A_159 : i32 to vector<16xi32>
          %add3A_161 = vector.broadcast %scan3A_158 : i32 to vector<16xi32>
          %add3A_162 = arith.addi %broadcast_in_dim3A_160, %add3A_161 : vector<16xi32>
          %gather3A_163 = tpu.vector_load_idx %arg6[%broadcast_in_dim3A_125, %add3A_108, %and3A_117, %add3A_162] : memref<2x32x8x64xf32, #tpu.memory_space<vmem>>[vector<16xi32>, vector<16xi32>, vector<16xi32>, vector<16xi32>], vector<16xf32>,
          %add3A_164 = vector.broadcast %scan3A_158 : i32 to vector<16xi32>
          %add3A_165 = arith.addi %shift_left3A_124, %add3A_164 : vector<16xi32>
          tpu.vector_store_idx %arg7[%shift_right_logical3A_119, %add3A_165], %gather3A_163 : memref<16x128xf32, #tpu.memory_space<vmem>>[vector<16xi32>, vector<16xi32>], vector<16xf32>,
          %scan3A_166 = arith.constant 4 : i32
          %scan3A_167 = arith.addi %scan3A_132, %scan3A_166 : i32
          %broadcast_in_dim3A_168 = arith.constant 0 : i32
          %broadcast_in_dim3A_169 = vector.broadcast %broadcast_in_dim3A_168 : i32 to vector<16xi32>
          %add3A_170 = vector.broadcast %scan3A_167 : i32 to vector<16xi32>
          %add3A_171 = arith.addi %broadcast_in_dim3A_169, %add3A_170 : vector<16xi32>
          %gather3A_172 = tpu.vector_load_idx %arg6[%broadcast_in_dim3A_125, %add3A_108, %and3A_117, %add3A_171] : memref<2x32x8x64xf32, #tpu.memory_space<vmem>>[vector<16xi32>, vector<16xi32>, vector<16xi32>, vector<16xi32>], vector<16xf32>,
          %add3A_173 = vector.broadcast %scan3A_167 : i32 to vector<16xi32>
          %add3A_174 = arith.addi %shift_left3A_124, %add3A_173 : vector<16xi32>
          tpu.vector_store_idx %arg7[%shift_right_logical3A_119, %add3A_174], %gather3A_172 : memref<16x128xf32, #tpu.memory_space<vmem>>[vector<16xi32>, vector<16xi32>], vector<16xf32>,
          %scan3A_175 = arith.constant 5 : i32
          %scan3A_176 = arith.addi %scan3A_132, %scan3A_175 : i32
          %broadcast_in_dim3A_177 = arith.constant 0 : i32
          %broadcast_in_dim3A_178 = vector.broadcast %broadcast_in_dim3A_177 : i32 to vector<16xi32>
          %add3A_179 = vector.broadcast %scan3A_176 : i32 to vector<16xi32>
          %add3A_180 = arith.addi %broadcast_in_dim3A_178, %add3A_179 : vector<16xi32>
          %gather3A_181 = tpu.vector_load_idx %arg6[%broadcast_in_dim3A_125, %add3A_108, %and3A_117, %add3A_180] : memref<2x32x8x64xf32, #tpu.memory_space<vmem>>[vector<16xi32>, vector<16xi32>, vector<16xi32>, vector<16xi32>], vector<16xf32>,
          %add3A_182 = vector.broadcast %scan3A_176 : i32 to vector<16xi32>
          %add3A_183 = arith.addi %shift_left3A_124, %add3A_182 : vector<16xi32>
          tpu.vector_store_idx %arg7[%shift_right_logical3A_119, %add3A_183], %gather3A_181 : memref<16x128xf32, #tpu.memory_space<vmem>>[vector<16xi32>, vector<16xi32>], vector<16xf32>,
          %scan3A_184 = arith.constant 6 : i32
          %scan3A_185 = arith.addi %scan3A_132, %scan3A_184 : i32
          %broadcast_in_dim3A_186 = arith.constant 0 : i32
          %broadcast_in_dim3A_187 = vector.broadcast %broadcast_in_dim3A_186 : i32 to vector<16xi32>
          %add3A_188 = vector.broadcast %scan3A_185 : i32 to vector<16xi32>
          %add3A_189 = arith.addi %broadcast_in_dim3A_187, %add3A_188 : vector<16xi32>
          %gather3A_190 = tpu.vector_load_idx %arg6[%broadcast_in_dim3A_125, %add3A_108, %and3A_117, %add3A_189] : memref<2x32x8x64xf32, #tpu.memory_space<vmem>>[vector<16xi32>, vector<16xi32>, vector<16xi32>, vector<16xi32>], vector<16xf32>,
          %add3A_191 = vector.broadcast %scan3A_185 : i32 to vector<16xi32>
          %add3A_192 = arith.addi %shift_left3A_124, %add3A_191 : vector<16xi32>
          tpu.vector_store_idx %arg7[%shift_right_logical3A_119, %add3A_192], %gather3A_190 : memref<16x128xf32, #tpu.memory_space<vmem>>[vector<16xi32>, vector<16xi32>], vector<16xf32>,
          %scan3A_193 = arith.constant 7 : i32
          %scan3A_194 = arith.addi %scan3A_132, %scan3A_193 : i32
          %broadcast_in_dim3A_195 = arith.constant 0 : i32
          %broadcast_in_dim3A_196 = vector.broadcast %broadcast_in_dim3A_195 : i32 to vector<16xi32>
          %add3A_197 = vector.broadcast %scan3A_194 : i32 to vector<16xi32>
          %add3A_198 = arith.addi %broadcast_in_dim3A_196, %add3A_197 : vector<16xi32>
          %gather3A_199 = tpu.vector_load_idx %arg6[%broadcast_in_dim3A_125, %add3A_108, %and3A_117, %add3A_198] : memref<2x32x8x64xf32, #tpu.memory_space<vmem>>[vector<16xi32>, vector<16xi32>, vector<16xi32>, vector<16xi32>], vector<16xf32>,
          %add3A_200 = vector.broadcast %scan3A_194 : i32 to vector<16xi32>
          %add3A_201 = arith.addi %shift_left3A_124, %add3A_200 : vector<16xi32>
          tpu.vector_store_idx %arg7[%shift_right_logical3A_119, %add3A_201], %gather3A_199 : memref<16x128xf32, #tpu.memory_space<vmem>>[vector<16xi32>, vector<16xi32>], vector<16xf32>,
        }
        %scan3A_131 = arith.constant 64 : i32
      }
      %scan3A_36 = arith.constant 2 : i32
      %mul3A_37 = arith.constant 32 : i32
      %mul3A_38 = arith.muli %mul3A_16, %mul3A_37 : i32
      %add3A_39 = arith.addi %multiple_of3A, %mul3A_38 : i32
      %jit3A = arith.constant 2 : i32
      %div3A = arith.divsi %add3A_39, %jit3A : i32
      %sign3A = arith.constant 0 : i32
      %sign3A_40 = arith.cmpi sgt, %add3A_39, %sign3A : i32
      %sign3A_41 = arith.extui %sign3A_40 : i1 to i32
      %sign3A_42 = arith.constant 0 : i32
      %sign3A_43 = arith.cmpi slt, %add3A_39, %sign3A_42 : i32
      %sign3A_44 = arith.extui %sign3A_43 : i1 to i32
      %sign3A_45 = arith.subi %sign3A_41, %sign3A_44 : i32
      %sign3A_46 = arith.constant 0 : i32
      %sign3A_47 = arith.cmpi sgt, %jit3A, %sign3A_46 : i32
      %sign3A_48 = arith.extui %sign3A_47 : i1 to i32
      %sign3A_49 = arith.constant 0 : i32
      %sign3A_50 = arith.cmpi slt, %jit3A, %sign3A_49 : i32
      %sign3A_51 = arith.extui %sign3A_50 : i1 to i32
      %sign3A_52 = arith.subi %sign3A_48, %sign3A_51 : i32
      %ne3A = arith.cmpi ne, %sign3A_45, %sign3A_52 : i32
      %rem3A = arith.remsi %add3A_39, %jit3A : i32
      %ne3A_53 = arith.constant 0 : i32
      %ne3A_54 = arith.cmpi ne, %rem3A, %ne3A_53 : i32
      %and3A = arith.andi %ne3A, %ne3A_54 : i1
      %sub3A = arith.constant 1 : i32
      %sub3A_55 = arith.subi %div3A, %sub3A : i32
      %select_n3A = arith.select %and3A, %sub3A_55, %div3A : i32
      %multiple_of3A_56 = tpu.assume_multiple %select_n3A, 16 : i32
      "tpu.region"() ({
        %run_scoped3A = tpu.sem_alloc : memref<!tpu.dma_semaphore, #tpu.memory_space<semaphore_mem>>
        %dma_start3A = arith.constant 0 : i32
        %dma_start3A_103 = tpu.memref_slice %arg4[%multiple_of3A_56, %dma_start3A] : memref<16384x128xf32, #tpu.memory_space<hbm>> -> memref<16x128xf32, #tpu.memory_space<hbm>>
        %dma_start3A_104 = arith.constant 0 : i32
        %dma_start3A_105 = tpu.memref_slice %arg4[%multiple_of3A_56, %dma_start3A_104] : memref<16384x128xf32, #tpu.memory_space<hbm>> -> memref<16x128xf32, #tpu.memory_space<hbm>>
        tpu.enqueue_dma source(%arg7 : memref<16x128xf32, #tpu.memory_space<vmem>>) target(%dma_start3A_105 : memref<16x128xf32, #tpu.memory_space<hbm>>) target_semaphore(%run_scoped3A : memref<!tpu.dma_semaphore, #tpu.memory_space<semaphore_mem>>)
        %dma_wait3A = arith.constant 0 : i32
        %dma_wait3A_106 = tpu.memref_slice %arg4[%multiple_of3A_56, %dma_wait3A] : memref<16384x128xf32, #tpu.memory_space<hbm>> -> memref<16x128xf32, #tpu.memory_space<hbm>>
        %dma_wait3A_107 = arith.constant 0 : i32
        %dma_wait3A_108 = tpu.memref_slice %arg4[%multiple_of3A_56, %dma_wait3A_107] : memref<16384x128xf32, #tpu.memory_space<hbm>> -> memref<16x128xf32, #tpu.memory_space<hbm>>
        tpu.wait_dma2 semaphore(%run_scoped3A : memref<!tpu.dma_semaphore, #tpu.memory_space<semaphore_mem>>) src(%arg7 : memref<16x128xf32, #tpu.memory_space<vmem>>) dst(%dma_wait3A_108 : memref<16x128xf32, #tpu.memory_space<hbm>>)
        tpu.yield
      }) : () -> ()
      %add3A_57 = arith.constant 1 : i32
      %add3A_58 = arith.addi %scan3A_14, %add3A_57 : i32
      %lt3A = arith.constant 16 : i32
      %lt3A_59 = arith.cmpi slt, %add3A_58, %lt3A : i32
      %convert_element_type3A = arith.extui %lt3A_59 : i1 to i32
      %cond3A = arith.constant 0 : i32
      %cond3A_60 = arith.cmpi ne, %convert_element_type3A, %cond3A : i32
      scf.if %cond3A_60 {
        %add3A_103 = arith.constant 2 : i32
        %add3A_104 = arith.addi %mul3A_16, %add3A_103 : i32
        %scan3A_105 = arith.constant 0 : i32
        %scan3A_106 = arith.constant 0 : i32
        %scan3A_107 = arith.constant 2 : i32
        %scan3A_108 = arith.addi %scan3A_106, %scan3A_107 : i32
        %scan3A_109 = arith.constant 1 : i32
        scf.for %scan3A_111 = %scan3A_106 to %scan3A_108 step %scan3A_109  : i32 {
          %mul3A_112 = arith.constant 32 : i32
          %mul3A_113 = arith.muli %add3A_104, %mul3A_112 : i32
          %mul3A_114 = arith.constant 16 : i32
          %mul3A_115 = arith.muli %scan3A_111, %mul3A_114 : i32
          %add3A_116 = arith.addi %mul3A_113, %mul3A_115 : i32
          %get3A = arith.index_cast %add3A_116 : i32 to index
          %get3A_117 = tpu.vector_load %arg5[%get3A] {strides = array<i32>} : memref<1024xi32, #tpu.memory_space<vmem>>, vector<16xi32>,
          %eq3A = arith.constant 0 : i32
          %eq3A_118 = vector.broadcast %eq3A : i32 to vector<16xi32>
          %eq3A_119 = arith.cmpi eq, %iota3A, %eq3A_118 : vector<16xi32>
          %jit3A_120 = arith.constant 0 : i32
          %broadcast_in_dim3A = vector.broadcast %jit3A_120 : i32 to vector<16xi32>
          %select_n3A_121 = arith.select %eq3A_119, %get3A_117, %broadcast_in_dim3A : vector<16xi1>, vector<16xi32>
          %reduce_max3A = arith.constant true
          %reduce_max3A_122 = vector.broadcast %reduce_max3A : i1 to vector<16xi1>
          %reduce_max3A_123 = arith.constant -2147483648 : i32
          %reduce_max3A_124 = vector.broadcast %reduce_max3A_123 : i32 to vector<16xi32>
          %reduce_max3A_125 = arith.xori %select_n3A_121, %reduce_max3A_124 : vector<16xi32>
          %reduce_max3A_126 = tpu.scan <max>, %reduce_max3A_125 masked %reduce_max3A_122 : vector<16xi32>, vector<16xi1> -> vector<16xi32>
          %reduce_max3A_127 = arith.xori %reduce_max3A_126, %reduce_max3A_124 : vector<16xi32>
          %reduce_max3A_128 = vector.extract %reduce_max3A_127[15] : i32 from vector<16xi32>
          %shift_right_logical3A = arith.constant 3 : i32
          %shift_right_logical3A_129 = arith.shrui %reduce_max3A_128, %shift_right_logical3A : i32
          %shift_left3A = arith.constant 3 : i32
          %shift_left3A_130 = arith.shli %shift_right_logical3A_129, %shift_left3A : i32
          %multiple_of3A_131 = tpu.assume_multiple %shift_left3A_130, 8 : i32
          %mul3A_132 = arith.constant 16 : i32
          %mul3A_133 = arith.muli %scan3A_111, %mul3A_132 : i32
          %add3A_134 = arith.constant 0 : i32
          %add3A_135 = arith.addi %mul3A_133, %add3A_134 : i32
          %dma_start3A = arith.constant 0 : i32
          %dma_start3A_136 = arith.constant 0 : i32
          %dma_start3A_137 = arith.constant 0 : i32
          %dma_start3A_138 = tpu.memref_slice %arg6[%dma_start3A, %add3A_135, %dma_start3A_136, %dma_start3A_137] : memref<2x32x8x64xf32, #tpu.memory_space<vmem>> -> memref<1x1x8x64xf32, #tpu.memory_space<vmem>>
          %dma_start3A_139 = tpu.memref_squeeze %dma_start3A_138 : memref<1x1x8x64xf32, #tpu.memory_space<vmem>> -> memref<8x64xf32, #tpu.memory_space<vmem>>
          %dma_start3A_140 = arith.constant 0 : i32
          %dma_start3A_141 = tpu.memref_slice %arg2[%multiple_of3A_131, %dma_start3A_140] : memref<1000000x64xf32, #tpu.memory_space<hbm>> -> memref<8x64xf32, #tpu.memory_space<hbm>>
          %dma_start3A_142 = arith.constant 0 : i32
          %dma_start3A_143 = arith.constant 0 : i32
          %dma_start3A_144 = tpu.memref_slice %arg6[%dma_start3A, %add3A_135, %dma_start3A_142, %dma_start3A_143] : memref<2x32x8x64xf32, #tpu.memory_space<vmem>> -> memref<1x1x8x64xf32, #tpu.memory_space<vmem>>
          %dma_start3A_145 = tpu.memref_squeeze %dma_start3A_144 : memref<1x1x8x64xf32, #tpu.memory_space<vmem>> -> memref<8x64xf32, #tpu.memory_space<vmem>>
          %dma_start3A_146 = arith.constant 0 : i32
          %dma_start3A_147 = tpu.memref_slice %arg2[%multiple_of3A_131, %dma_start3A_146] : memref<1000000x64xf32, #tpu.memory_space<hbm>> -> memref<8x64xf32, #tpu.memory_space<hbm>>
          tpu.enqueue_dma source(%dma_start3A_147 : memref<8x64xf32, #tpu.memory_space<hbm>>) target(%dma_start3A_145 : memref<8x64xf32, #tpu.memory_space<vmem>>) target_semaphore(%arg8 : memref<!tpu.dma_semaphore, #tpu.memory_space<semaphore_mem>>)
          %eq3A_148 = arith.constant 1 : i32
          %eq3A_149 = vector.broadcast %eq3A_148 : i32 to vector<16xi32>
          %eq3A_150 = arith.cmpi eq, %iota3A, %eq3A_149 : vector<16xi32>
          %jit3A_151 = arith.constant 0 : i32
          %broadcast_in_dim3A_152 = vector.broadcast %jit3A_151 : i32 to vector<16xi32>
          %select_n3A_153 = arith.select %eq3A_150, %get3A_117, %broadcast_in_dim3A_152 : vector<16xi1>, vector<16xi32>
          %reduce_max3A_154 = arith.constant true
          %reduce_max3A_155 = vector.broadcast %reduce_max3A_154 : i1 to vector<16xi1>
          %reduce_max3A_156 = arith.constant -2147483648 : i32
          %reduce_max3A_157 = vector.broadcast %reduce_max3A_156 : i32 to vector<16xi32>
          %reduce_max3A_158 = arith.xori %select_n3A_153, %reduce_max3A_157 : vector<16xi32>
          %reduce_max3A_159 = tpu.scan <max>, %reduce_max3A_158 masked %reduce_max3A_155 : vector<16xi32>, vector<16xi1> -> vector<16xi32>
          %reduce_max3A_160 = arith.xori %reduce_max3A_159, %reduce_max3A_157 : vector<16xi32>
          %reduce_max3A_161 = vector.extract %reduce_max3A_160[15] : i32 from vector<16xi32>
          %shift_right_logical3A_162 = arith.constant 3 : i32
          %shift_right_logical3A_163 = arith.shrui %reduce_max3A_161, %shift_right_logical3A_162 : i32
          %shift_left3A_164 = arith.constant 3 : i32
          %shift_left3A_165 = arith.shli %shift_right_logical3A_163, %shift_left3A_164 : i32
          %multiple_of3A_166 = tpu.assume_multiple %shift_left3A_165, 8 : i32
          %mul3A_167 = arith.constant 16 : i32
          %mul3A_168 = arith.muli %scan3A_111, %mul3A_167 : i32
          %add3A_169 = arith.constant 1 : i32
          %add3A_170 = arith.addi %mul3A_168, %add3A_169 : i32
          %dma_start3A_171 = arith.constant 0 : i32
          %dma_start3A_172 = arith.constant 0 : i32
          %dma_start3A_173 = arith.constant 0 : i32
          %dma_start3A_174 = tpu.memref_slice %arg6[%dma_start3A_171, %add3A_170, %dma_start3A_172, %dma_start3A_173] : memref<2x32x8x64xf32, #tpu.memory_space<vmem>> -> memref<1x1x8x64xf32, #tpu.memory_space<vmem>>
          %dma_start3A_175 = tpu.memref_squeeze %dma_start3A_174 : memref<1x1x8x64xf32, #tpu.memory_space<vmem>> -> memref<8x64xf32, #tpu.memory_space<vmem>>
          %dma_start3A_176 = arith.constant 0 : i32
          %dma_start3A_177 = tpu.memref_slice %arg2[%multiple_of3A_166, %dma_start3A_176] : memref<1000000x64xf32, #tpu.memory_space<hbm>> -> memref<8x64xf32, #tpu.memory_space<hbm>>
          %dma_start3A_178 = arith.constant 0 : i32
          %dma_start3A_179 = arith.constant 0 : i32
          %dma_start3A_180 = tpu.memref_slice %arg6[%dma_start3A_171, %add3A_170, %dma_start3A_178, %dma_start3A_179] : memref<2x32x8x64xf32, #tpu.memory_space<vmem>> -> memref<1x1x8x64xf32, #tpu.memory_space<vmem>>
          %dma_start3A_181 = tpu.memref_squeeze %dma_start3A_180 : memref<1x1x8x64xf32, #tpu.memory_space<vmem>> -> memref<8x64xf32, #tpu.memory_space<vmem>>
          %dma_start3A_182 = arith.constant 0 : i32
          %dma_start3A_183 = tpu.memref_slice %arg2[%multiple_of3A_166, %dma_start3A_182] : memref<1000000x64xf32, #tpu.memory_space<hbm>> -> memref<8x64xf32, #tpu.memory_space<hbm>>
          tpu.enqueue_dma source(%dma_start3A_183 : memref<8x64xf32, #tpu.memory_space<hbm>>) target(%dma_start3A_181 : memref<8x64xf32, #tpu.memory_space<vmem>>) target_semaphore(%arg8 : memref<!tpu.dma_semaphore, #tpu.memory_space<semaphore_mem>>)
          %eq3A_184 = arith.constant 2 : i32
          %eq3A_185 = vector.broadcast %eq3A_184 : i32 to vector<16xi32>
          %eq3A_186 = arith.cmpi eq, %iota3A, %eq3A_185 : vector<16xi32>
          %jit3A_187 = arith.constant 0 : i32
          %broadcast_in_dim3A_188 = vector.broadcast %jit3A_187 : i32 to vector<16xi32>
          %select_n3A_189 = arith.select %eq3A_186, %get3A_117, %broadcast_in_dim3A_188 : vector<16xi1>, vector<16xi32>
          %reduce_max3A_190 = arith.constant true
          %reduce_max3A_191 = vector.broadcast %reduce_max3A_190 : i1 to vector<16xi1>
          %reduce_max3A_192 = arith.constant -2147483648 : i32
          %reduce_max3A_193 = vector.broadcast %reduce_max3A_192 : i32 to vector<16xi32>
          %reduce_max3A_194 = arith.xori %select_n3A_189, %reduce_max3A_193 : vector<16xi32>
          %reduce_max3A_195 = tpu.scan <max>, %reduce_max3A_194 masked %reduce_max3A_191 : vector<16xi32>, vector<16xi1> -> vector<16xi32>
          %reduce_max3A_196 = arith.xori %reduce_max3A_195, %reduce_max3A_193 : vector<16xi32>
          %reduce_max3A_197 = vector.extract %reduce_max3A_196[15] : i32 from vector<16xi32>
          %shift_right_logical3A_198 = arith.constant 3 : i32
          %shift_right_logical3A_199 = arith.shrui %reduce_max3A_197, %shift_right_logical3A_198 : i32
          %shift_left3A_200 = arith.constant 3 : i32
          %shift_left3A_201 = arith.shli %shift_right_logical3A_199, %shift_left3A_200 : i32
          %multiple_of3A_202 = tpu.assume_multiple %shift_left3A_201, 8 : i32
          %mul3A_203 = arith.constant 16 : i32
          %mul3A_204 = arith.muli %scan3A_111, %mul3A_203 : i32
          %add3A_205 = arith.constant 2 : i32
          %add3A_206 = arith.addi %mul3A_204, %add3A_205 : i32
          %dma_start3A_207 = arith.constant 0 : i32
          %dma_start3A_208 = arith.constant 0 : i32
          %dma_start3A_209 = arith.constant 0 : i32
          %dma_start3A_210 = tpu.memref_slice %arg6[%dma_start3A_207, %add3A_206, %dma_start3A_208, %dma_start3A_209] : memref<2x32x8x64xf32, #tpu.memory_space<vmem>> -> memref<1x1x8x64xf32, #tpu.memory_space<vmem>>
          %dma_start3A_211 = tpu.memref_squeeze %dma_start3A_210 : memref<1x1x8x64xf32, #tpu.memory_space<vmem>> -> memref<8x64xf32, #tpu.memory_space<vmem>>
          %dma_start3A_212 = arith.constant 0 : i32
          %dma_start3A_213 = tpu.memref_slice %arg2[%multiple_of3A_202, %dma_start3A_212] : memref<1000000x64xf32, #tpu.memory_space<hbm>> -> memref<8x64xf32, #tpu.memory_space<hbm>>
          %dma_start3A_214 = arith.constant 0 : i32
          %dma_start3A_215 = arith.constant 0 : i32
          %dma_start3A_216 = tpu.memref_slice %arg6[%dma_start3A_207, %add3A_206, %dma_start3A_214, %dma_start3A_215] : memref<2x32x8x64xf32, #tpu.memory_space<vmem>> -> memref<1x1x8x64xf32, #tpu.memory_space<vmem>>
          %dma_start3A_217 = tpu.memref_squeeze %dma_start3A_216 : memref<1x1x8x64xf32, #tpu.memory_space<vmem>> -> memref<8x64xf32, #tpu.memory_space<vmem>>
          %dma_start3A_218 = arith.constant 0 : i32
          %dma_start3A_219 = tpu.memref_slice %arg2[%multiple_of3A_202, %dma_start3A_218] : memref<1000000x64xf32, #tpu.memory_space<hbm>> -> memref<8x64xf32, #tpu.memory_space<hbm>>
          tpu.enqueue_dma source(%dma_start3A_219 : memref<8x64xf32, #tpu.memory_space<hbm>>) target(%dma_start3A_217 : memref<8x64xf32, #tpu.memory_space<vmem>>) target_semaphore(%arg8 : memref<!tpu.dma_semaphore, #tpu.memory_space<semaphore_mem>>)
          %eq3A_220 = arith.constant 3 : i32
          %eq3A_221 = vector.broadcast %eq3A_220 : i32 to vector<16xi32>
          %eq3A_222 = arith.cmpi eq, %iota3A, %eq3A_221 : vector<16xi32>
          %jit3A_223 = arith.constant 0 : i32
          %broadcast_in_dim3A_224 = vector.broadcast %jit3A_223 : i32 to vector<16xi32>
          %select_n3A_225 = arith.select %eq3A_222, %get3A_117, %broadcast_in_dim3A_224 : vector<16xi1>, vector<16xi32>
          %reduce_max3A_226 = arith.constant true
          %reduce_max3A_227 = vector.broadcast %reduce_max3A_226 : i1 to vector<16xi1>
          %reduce_max3A_228 = arith.constant -2147483648 : i32
          %reduce_max3A_229 = vector.broadcast %reduce_max3A_228 : i32 to vector<16xi32>
          %reduce_max3A_230 = arith.xori %select_n3A_225, %reduce_max3A_229 : vector<16xi32>
          %reduce_max3A_231 = tpu.scan <max>, %reduce_max3A_230 masked %reduce_max3A_227 : vector<16xi32>, vector<16xi1> -> vector<16xi32>
          %reduce_max3A_232 = arith.xori %reduce_max3A_231, %reduce_max3A_229 : vector<16xi32>
          %reduce_max3A_233 = vector.extract %reduce_max3A_232[15] : i32 from vector<16xi32>
          %shift_right_logical3A_234 = arith.constant 3 : i32
          %shift_right_logical3A_235 = arith.shrui %reduce_max3A_233, %shift_right_logical3A_234 : i32
          %shift_left3A_236 = arith.constant 3 : i32
          %shift_left3A_237 = arith.shli %shift_right_logical3A_235, %shift_left3A_236 : i32
          %multiple_of3A_238 = tpu.assume_multiple %shift_left3A_237, 8 : i32
          %mul3A_239 = arith.constant 16 : i32
          %mul3A_240 = arith.muli %scan3A_111, %mul3A_239 : i32
          %add3A_241 = arith.constant 3 : i32
          %add3A_242 = arith.addi %mul3A_240, %add3A_241 : i32
          %dma_start3A_243 = arith.constant 0 : i32
          %dma_start3A_244 = arith.constant 0 : i32
          %dma_start3A_245 = arith.constant 0 : i32
          %dma_start3A_246 = tpu.memref_slice %arg6[%dma_start3A_243, %add3A_242, %dma_start3A_244, %dma_start3A_245] : memref<2x32x8x64xf32, #tpu.memory_space<vmem>> -> memref<1x1x8x64xf32, #tpu.memory_space<vmem>>
          %dma_start3A_247 = tpu.memref_squeeze %dma_start3A_246 : memref<1x1x8x64xf32, #tpu.memory_space<vmem>> -> memref<8x64xf32, #tpu.memory_space<vmem>>
          %dma_start3A_248 = arith.constant 0 : i32
          %dma_start3A_249 = tpu.memref_slice %arg2[%multiple_of3A_238, %dma_start3A_248] : memref<1000000x64xf32, #tpu.memory_space<hbm>> -> memref<8x64xf32, #tpu.memory_space<hbm>>
          %dma_start3A_250 = arith.constant 0 : i32
          %dma_start3A_251 = arith.constant 0 : i32
          %dma_start3A_252 = tpu.memref_slice %arg6[%dma_start3A_243, %add3A_242, %dma_start3A_250, %dma_start3A_251] : memref<2x32x8x64xf32, #tpu.memory_space<vmem>> -> memref<1x1x8x64xf32, #tpu.memory_space<vmem>>
          %dma_start3A_253 = tpu.memref_squeeze %dma_start3A_252 : memref<1x1x8x64xf32, #tpu.memory_space<vmem>> -> memref<8x64xf32, #tpu.memory_space<vmem>>
          %dma_start3A_254 = arith.constant 0 : i32
          %dma_start3A_255 = tpu.memref_slice %arg2[%multiple_of3A_238, %dma_start3A_254] : memref<1000000x64xf32, #tpu.memory_space<hbm>> -> memref<8x64xf32, #tpu.memory_space<hbm>>
          tpu.enqueue_dma source(%dma_start3A_255 : memref<8x64xf32, #tpu.memory_space<hbm>>) target(%dma_start3A_253 : memref<8x64xf32, #tpu.memory_space<vmem>>) target_semaphore(%arg8 : memref<!tpu.dma_semaphore, #tpu.memory_space<semaphore_mem>>)
          %eq3A_256 = arith.constant 4 : i32
          %eq3A_257 = vector.broadcast %eq3A_256 : i32 to vector<16xi32>
          %eq3A_258 = arith.cmpi eq, %iota3A, %eq3A_257 : vector<16xi32>
          %jit3A_259 = arith.constant 0 : i32
          %broadcast_in_dim3A_260 = vector.broadcast %jit3A_259 : i32 to vector<16xi32>
          %select_n3A_261 = arith.select %eq3A_258, %get3A_117, %broadcast_in_dim3A_260 : vector<16xi1>, vector<16xi32>
          %reduce_max3A_262 = arith.constant true
          %reduce_max3A_263 = vector.broadcast %reduce_max3A_262 : i1 to vector<16xi1>
          %reduce_max3A_264 = arith.constant -2147483648 : i32
          %reduce_max3A_265 = vector.broadcast %reduce_max3A_264 : i32 to vector<16xi32>
          %reduce_max3A_266 = arith.xori %select_n3A_261, %reduce_max3A_265 : vector<16xi32>
          %reduce_max3A_267 = tpu.scan <max>, %reduce_max3A_266 masked %reduce_max3A_263 : vector<16xi32>, vector<16xi1> -> vector<16xi32>
          %reduce_max3A_268 = arith.xori %reduce_max3A_267, %reduce_max3A_265 : vector<16xi32>
          %reduce_max3A_269 = vector.extract %reduce_max3A_268[15] : i32 from vector<16xi32>
          %shift_right_logical3A_270 = arith.constant 3 : i32
          %shift_right_logical3A_271 = arith.shrui %reduce_max3A_269, %shift_right_logical3A_270 : i32
          %shift_left3A_272 = arith.constant 3 : i32
          %shift_left3A_273 = arith.shli %shift_right_logical3A_271, %shift_left3A_272 : i32
          %multiple_of3A_274 = tpu.assume_multiple %shift_left3A_273, 8 : i32
          %mul3A_275 = arith.constant 16 : i32
          %mul3A_276 = arith.muli %scan3A_111, %mul3A_275 : i32
          %add3A_277 = arith.constant 4 : i32
          %add3A_278 = arith.addi %mul3A_276, %add3A_277 : i32
          %dma_start3A_279 = arith.constant 0 : i32
          %dma_start3A_280 = arith.constant 0 : i32
          %dma_start3A_281 = arith.constant 0 : i32
          %dma_start3A_282 = tpu.memref_slice %arg6[%dma_start3A_279, %add3A_278, %dma_start3A_280, %dma_start3A_281] : memref<2x32x8x64xf32, #tpu.memory_space<vmem>> -> memref<1x1x8x64xf32, #tpu.memory_space<vmem>>
          %dma_start3A_283 = tpu.memref_squeeze %dma_start3A_282 : memref<1x1x8x64xf32, #tpu.memory_space<vmem>> -> memref<8x64xf32, #tpu.memory_space<vmem>>
          %dma_start3A_284 = arith.constant 0 : i32
          %dma_start3A_285 = tpu.memref_slice %arg2[%multiple_of3A_274, %dma_start3A_284] : memref<1000000x64xf32, #tpu.memory_space<hbm>> -> memref<8x64xf32, #tpu.memory_space<hbm>>
          %dma_start3A_286 = arith.constant 0 : i32
          %dma_start3A_287 = arith.constant 0 : i32
          %dma_start3A_288 = tpu.memref_slice %arg6[%dma_start3A_279, %add3A_278, %dma_start3A_286, %dma_start3A_287] : memref<2x32x8x64xf32, #tpu.memory_space<vmem>> -> memref<1x1x8x64xf32, #tpu.memory_space<vmem>>
          %dma_start3A_289 = tpu.memref_squeeze %dma_start3A_288 : memref<1x1x8x64xf32, #tpu.memory_space<vmem>> -> memref<8x64xf32, #tpu.memory_space<vmem>>
          %dma_start3A_290 = arith.constant 0 : i32
          %dma_start3A_291 = tpu.memref_slice %arg2[%multiple_of3A_274, %dma_start3A_290] : memref<1000000x64xf32, #tpu.memory_space<hbm>> -> memref<8x64xf32, #tpu.memory_space<hbm>>
          tpu.enqueue_dma source(%dma_start3A_291 : memref<8x64xf32, #tpu.memory_space<hbm>>) target(%dma_start3A_289 : memref<8x64xf32, #tpu.memory_space<vmem>>) target_semaphore(%arg8 : memref<!tpu.dma_semaphore, #tpu.memory_space<semaphore_mem>>)
          %eq3A_292 = arith.constant 5 : i32
          %eq3A_293 = vector.broadcast %eq3A_292 : i32 to vector<16xi32>
          %eq3A_294 = arith.cmpi eq, %iota3A, %eq3A_293 : vector<16xi32>
          %jit3A_295 = arith.constant 0 : i32
          %broadcast_in_dim3A_296 = vector.broadcast %jit3A_295 : i32 to vector<16xi32>
          %select_n3A_297 = arith.select %eq3A_294, %get3A_117, %broadcast_in_dim3A_296 : vector<16xi1>, vector<16xi32>
          %reduce_max3A_298 = arith.constant true
          %reduce_max3A_299 = vector.broadcast %reduce_max3A_298 : i1 to vector<16xi1>
          %reduce_max3A_300 = arith.constant -2147483648 : i32
          %reduce_max3A_301 = vector.broadcast %reduce_max3A_300 : i32 to vector<16xi32>
          %reduce_max3A_302 = arith.xori %select_n3A_297, %reduce_max3A_301 : vector<16xi32>
          %reduce_max3A_303 = tpu.scan <max>, %reduce_max3A_302 masked %reduce_max3A_299 : vector<16xi32>, vector<16xi1> -> vector<16xi32>
          %reduce_max3A_304 = arith.xori %reduce_max3A_303, %reduce_max3A_301 : vector<16xi32>
          %reduce_max3A_305 = vector.extract %reduce_max3A_304[15] : i32 from vector<16xi32>
          %shift_right_logical3A_306 = arith.constant 3 : i32
          %shift_right_logical3A_307 = arith.shrui %reduce_max3A_305, %shift_right_logical3A_306 : i32
          %shift_left3A_308 = arith.constant 3 : i32
          %shift_left3A_309 = arith.shli %shift_right_logical3A_307, %shift_left3A_308 : i32
          %multiple_of3A_310 = tpu.assume_multiple %shift_left3A_309, 8 : i32
          %mul3A_311 = arith.constant 16 : i32
          %mul3A_312 = arith.muli %scan3A_111, %mul3A_311 : i32
          %add3A_313 = arith.constant 5 : i32
          %add3A_314 = arith.addi %mul3A_312, %add3A_313 : i32
          %dma_start3A_315 = arith.constant 0 : i32
          %dma_start3A_316 = arith.constant 0 : i32
          %dma_start3A_317 = arith.constant 0 : i32
          %dma_start3A_318 = tpu.memref_slice %arg6[%dma_start3A_315, %add3A_314, %dma_start3A_316, %dma_start3A_317] : memref<2x32x8x64xf32, #tpu.memory_space<vmem>> -> memref<1x1x8x64xf32, #tpu.memory_space<vmem>>
          %dma_start3A_319 = tpu.memref_squeeze %dma_start3A_318 : memref<1x1x8x64xf32, #tpu.memory_space<vmem>> -> memref<8x64xf32, #tpu.memory_space<vmem>>
          %dma_start3A_320 = arith.constant 0 : i32
          %dma_start3A_321 = tpu.memref_slice %arg2[%multiple_of3A_310, %dma_start3A_320] : memref<1000000x64xf32, #tpu.memory_space<hbm>> -> memref<8x64xf32, #tpu.memory_space<hbm>>
          %dma_start3A_322 = arith.constant 0 : i32
          %dma_start3A_323 = arith.constant 0 : i32
          %dma_start3A_324 = tpu.memref_slice %arg6[%dma_start3A_315, %add3A_314, %dma_start3A_322, %dma_start3A_323] : memref<2x32x8x64xf32, #tpu.memory_space<vmem>> -> memref<1x1x8x64xf32, #tpu.memory_space<vmem>>
          %dma_start3A_325 = tpu.memref_squeeze %dma_start3A_324 : memref<1x1x8x64xf32, #tpu.memory_space<vmem>> -> memref<8x64xf32, #tpu.memory_space<vmem>>
          %dma_start3A_326 = arith.constant 0 : i32
          %dma_start3A_327 = tpu.memref_slice %arg2[%multiple_of3A_310, %dma_start3A_326] : memref<1000000x64xf32, #tpu.memory_space<hbm>> -> memref<8x64xf32, #tpu.memory_space<hbm>>
          tpu.enqueue_dma source(%dma_start3A_327 : memref<8x64xf32, #tpu.memory_space<hbm>>) target(%dma_start3A_325 : memref<8x64xf32, #tpu.memory_space<vmem>>) target_semaphore(%arg8 : memref<!tpu.dma_semaphore, #tpu.memory_space<semaphore_mem>>)
          %eq3A_328 = arith.constant 6 : i32
          %eq3A_329 = vector.broadcast %eq3A_328 : i32 to vector<16xi32>
          %eq3A_330 = arith.cmpi eq, %iota3A, %eq3A_329 : vector<16xi32>
          %jit3A_331 = arith.constant 0 : i32
          %broadcast_in_dim3A_332 = vector.broadcast %jit3A_331 : i32 to vector<16xi32>
          %select_n3A_333 = arith.select %eq3A_330, %get3A_117, %broadcast_in_dim3A_332 : vector<16xi1>, vector<16xi32>
          %reduce_max3A_334 = arith.constant true
          %reduce_max3A_335 = vector.broadcast %reduce_max3A_334 : i1 to vector<16xi1>
          %reduce_max3A_336 = arith.constant -2147483648 : i32
          %reduce_max3A_337 = vector.broadcast %reduce_max3A_336 : i32 to vector<16xi32>
          %reduce_max3A_338 = arith.xori %select_n3A_333, %reduce_max3A_337 : vector<16xi32>
          %reduce_max3A_339 = tpu.scan <max>, %reduce_max3A_338 masked %reduce_max3A_335 : vector<16xi32>, vector<16xi1> -> vector<16xi32>
          %reduce_max3A_340 = arith.xori %reduce_max3A_339, %reduce_max3A_337 : vector<16xi32>
          %reduce_max3A_341 = vector.extract %reduce_max3A_340[15] : i32 from vector<16xi32>
          %shift_right_logical3A_342 = arith.constant 3 : i32
          %shift_right_logical3A_343 = arith.shrui %reduce_max3A_341, %shift_right_logical3A_342 : i32
          %shift_left3A_344 = arith.constant 3 : i32
          %shift_left3A_345 = arith.shli %shift_right_logical3A_343, %shift_left3A_344 : i32
          %multiple_of3A_346 = tpu.assume_multiple %shift_left3A_345, 8 : i32
          %mul3A_347 = arith.constant 16 : i32
          %mul3A_348 = arith.muli %scan3A_111, %mul3A_347 : i32
          %add3A_349 = arith.constant 6 : i32
          %add3A_350 = arith.addi %mul3A_348, %add3A_349 : i32
          %dma_start3A_351 = arith.constant 0 : i32
          %dma_start3A_352 = arith.constant 0 : i32
          %dma_start3A_353 = arith.constant 0 : i32
          %dma_start3A_354 = tpu.memref_slice %arg6[%dma_start3A_351, %add3A_350, %dma_start3A_352, %dma_start3A_353] : memref<2x32x8x64xf32, #tpu.memory_space<vmem>> -> memref<1x1x8x64xf32, #tpu.memory_space<vmem>>
          %dma_start3A_355 = tpu.memref_squeeze %dma_start3A_354 : memref<1x1x8x64xf32, #tpu.memory_space<vmem>> -> memref<8x64xf32, #tpu.memory_space<vmem>>
          %dma_start3A_356 = arith.constant 0 : i32
          %dma_start3A_357 = tpu.memref_slice %arg2[%multiple_of3A_346, %dma_start3A_356] : memref<1000000x64xf32, #tpu.memory_space<hbm>> -> memref<8x64xf32, #tpu.memory_space<hbm>>
          %dma_start3A_358 = arith.constant 0 : i32
          %dma_start3A_359 = arith.constant 0 : i32
          %dma_start3A_360 = tpu.memref_slice %arg6[%dma_start3A_351, %add3A_350, %dma_start3A_358, %dma_start3A_359] : memref<2x32x8x64xf32, #tpu.memory_space<vmem>> -> memref<1x1x8x64xf32, #tpu.memory_space<vmem>>
          %dma_start3A_361 = tpu.memref_squeeze %dma_start3A_360 : memref<1x1x8x64xf32, #tpu.memory_space<vmem>> -> memref<8x64xf32, #tpu.memory_space<vmem>>
          %dma_start3A_362 = arith.constant 0 : i32
          %dma_start3A_363 = tpu.memref_slice %arg2[%multiple_of3A_346, %dma_start3A_362] : memref<1000000x64xf32, #tpu.memory_space<hbm>> -> memref<8x64xf32, #tpu.memory_space<hbm>>
          tpu.enqueue_dma source(%dma_start3A_363 : memref<8x64xf32, #tpu.memory_space<hbm>>) target(%dma_start3A_361 : memref<8x64xf32, #tpu.memory_space<vmem>>) target_semaphore(%arg8 : memref<!tpu.dma_semaphore, #tpu.memory_space<semaphore_mem>>)
          %eq3A_364 = arith.constant 7 : i32
          %eq3A_365 = vector.broadcast %eq3A_364 : i32 to vector<16xi32>
          %eq3A_366 = arith.cmpi eq, %iota3A, %eq3A_365 : vector<16xi32>
          %jit3A_367 = arith.constant 0 : i32
          %broadcast_in_dim3A_368 = vector.broadcast %jit3A_367 : i32 to vector<16xi32>
          %select_n3A_369 = arith.select %eq3A_366, %get3A_117, %broadcast_in_dim3A_368 : vector<16xi1>, vector<16xi32>
          %reduce_max3A_370 = arith.constant true
          %reduce_max3A_371 = vector.broadcast %reduce_max3A_370 : i1 to vector<16xi1>
          %reduce_max3A_372 = arith.constant -2147483648 : i32
          %reduce_max3A_373 = vector.broadcast %reduce_max3A_372 : i32 to vector<16xi32>
          %reduce_max3A_374 = arith.xori %select_n3A_369, %reduce_max3A_373 : vector<16xi32>
          %reduce_max3A_375 = tpu.scan <max>, %reduce_max3A_374 masked %reduce_max3A_371 : vector<16xi32>, vector<16xi1> -> vector<16xi32>
          %reduce_max3A_376 = arith.xori %reduce_max3A_375, %reduce_max3A_373 : vector<16xi32>
          %reduce_max3A_377 = vector.extract %reduce_max3A_376[15] : i32 from vector<16xi32>
          %shift_right_logical3A_378 = arith.constant 3 : i32
          %shift_right_logical3A_379 = arith.shrui %reduce_max3A_377, %shift_right_logical3A_378 : i32
          %shift_left3A_380 = arith.constant 3 : i32
          %shift_left3A_381 = arith.shli %shift_right_logical3A_379, %shift_left3A_380 : i32
          %multiple_of3A_382 = tpu.assume_multiple %shift_left3A_381, 8 : i32
          %mul3A_383 = arith.constant 16 : i32
          %mul3A_384 = arith.muli %scan3A_111, %mul3A_383 : i32
          %add3A_385 = arith.constant 7 : i32
          %add3A_386 = arith.addi %mul3A_384, %add3A_385 : i32
          %dma_start3A_387 = arith.constant 0 : i32
          %dma_start3A_388 = arith.constant 0 : i32
          %dma_start3A_389 = arith.constant 0 : i32
          %dma_start3A_390 = tpu.memref_slice %arg6[%dma_start3A_387, %add3A_386, %dma_start3A_388, %dma_start3A_389] : memref<2x32x8x64xf32, #tpu.memory_space<vmem>> -> memref<1x1x8x64xf32, #tpu.memory_space<vmem>>
          %dma_start3A_391 = tpu.memref_squeeze %dma_start3A_390 : memref<1x1x8x64xf32, #tpu.memory_space<vmem>> -> memref<8x64xf32, #tpu.memory_space<vmem>>
          %dma_start3A_392 = arith.constant 0 : i32
          %dma_start3A_393 = tpu.memref_slice %arg2[%multiple_of3A_382, %dma_start3A_392] : memref<1000000x64xf32, #tpu.memory_space<hbm>> -> memref<8x64xf32, #tpu.memory_space<hbm>>
          %dma_start3A_394 = arith.constant 0 : i32
          %dma_start3A_395 = arith.constant 0 : i32
          %dma_start3A_396 = tpu.memref_slice %arg6[%dma_start3A_387, %add3A_386, %dma_start3A_394, %dma_start3A_395] : memref<2x32x8x64xf32, #tpu.memory_space<vmem>> -> memref<1x1x8x64xf32, #tpu.memory_space<vmem>>
          %dma_start3A_397 = tpu.memref_squeeze %dma_start3A_396 : memref<1x1x8x64xf32, #tpu.memory_space<vmem>> -> memref<8x64xf32, #tpu.memory_space<vmem>>
          %dma_start3A_398 = arith.constant 0 : i32
          %dma_start3A_399 = tpu.memref_slice %arg2[%multiple_of3A_382, %dma_start3A_398] : memref<1000000x64xf32, #tpu.memory_space<hbm>> -> memref<8x64xf32, #tpu.memory_space<hbm>>
          tpu.enqueue_dma source(%dma_start3A_399 : memref<8x64xf32, #tpu.memory_space<hbm>>) target(%dma_start3A_397 : memref<8x64xf32, #tpu.memory_space<vmem>>) target_semaphore(%arg8 : memref<!tpu.dma_semaphore, #tpu.memory_space<semaphore_mem>>)
          %eq3A_400 = arith.constant 8 : i32
          %eq3A_401 = vector.broadcast %eq3A_400 : i32 to vector<16xi32>
          %eq3A_402 = arith.cmpi eq, %iota3A, %eq3A_401 : vector<16xi32>
          %jit3A_403 = arith.constant 0 : i32
          %broadcast_in_dim3A_404 = vector.broadcast %jit3A_403 : i32 to vector<16xi32>
          %select_n3A_405 = arith.select %eq3A_402, %get3A_117, %broadcast_in_dim3A_404 : vector<16xi1>, vector<16xi32>
          %reduce_max3A_406 = arith.constant true
          %reduce_max3A_407 = vector.broadcast %reduce_max3A_406 : i1 to vector<16xi1>
          %reduce_max3A_408 = arith.constant -2147483648 : i32
          %reduce_max3A_409 = vector.broadcast %reduce_max3A_408 : i32 to vector<16xi32>
          %reduce_max3A_410 = arith.xori %select_n3A_405, %reduce_max3A_409 : vector<16xi32>
          %reduce_max3A_411 = tpu.scan <max>, %reduce_max3A_410 masked %reduce_max3A_407 : vector<16xi32>, vector<16xi1> -> vector<16xi32>
          %reduce_max3A_412 = arith.xori %reduce_max3A_411, %reduce_max3A_409 : vector<16xi32>
          %reduce_max3A_413 = vector.extract %reduce_max3A_412[15] : i32 from vector<16xi32>
          %shift_right_logical3A_414 = arith.constant 3 : i32
          %shift_right_logical3A_415 = arith.shrui %reduce_max3A_413, %shift_right_logical3A_414 : i32
          %shift_left3A_416 = arith.constant 3 : i32
          %shift_left3A_417 = arith.shli %shift_right_logical3A_415, %shift_left3A_416 : i32
          %multiple_of3A_418 = tpu.assume_multiple %shift_left3A_417, 8 : i32
          %mul3A_419 = arith.constant 16 : i32
          %mul3A_420 = arith.muli %scan3A_111, %mul3A_419 : i32
          %add3A_421 = arith.constant 8 : i32
          %add3A_422 = arith.addi %mul3A_420, %add3A_421 : i32
          %dma_start3A_423 = arith.constant 0 : i32
          %dma_start3A_424 = arith.constant 0 : i32
          %dma_start3A_425 = arith.constant 0 : i32
          %dma_start3A_426 = tpu.memref_slice %arg6[%dma_start3A_423, %add3A_422, %dma_start3A_424, %dma_start3A_425] : memref<2x32x8x64xf32, #tpu.memory_space<vmem>> -> memref<1x1x8x64xf32, #tpu.memory_space<vmem>>
          %dma_start3A_427 = tpu.memref_squeeze %dma_start3A_426 : memref<1x1x8x64xf32, #tpu.memory_space<vmem>> -> memref<8x64xf32, #tpu.memory_space<vmem>>
          %dma_start3A_428 = arith.constant 0 : i32
          %dma_start3A_429 = tpu.memref_slice %arg2[%multiple_of3A_418, %dma_start3A_428] : memref<1000000x64xf32, #tpu.memory_space<hbm>> -> memref<8x64xf32, #tpu.memory_space<hbm>>
          %dma_start3A_430 = arith.constant 0 : i32
          %dma_start3A_431 = arith.constant 0 : i32
          %dma_start3A_432 = tpu.memref_slice %arg6[%dma_start3A_423, %add3A_422, %dma_start3A_430, %dma_start3A_431] : memref<2x32x8x64xf32, #tpu.memory_space<vmem>> -> memref<1x1x8x64xf32, #tpu.memory_space<vmem>>
          %dma_start3A_433 = tpu.memref_squeeze %dma_start3A_432 : memref<1x1x8x64xf32, #tpu.memory_space<vmem>> -> memref<8x64xf32, #tpu.memory_space<vmem>>
          %dma_start3A_434 = arith.constant 0 : i32
          %dma_start3A_435 = tpu.memref_slice %arg2[%multiple_of3A_418, %dma_start3A_434] : memref<1000000x64xf32, #tpu.memory_space<hbm>> -> memref<8x64xf32, #tpu.memory_space<hbm>>
          tpu.enqueue_dma source(%dma_start3A_435 : memref<8x64xf32, #tpu.memory_space<hbm>>) target(%dma_start3A_433 : memref<8x64xf32, #tpu.memory_space<vmem>>) target_semaphore(%arg8 : memref<!tpu.dma_semaphore, #tpu.memory_space<semaphore_mem>>)
          %eq3A_436 = arith.constant 9 : i32
          %eq3A_437 = vector.broadcast %eq3A_436 : i32 to vector<16xi32>
          %eq3A_438 = arith.cmpi eq, %iota3A, %eq3A_437 : vector<16xi32>
          %jit3A_439 = arith.constant 0 : i32
          %broadcast_in_dim3A_440 = vector.broadcast %jit3A_439 : i32 to vector<16xi32>
          %select_n3A_441 = arith.select %eq3A_438, %get3A_117, %broadcast_in_dim3A_440 : vector<16xi1>, vector<16xi32>
          %reduce_max3A_442 = arith.constant true
          %reduce_max3A_443 = vector.broadcast %reduce_max3A_442 : i1 to vector<16xi1>
          %reduce_max3A_444 = arith.constant -2147483648 : i32
          %reduce_max3A_445 = vector.broadcast %reduce_max3A_444 : i32 to vector<16xi32>
          %reduce_max3A_446 = arith.xori %select_n3A_441, %reduce_max3A_445 : vector<16xi32>
          %reduce_max3A_447 = tpu.scan <max>, %reduce_max3A_446 masked %reduce_max3A_443 : vector<16xi32>, vector<16xi1> -> vector<16xi32>
          %reduce_max3A_448 = arith.xori %reduce_max3A_447, %reduce_max3A_445 : vector<16xi32>
          %reduce_max3A_449 = vector.extract %reduce_max3A_448[15] : i32 from vector<16xi32>
          %shift_right_logical3A_450 = arith.constant 3 : i32
          %shift_right_logical3A_451 = arith.shrui %reduce_max3A_449, %shift_right_logical3A_450 : i32
          %shift_left3A_452 = arith.constant 3 : i32
          %shift_left3A_453 = arith.shli %shift_right_logical3A_451, %shift_left3A_452 : i32
          %multiple_of3A_454 = tpu.assume_multiple %shift_left3A_453, 8 : i32
          %mul3A_455 = arith.constant 16 : i32
          %mul3A_456 = arith.muli %scan3A_111, %mul3A_455 : i32
          %add3A_457 = arith.constant 9 : i32
          %add3A_458 = arith.addi %mul3A_456, %add3A_457 : i32
          %dma_start3A_459 = arith.constant 0 : i32
          %dma_start3A_460 = arith.constant 0 : i32
          %dma_start3A_461 = arith.constant 0 : i32
          %dma_start3A_462 = tpu.memref_slice %arg6[%dma_start3A_459, %add3A_458, %dma_start3A_460, %dma_start3A_461] : memref<2x32x8x64xf32, #tpu.memory_space<vmem>> -> memref<1x1x8x64xf32, #tpu.memory_space<vmem>>
          %dma_start3A_463 = tpu.memref_squeeze %dma_start3A_462 : memref<1x1x8x64xf32, #tpu.memory_space<vmem>> -> memref<8x64xf32, #tpu.memory_space<vmem>>
          %dma_start3A_464 = arith.constant 0 : i32
          %dma_start3A_465 = tpu.memref_slice %arg2[%multiple_of3A_454, %dma_start3A_464] : memref<1000000x64xf32, #tpu.memory_space<hbm>> -> memref<8x64xf32, #tpu.memory_space<hbm>>
          %dma_start3A_466 = arith.constant 0 : i32
          %dma_start3A_467 = arith.constant 0 : i32
          %dma_start3A_468 = tpu.memref_slice %arg6[%dma_start3A_459, %add3A_458, %dma_start3A_466, %dma_start3A_467] : memref<2x32x8x64xf32, #tpu.memory_space<vmem>> -> memref<1x1x8x64xf32, #tpu.memory_space<vmem>>
          %dma_start3A_469 = tpu.memref_squeeze %dma_start3A_468 : memref<1x1x8x64xf32, #tpu.memory_space<vmem>> -> memref<8x64xf32, #tpu.memory_space<vmem>>
          %dma_start3A_470 = arith.constant 0 : i32
          %dma_start3A_471 = tpu.memref_slice %arg2[%multiple_of3A_454, %dma_start3A_470] : memref<1000000x64xf32, #tpu.memory_space<hbm>> -> memref<8x64xf32, #tpu.memory_space<hbm>>
          tpu.enqueue_dma source(%dma_start3A_471 : memref<8x64xf32, #tpu.memory_space<hbm>>) target(%dma_start3A_469 : memref<8x64xf32, #tpu.memory_space<vmem>>) target_semaphore(%arg8 : memref<!tpu.dma_semaphore, #tpu.memory_space<semaphore_mem>>)
          %eq3A_472 = arith.constant 10 : i32
          %eq3A_473 = vector.broadcast %eq3A_472 : i32 to vector<16xi32>
          %eq3A_474 = arith.cmpi eq, %iota3A, %eq3A_473 : vector<16xi32>
          %jit3A_475 = arith.constant 0 : i32
          %broadcast_in_dim3A_476 = vector.broadcast %jit3A_475 : i32 to vector<16xi32>
          %select_n3A_477 = arith.select %eq3A_474, %get3A_117, %broadcast_in_dim3A_476 : vector<16xi1>, vector<16xi32>
          %reduce_max3A_478 = arith.constant true
          %reduce_max3A_479 = vector.broadcast %reduce_max3A_478 : i1 to vector<16xi1>
          %reduce_max3A_480 = arith.constant -2147483648 : i32
          %reduce_max3A_481 = vector.broadcast %reduce_max3A_480 : i32 to vector<16xi32>
          %reduce_max3A_482 = arith.xori %select_n3A_477, %reduce_max3A_481 : vector<16xi32>
          %reduce_max3A_483 = tpu.scan <max>, %reduce_max3A_482 masked %reduce_max3A_479 : vector<16xi32>, vector<16xi1> -> vector<16xi32>
          %reduce_max3A_484 = arith.xori %reduce_max3A_483, %reduce_max3A_481 : vector<16xi32>
          %reduce_max3A_485 = vector.extract %reduce_max3A_484[15] : i32 from vector<16xi32>
          %shift_right_logical3A_486 = arith.constant 3 : i32
          %shift_right_logical3A_487 = arith.shrui %reduce_max3A_485, %shift_right_logical3A_486 : i32
          %shift_left3A_488 = arith.constant 3 : i32
          %shift_left3A_489 = arith.shli %shift_right_logical3A_487, %shift_left3A_488 : i32
          %multiple_of3A_490 = tpu.assume_multiple %shift_left3A_489, 8 : i32
          %mul3A_491 = arith.constant 16 : i32
          %mul3A_492 = arith.muli %scan3A_111, %mul3A_491 : i32
          %add3A_493 = arith.constant 10 : i32
          %add3A_494 = arith.addi %mul3A_492, %add3A_493 : i32
          %dma_start3A_495 = arith.constant 0 : i32
          %dma_start3A_496 = arith.constant 0 : i32
          %dma_start3A_497 = arith.constant 0 : i32
          %dma_start3A_498 = tpu.memref_slice %arg6[%dma_start3A_495, %add3A_494, %dma_start3A_496, %dma_start3A_497] : memref<2x32x8x64xf32, #tpu.memory_space<vmem>> -> memref<1x1x8x64xf32, #tpu.memory_space<vmem>>
          %dma_start3A_499 = tpu.memref_squeeze %dma_start3A_498 : memref<1x1x8x64xf32, #tpu.memory_space<vmem>> -> memref<8x64xf32, #tpu.memory_space<vmem>>
          %dma_start3A_500 = arith.constant 0 : i32
          %dma_start3A_501 = tpu.memref_slice %arg2[%multiple_of3A_490, %dma_start3A_500] : memref<1000000x64xf32, #tpu.memory_space<hbm>> -> memref<8x64xf32, #tpu.memory_space<hbm>>
          %dma_start3A_502 = arith.constant 0 : i32
          %dma_start3A_503 = arith.constant 0 : i32
          %dma_start3A_504 = tpu.memref_slice %arg6[%dma_start3A_495, %add3A_494, %dma_start3A_502, %dma_start3A_503] : memref<2x32x8x64xf32, #tpu.memory_space<vmem>> -> memref<1x1x8x64xf32, #tpu.memory_space<vmem>>
          %dma_start3A_505 = tpu.memref_squeeze %dma_start3A_504 : memref<1x1x8x64xf32, #tpu.memory_space<vmem>> -> memref<8x64xf32, #tpu.memory_space<vmem>>
          %dma_start3A_506 = arith.constant 0 : i32
          %dma_start3A_507 = tpu.memref_slice %arg2[%multiple_of3A_490, %dma_start3A_506] : memref<1000000x64xf32, #tpu.memory_space<hbm>> -> memref<8x64xf32, #tpu.memory_space<hbm>>
          tpu.enqueue_dma source(%dma_start3A_507 : memref<8x64xf32, #tpu.memory_space<hbm>>) target(%dma_start3A_505 : memref<8x64xf32, #tpu.memory_space<vmem>>) target_semaphore(%arg8 : memref<!tpu.dma_semaphore, #tpu.memory_space<semaphore_mem>>)
          %eq3A_508 = arith.constant 11 : i32
          %eq3A_509 = vector.broadcast %eq3A_508 : i32 to vector<16xi32>
          %eq3A_510 = arith.cmpi eq, %iota3A, %eq3A_509 : vector<16xi32>
          %jit3A_511 = arith.constant 0 : i32
          %broadcast_in_dim3A_512 = vector.broadcast %jit3A_511 : i32 to vector<16xi32>
          %select_n3A_513 = arith.select %eq3A_510, %get3A_117, %broadcast_in_dim3A_512 : vector<16xi1>, vector<16xi32>
          %reduce_max3A_514 = arith.constant true
          %reduce_max3A_515 = vector.broadcast %reduce_max3A_514 : i1 to vector<16xi1>
          %reduce_max3A_516 = arith.constant -2147483648 : i32
          %reduce_max3A_517 = vector.broadcast %reduce_max3A_516 : i32 to vector<16xi32>
          %reduce_max3A_518 = arith.xori %select_n3A_513, %reduce_max3A_517 : vector<16xi32>
          %reduce_max3A_519 = tpu.scan <max>, %reduce_max3A_518 masked %reduce_max3A_515 : vector<16xi32>, vector<16xi1> -> vector<16xi32>
          %reduce_max3A_520 = arith.xori %reduce_max3A_519, %reduce_max3A_517 : vector<16xi32>
          %reduce_max3A_521 = vector.extract %reduce_max3A_520[15] : i32 from vector<16xi32>
          %shift_right_logical3A_522 = arith.constant 3 : i32
          %shift_right_logical3A_523 = arith.shrui %reduce_max3A_521, %shift_right_logical3A_522 : i32
          %shift_left3A_524 = arith.constant 3 : i32
          %shift_left3A_525 = arith.shli %shift_right_logical3A_523, %shift_left3A_524 : i32
          %multiple_of3A_526 = tpu.assume_multiple %shift_left3A_525, 8 : i32
          %mul3A_527 = arith.constant 16 : i32
          %mul3A_528 = arith.muli %scan3A_111, %mul3A_527 : i32
          %add3A_529 = arith.constant 11 : i32
          %add3A_530 = arith.addi %mul3A_528, %add3A_529 : i32
          %dma_start3A_531 = arith.constant 0 : i32
          %dma_start3A_532 = arith.constant 0 : i32
          %dma_start3A_533 = arith.constant 0 : i32
          %dma_start3A_534 = tpu.memref_slice %arg6[%dma_start3A_531, %add3A_530, %dma_start3A_532, %dma_start3A_533] : memref<2x32x8x64xf32, #tpu.memory_space<vmem>> -> memref<1x1x8x64xf32, #tpu.memory_space<vmem>>
          %dma_start3A_535 = tpu.memref_squeeze %dma_start3A_534 : memref<1x1x8x64xf32, #tpu.memory_space<vmem>> -> memref<8x64xf32, #tpu.memory_space<vmem>>
          %dma_start3A_536 = arith.constant 0 : i32
          %dma_start3A_537 = tpu.memref_slice %arg2[%multiple_of3A_526, %dma_start3A_536] : memref<1000000x64xf32, #tpu.memory_space<hbm>> -> memref<8x64xf32, #tpu.memory_space<hbm>>
          %dma_start3A_538 = arith.constant 0 : i32
          %dma_start3A_539 = arith.constant 0 : i32
          %dma_start3A_540 = tpu.memref_slice %arg6[%dma_start3A_531, %add3A_530, %dma_start3A_538, %dma_start3A_539] : memref<2x32x8x64xf32, #tpu.memory_space<vmem>> -> memref<1x1x8x64xf32, #tpu.memory_space<vmem>>
          %dma_start3A_541 = tpu.memref_squeeze %dma_start3A_540 : memref<1x1x8x64xf32, #tpu.memory_space<vmem>> -> memref<8x64xf32, #tpu.memory_space<vmem>>
          %dma_start3A_542 = arith.constant 0 : i32
          %dma_start3A_543 = tpu.memref_slice %arg2[%multiple_of3A_526, %dma_start3A_542] : memref<1000000x64xf32, #tpu.memory_space<hbm>> -> memref<8x64xf32, #tpu.memory_space<hbm>>
          tpu.enqueue_dma source(%dma_start3A_543 : memref<8x64xf32, #tpu.memory_space<hbm>>) target(%dma_start3A_541 : memref<8x64xf32, #tpu.memory_space<vmem>>) target_semaphore(%arg8 : memref<!tpu.dma_semaphore, #tpu.memory_space<semaphore_mem>>)
          %eq3A_544 = arith.constant 12 : i32
          %eq3A_545 = vector.broadcast %eq3A_544 : i32 to vector<16xi32>
          %eq3A_546 = arith.cmpi eq, %iota3A, %eq3A_545 : vector<16xi32>
          %jit3A_547 = arith.constant 0 : i32
          %broadcast_in_dim3A_548 = vector.broadcast %jit3A_547 : i32 to vector<16xi32>
          %select_n3A_549 = arith.select %eq3A_546, %get3A_117, %broadcast_in_dim3A_548 : vector<16xi1>, vector<16xi32>
          %reduce_max3A_550 = arith.constant true
          %reduce_max3A_551 = vector.broadcast %reduce_max3A_550 : i1 to vector<16xi1>
          %reduce_max3A_552 = arith.constant -2147483648 : i32
          %reduce_max3A_553 = vector.broadcast %reduce_max3A_552 : i32 to vector<16xi32>
          %reduce_max3A_554 = arith.xori %select_n3A_549, %reduce_max3A_553 : vector<16xi32>
          %reduce_max3A_555 = tpu.scan <max>, %reduce_max3A_554 masked %reduce_max3A_551 : vector<16xi32>, vector<16xi1> -> vector<16xi32>
          %reduce_max3A_556 = arith.xori %reduce_max3A_555, %reduce_max3A_553 : vector<16xi32>
          %reduce_max3A_557 = vector.extract %reduce_max3A_556[15] : i32 from vector<16xi32>
          %shift_right_logical3A_558 = arith.constant 3 : i32
          %shift_right_logical3A_559 = arith.shrui %reduce_max3A_557, %shift_right_logical3A_558 : i32
          %shift_left3A_560 = arith.constant 3 : i32
          %shift_left3A_561 = arith.shli %shift_right_logical3A_559, %shift_left3A_560 : i32
          %multiple_of3A_562 = tpu.assume_multiple %shift_left3A_561, 8 : i32
          %mul3A_563 = arith.constant 16 : i32
          %mul3A_564 = arith.muli %scan3A_111, %mul3A_563 : i32
          %add3A_565 = arith.constant 12 : i32
          %add3A_566 = arith.addi %mul3A_564, %add3A_565 : i32
          %dma_start3A_567 = arith.constant 0 : i32
          %dma_start3A_568 = arith.constant 0 : i32
          %dma_start3A_569 = arith.constant 0 : i32
          %dma_start3A_570 = tpu.memref_slice %arg6[%dma_start3A_567, %add3A_566, %dma_start3A_568, %dma_start3A_569] : memref<2x32x8x64xf32, #tpu.memory_space<vmem>> -> memref<1x1x8x64xf32, #tpu.memory_space<vmem>>
          %dma_start3A_571 = tpu.memref_squeeze %dma_start3A_570 : memref<1x1x8x64xf32, #tpu.memory_space<vmem>> -> memref<8x64xf32, #tpu.memory_space<vmem>>
          %dma_start3A_572 = arith.constant 0 : i32
          %dma_start3A_573 = tpu.memref_slice %arg2[%multiple_of3A_562, %dma_start3A_572] : memref<1000000x64xf32, #tpu.memory_space<hbm>> -> memref<8x64xf32, #tpu.memory_space<hbm>>
          %dma_start3A_574 = arith.constant 0 : i32
          %dma_start3A_575 = arith.constant 0 : i32
          %dma_start3A_576 = tpu.memref_slice %arg6[%dma_start3A_567, %add3A_566, %dma_start3A_574, %dma_start3A_575] : memref<2x32x8x64xf32, #tpu.memory_space<vmem>> -> memref<1x1x8x64xf32, #tpu.memory_space<vmem>>
          %dma_start3A_577 = tpu.memref_squeeze %dma_start3A_576 : memref<1x1x8x64xf32, #tpu.memory_space<vmem>> -> memref<8x64xf32, #tpu.memory_space<vmem>>
          %dma_start3A_578 = arith.constant 0 : i32
          %dma_start3A_579 = tpu.memref_slice %arg2[%multiple_of3A_562, %dma_start3A_578] : memref<1000000x64xf32, #tpu.memory_space<hbm>> -> memref<8x64xf32, #tpu.memory_space<hbm>>
          tpu.enqueue_dma source(%dma_start3A_579 : memref<8x64xf32, #tpu.memory_space<hbm>>) target(%dma_start3A_577 : memref<8x64xf32, #tpu.memory_space<vmem>>) target_semaphore(%arg8 : memref<!tpu.dma_semaphore, #tpu.memory_space<semaphore_mem>>)
          %eq3A_580 = arith.constant 13 : i32
          %eq3A_581 = vector.broadcast %eq3A_580 : i32 to vector<16xi32>
          %eq3A_582 = arith.cmpi eq, %iota3A, %eq3A_581 : vector<16xi32>
          %jit3A_583 = arith.constant 0 : i32
          %broadcast_in_dim3A_584 = vector.broadcast %jit3A_583 : i32 to vector<16xi32>
          %select_n3A_585 = arith.select %eq3A_582, %get3A_117, %broadcast_in_dim3A_584 : vector<16xi1>, vector<16xi32>
          %reduce_max3A_586 = arith.constant true
          %reduce_max3A_587 = vector.broadcast %reduce_max3A_586 : i1 to vector<16xi1>
          %reduce_max3A_588 = arith.constant -2147483648 : i32
          %reduce_max3A_589 = vector.broadcast %reduce_max3A_588 : i32 to vector<16xi32>
          %reduce_max3A_590 = arith.xori %select_n3A_585, %reduce_max3A_589 : vector<16xi32>
          %reduce_max3A_591 = tpu.scan <max>, %reduce_max3A_590 masked %reduce_max3A_587 : vector<16xi32>, vector<16xi1> -> vector<16xi32>
          %reduce_max3A_592 = arith.xori %reduce_max3A_591, %reduce_max3A_589 : vector<16xi32>
          %reduce_max3A_593 = vector.extract %reduce_max3A_592[15] : i32 from vector<16xi32>
          %shift_right_logical3A_594 = arith.constant 3 : i32
          %shift_right_logical3A_595 = arith.shrui %reduce_max3A_593, %shift_right_logical3A_594 : i32
          %shift_left3A_596 = arith.constant 3 : i32
          %shift_left3A_597 = arith.shli %shift_right_logical3A_595, %shift_left3A_596 : i32
          %multiple_of3A_598 = tpu.assume_multiple %shift_left3A_597, 8 : i32
          %mul3A_599 = arith.constant 16 : i32
          %mul3A_600 = arith.muli %scan3A_111, %mul3A_599 : i32
          %add3A_601 = arith.constant 13 : i32
          %add3A_602 = arith.addi %mul3A_600, %add3A_601 : i32
          %dma_start3A_603 = arith.constant 0 : i32
          %dma_start3A_604 = arith.constant 0 : i32
          %dma_start3A_605 = arith.constant 0 : i32
          %dma_start3A_606 = tpu.memref_slice %arg6[%dma_start3A_603, %add3A_602, %dma_start3A_604, %dma_start3A_605] : memref<2x32x8x64xf32, #tpu.memory_space<vmem>> -> memref<1x1x8x64xf32, #tpu.memory_space<vmem>>
          %dma_start3A_607 = tpu.memref_squeeze %dma_start3A_606 : memref<1x1x8x64xf32, #tpu.memory_space<vmem>> -> memref<8x64xf32, #tpu.memory_space<vmem>>
          %dma_start3A_608 = arith.constant 0 : i32
          %dma_start3A_609 = tpu.memref_slice %arg2[%multiple_of3A_598, %dma_start3A_608] : memref<1000000x64xf32, #tpu.memory_space<hbm>> -> memref<8x64xf32, #tpu.memory_space<hbm>>
          %dma_start3A_610 = arith.constant 0 : i32
          %dma_start3A_611 = arith.constant 0 : i32
          %dma_start3A_612 = tpu.memref_slice %arg6[%dma_start3A_603, %add3A_602, %dma_start3A_610, %dma_start3A_611] : memref<2x32x8x64xf32, #tpu.memory_space<vmem>> -> memref<1x1x8x64xf32, #tpu.memory_space<vmem>>
          %dma_start3A_613 = tpu.memref_squeeze %dma_start3A_612 : memref<1x1x8x64xf32, #tpu.memory_space<vmem>> -> memref<8x64xf32, #tpu.memory_space<vmem>>
          %dma_start3A_614 = arith.constant 0 : i32
          %dma_start3A_615 = tpu.memref_slice %arg2[%multiple_of3A_598, %dma_start3A_614] : memref<1000000x64xf32, #tpu.memory_space<hbm>> -> memref<8x64xf32, #tpu.memory_space<hbm>>
          tpu.enqueue_dma source(%dma_start3A_615 : memref<8x64xf32, #tpu.memory_space<hbm>>) target(%dma_start3A_613 : memref<8x64xf32, #tpu.memory_space<vmem>>) target_semaphore(%arg8 : memref<!tpu.dma_semaphore, #tpu.memory_space<semaphore_mem>>)
          %eq3A_616 = arith.constant 14 : i32
          %eq3A_617 = vector.broadcast %eq3A_616 : i32 to vector<16xi32>
          %eq3A_618 = arith.cmpi eq, %iota3A, %eq3A_617 : vector<16xi32>
          %jit3A_619 = arith.constant 0 : i32
          %broadcast_in_dim3A_620 = vector.broadcast %jit3A_619 : i32 to vector<16xi32>
          %select_n3A_621 = arith.select %eq3A_618, %get3A_117, %broadcast_in_dim3A_620 : vector<16xi1>, vector<16xi32>
          %reduce_max3A_622 = arith.constant true
          %reduce_max3A_623 = vector.broadcast %reduce_max3A_622 : i1 to vector<16xi1>
          %reduce_max3A_624 = arith.constant -2147483648 : i32
          %reduce_max3A_625 = vector.broadcast %reduce_max3A_624 : i32 to vector<16xi32>
          %reduce_max3A_626 = arith.xori %select_n3A_621, %reduce_max3A_625 : vector<16xi32>
          %reduce_max3A_627 = tpu.scan <max>, %reduce_max3A_626 masked %reduce_max3A_623 : vector<16xi32>, vector<16xi1> -> vector<16xi32>
          %reduce_max3A_628 = arith.xori %reduce_max3A_627, %reduce_max3A_625 : vector<16xi32>
          %reduce_max3A_629 = vector.extract %reduce_max3A_628[15] : i32 from vector<16xi32>
          %shift_right_logical3A_630 = arith.constant 3 : i32
          %shift_right_logical3A_631 = arith.shrui %reduce_max3A_629, %shift_right_logical3A_630 : i32
          %shift_left3A_632 = arith.constant 3 : i32
          %shift_left3A_633 = arith.shli %shift_right_logical3A_631, %shift_left3A_632 : i32
          %multiple_of3A_634 = tpu.assume_multiple %shift_left3A_633, 8 : i32
          %mul3A_635 = arith.constant 16 : i32
          %mul3A_636 = arith.muli %scan3A_111, %mul3A_635 : i32
          %add3A_637 = arith.constant 14 : i32
          %add3A_638 = arith.addi %mul3A_636, %add3A_637 : i32
          %dma_start3A_639 = arith.constant 0 : i32
          %dma_start3A_640 = arith.constant 0 : i32
          %dma_start3A_641 = arith.constant 0 : i32
          %dma_start3A_642 = tpu.memref_slice %arg6[%dma_start3A_639, %add3A_638, %dma_start3A_640, %dma_start3A_641] : memref<2x32x8x64xf32, #tpu.memory_space<vmem>> -> memref<1x1x8x64xf32, #tpu.memory_space<vmem>>
          %dma_start3A_643 = tpu.memref_squeeze %dma_start3A_642 : memref<1x1x8x64xf32, #tpu.memory_space<vmem>> -> memref<8x64xf32, #tpu.memory_space<vmem>>
          %dma_start3A_644 = arith.constant 0 : i32
          %dma_start3A_645 = tpu.memref_slice %arg2[%multiple_of3A_634, %dma_start3A_644] : memref<1000000x64xf32, #tpu.memory_space<hbm>> -> memref<8x64xf32, #tpu.memory_space<hbm>>
          %dma_start3A_646 = arith.constant 0 : i32
          %dma_start3A_647 = arith.constant 0 : i32
          %dma_start3A_648 = tpu.memref_slice %arg6[%dma_start3A_639, %add3A_638, %dma_start3A_646, %dma_start3A_647] : memref<2x32x8x64xf32, #tpu.memory_space<vmem>> -> memref<1x1x8x64xf32, #tpu.memory_space<vmem>>
          %dma_start3A_649 = tpu.memref_squeeze %dma_start3A_648 : memref<1x1x8x64xf32, #tpu.memory_space<vmem>> -> memref<8x64xf32, #tpu.memory_space<vmem>>
          %dma_start3A_650 = arith.constant 0 : i32
          %dma_start3A_651 = tpu.memref_slice %arg2[%multiple_of3A_634, %dma_start3A_650] : memref<1000000x64xf32, #tpu.memory_space<hbm>> -> memref<8x64xf32, #tpu.memory_space<hbm>>
          tpu.enqueue_dma source(%dma_start3A_651 : memref<8x64xf32, #tpu.memory_space<hbm>>) target(%dma_start3A_649 : memref<8x64xf32, #tpu.memory_space<vmem>>) target_semaphore(%arg8 : memref<!tpu.dma_semaphore, #tpu.memory_space<semaphore_mem>>)
          %eq3A_652 = arith.constant 15 : i32
          %eq3A_653 = vector.broadcast %eq3A_652 : i32 to vector<16xi32>
          %eq3A_654 = arith.cmpi eq, %iota3A, %eq3A_653 : vector<16xi32>
          %jit3A_655 = arith.constant 0 : i32
          %broadcast_in_dim3A_656 = vector.broadcast %jit3A_655 : i32 to vector<16xi32>
          %select_n3A_657 = arith.select %eq3A_654, %get3A_117, %broadcast_in_dim3A_656 : vector<16xi1>, vector<16xi32>
          %reduce_max3A_658 = arith.constant true
          %reduce_max3A_659 = vector.broadcast %reduce_max3A_658 : i1 to vector<16xi1>
          %reduce_max3A_660 = arith.constant -2147483648 : i32
          %reduce_max3A_661 = vector.broadcast %reduce_max3A_660 : i32 to vector<16xi32>
          %reduce_max3A_662 = arith.xori %select_n3A_657, %reduce_max3A_661 : vector<16xi32>
          %reduce_max3A_663 = tpu.scan <max>, %reduce_max3A_662 masked %reduce_max3A_659 : vector<16xi32>, vector<16xi1> -> vector<16xi32>
          %reduce_max3A_664 = arith.xori %reduce_max3A_663, %reduce_max3A_661 : vector<16xi32>
          %reduce_max3A_665 = vector.extract %reduce_max3A_664[15] : i32 from vector<16xi32>
          %shift_right_logical3A_666 = arith.constant 3 : i32
          %shift_right_logical3A_667 = arith.shrui %reduce_max3A_665, %shift_right_logical3A_666 : i32
          %shift_left3A_668 = arith.constant 3 : i32
          %shift_left3A_669 = arith.shli %shift_right_logical3A_667, %shift_left3A_668 : i32
          %multiple_of3A_670 = tpu.assume_multiple %shift_left3A_669, 8 : i32
          %mul3A_671 = arith.constant 16 : i32
          %mul3A_672 = arith.muli %scan3A_111, %mul3A_671 : i32
          %add3A_673 = arith.constant 15 : i32
          %add3A_674 = arith.addi %mul3A_672, %add3A_673 : i32
          %dma_start3A_675 = arith.constant 0 : i32
          %dma_start3A_676 = arith.constant 0 : i32
          %dma_start3A_677 = arith.constant 0 : i32
          %dma_start3A_678 = tpu.memref_slice %arg6[%dma_start3A_675, %add3A_674, %dma_start3A_676, %dma_start3A_677] : memref<2x32x8x64xf32, #tpu.memory_space<vmem>> -> memref<1x1x8x64xf32, #tpu.memory_space<vmem>>
          %dma_start3A_679 = tpu.memref_squeeze %dma_start3A_678 : memref<1x1x8x64xf32, #tpu.memory_space<vmem>> -> memref<8x64xf32, #tpu.memory_space<vmem>>
          %dma_start3A_680 = arith.constant 0 : i32
          %dma_start3A_681 = tpu.memref_slice %arg2[%multiple_of3A_670, %dma_start3A_680] : memref<1000000x64xf32, #tpu.memory_space<hbm>> -> memref<8x64xf32, #tpu.memory_space<hbm>>
          %dma_start3A_682 = arith.constant 0 : i32
          %dma_start3A_683 = arith.constant 0 : i32
          %dma_start3A_684 = tpu.memref_slice %arg6[%dma_start3A_675, %add3A_674, %dma_start3A_682, %dma_start3A_683] : memref<2x32x8x64xf32, #tpu.memory_space<vmem>> -> memref<1x1x8x64xf32, #tpu.memory_space<vmem>>
          %dma_start3A_685 = tpu.memref_squeeze %dma_start3A_684 : memref<1x1x8x64xf32, #tpu.memory_space<vmem>> -> memref<8x64xf32, #tpu.memory_space<vmem>>
          %dma_start3A_686 = arith.constant 0 : i32
          %dma_start3A_687 = tpu.memref_slice %arg2[%multiple_of3A_670, %dma_start3A_686] : memref<1000000x64xf32, #tpu.memory_space<hbm>> -> memref<8x64xf32, #tpu.memory_space<hbm>>
          tpu.enqueue_dma source(%dma_start3A_687 : memref<8x64xf32, #tpu.memory_space<hbm>>) target(%dma_start3A_685 : memref<8x64xf32, #tpu.memory_space<vmem>>) target_semaphore(%arg8 : memref<!tpu.dma_semaphore, #tpu.memory_space<semaphore_mem>>)
        }
        %scan3A_110 = arith.constant 2 : i32
      } else {
      }
      %scan3A_61 = arith.constant 0 : i32
      %scan3A_62 = arith.constant 0 : i32
      %scan3A_63 = arith.constant 32 : i32
      %scan3A_64 = arith.addi %scan3A_62, %scan3A_63 : i32
      %scan3A_65 = arith.constant 8 : i32
      scf.for %scan3A_103 = %scan3A_62 to %scan3A_64 step %scan3A_65  : i32 {
        %dma_wait3A = arith.constant 1 : i32
        %dma_wait3A_104 = arith.constant 0 : i32
        %dma_wait3A_105 = arith.constant 0 : i32
        %dma_wait3A_106 = arith.constant 0 : i32
        %dma_wait3A_107 = tpu.memref_slice %arg6[%dma_wait3A, %dma_wait3A_104, %dma_wait3A_105, %dma_wait3A_106] : memref<2x32x8x64xf32, #tpu.memory_space<vmem>> -> memref<1x1x8x64xf32, #tpu.memory_space<vmem>>
        %dma_wait3A_108 = tpu.memref_squeeze %dma_wait3A_107 : memref<1x1x8x64xf32, #tpu.memory_space<vmem>> -> memref<8x64xf32, #tpu.memory_space<vmem>>
        %dma_wait3A_109 = arith.constant 0 : i32
        %dma_wait3A_110 = arith.constant 0 : i32
        %dma_wait3A_111 = tpu.memref_slice %arg2[%dma_wait3A_109, %dma_wait3A_110] : memref<1000000x64xf32, #tpu.memory_space<hbm>> -> memref<8x64xf32, #tpu.memory_space<hbm>>
        %dma_wait3A_112 = arith.constant 0 : i32
        %dma_wait3A_113 = arith.constant 0 : i32
        %dma_wait3A_114 = tpu.memref_slice %arg6[%dma_wait3A, %dma_wait3A_104, %dma_wait3A_112, %dma_wait3A_113] : memref<2x32x8x64xf32, #tpu.memory_space<vmem>> -> memref<1x1x8x64xf32, #tpu.memory_space<vmem>>
        %dma_wait3A_115 = tpu.memref_squeeze %dma_wait3A_114 : memref<1x1x8x64xf32, #tpu.memory_space<vmem>> -> memref<8x64xf32, #tpu.memory_space<vmem>>
        %dma_wait3A_116 = arith.constant 0 : i32
        %dma_wait3A_117 = arith.constant 0 : i32
        %dma_wait3A_118 = tpu.memref_slice %arg2[%dma_wait3A_116, %dma_wait3A_117] : memref<1000000x64xf32, #tpu.memory_space<hbm>> -> memref<8x64xf32, #tpu.memory_space<hbm>>
        tpu.wait_dma2 semaphore(%arg9 : memref<!tpu.dma_semaphore, #tpu.memory_space<semaphore_mem>>) src(%dma_wait3A_118 : memref<8x64xf32, #tpu.memory_space<hbm>>) dst(%dma_wait3A_115 : memref<8x64xf32, #tpu.memory_space<vmem>>)
        %scan3A_119 = arith.constant 1 : i32
        %scan3A_120 = arith.addi %scan3A_103, %scan3A_119 : i32
        %dma_wait3A_121 = arith.constant 1 : i32
        %dma_wait3A_122 = arith.constant 0 : i32
        %dma_wait3A_123 = arith.constant 0 : i32
        %dma_wait3A_124 = arith.constant 0 : i32
        %dma_wait3A_125 = tpu.memref_slice %arg6[%dma_wait3A_121, %dma_wait3A_122, %dma_wait3A_123, %dma_wait3A_124] : memref<2x32x8x64xf32, #tpu.memory_space<vmem>> -> memref<1x1x8x64xf32, #tpu.memory_space<vmem>>
        %dma_wait3A_126 = tpu.memref_squeeze %dma_wait3A_125 : memref<1x1x8x64xf32, #tpu.memory_space<vmem>> -> memref<8x64xf32, #tpu.memory_space<vmem>>
        %dma_wait3A_127 = arith.constant 0 : i32
        %dma_wait3A_128 = arith.constant 0 : i32
        %dma_wait3A_129 = tpu.memref_slice %arg2[%dma_wait3A_127, %dma_wait3A_128] : memref<1000000x64xf32, #tpu.memory_space<hbm>> -> memref<8x64xf32, #tpu.memory_space<hbm>>
        %dma_wait3A_130 = arith.constant 0 : i32
        %dma_wait3A_131 = arith.constant 0 : i32
        %dma_wait3A_132 = tpu.memref_slice %arg6[%dma_wait3A_121, %dma_wait3A_122, %dma_wait3A_130, %dma_wait3A_131] : memref<2x32x8x64xf32, #tpu.memory_space<vmem>> -> memref<1x1x8x64xf32, #tpu.memory_space<vmem>>
        %dma_wait3A_133 = tpu.memref_squeeze %dma_wait3A_132 : memref<1x1x8x64xf32, #tpu.memory_space<vmem>> -> memref<8x64xf32, #tpu.memory_space<vmem>>
        %dma_wait3A_134 = arith.constant 0 : i32
        %dma_wait3A_135 = arith.constant 0 : i32
        %dma_wait3A_136 = tpu.memref_slice %arg2[%dma_wait3A_134, %dma_wait3A_135] : memref<1000000x64xf32, #tpu.memory_space<hbm>> -> memref<8x64xf32, #tpu.memory_space<hbm>>
        tpu.wait_dma2 semaphore(%arg9 : memref<!tpu.dma_semaphore, #tpu.memory_space<semaphore_mem>>) src(%dma_wait3A_136 : memref<8x64xf32, #tpu.memory_space<hbm>>) dst(%dma_wait3A_133 : memref<8x64xf32, #tpu.memory_space<vmem>>)
        %scan3A_137 = arith.constant 2 : i32
        %scan3A_138 = arith.addi %scan3A_103, %scan3A_137 : i32
        %dma_wait3A_139 = arith.constant 1 : i32
        %dma_wait3A_140 = arith.constant 0 : i32
        %dma_wait3A_141 = arith.constant 0 : i32
        %dma_wait3A_142 = arith.constant 0 : i32
        %dma_wait3A_143 = tpu.memref_slice %arg6[%dma_wait3A_139, %dma_wait3A_140, %dma_wait3A_141, %dma_wait3A_142] : memref<2x32x8x64xf32, #tpu.memory_space<vmem>> -> memref<1x1x8x64xf32, #tpu.memory_space<vmem>>
        %dma_wait3A_144 = tpu.memref_squeeze %dma_wait3A_143 : memref<1x1x8x64xf32, #tpu.memory_space<vmem>> -> memref<8x64xf32, #tpu.memory_space<vmem>>
        %dma_wait3A_145 = arith.constant 0 : i32
        %dma_wait3A_146 = arith.constant 0 : i32
        %dma_wait3A_147 = tpu.memref_slice %arg2[%dma_wait3A_145, %dma_wait3A_146] : memref<1000000x64xf32, #tpu.memory_space<hbm>> -> memref<8x64xf32, #tpu.memory_space<hbm>>
        %dma_wait3A_148 = arith.constant 0 : i32
        %dma_wait3A_149 = arith.constant 0 : i32
        %dma_wait3A_150 = tpu.memref_slice %arg6[%dma_wait3A_139, %dma_wait3A_140, %dma_wait3A_148, %dma_wait3A_149] : memref<2x32x8x64xf32, #tpu.memory_space<vmem>> -> memref<1x1x8x64xf32, #tpu.memory_space<vmem>>
        %dma_wait3A_151 = tpu.memref_squeeze %dma_wait3A_150 : memref<1x1x8x64xf32, #tpu.memory_space<vmem>> -> memref<8x64xf32, #tpu.memory_space<vmem>>
        %dma_wait3A_152 = arith.constant 0 : i32
        %dma_wait3A_153 = arith.constant 0 : i32
        %dma_wait3A_154 = tpu.memref_slice %arg2[%dma_wait3A_152, %dma_wait3A_153] : memref<1000000x64xf32, #tpu.memory_space<hbm>> -> memref<8x64xf32, #tpu.memory_space<hbm>>
        tpu.wait_dma2 semaphore(%arg9 : memref<!tpu.dma_semaphore, #tpu.memory_space<semaphore_mem>>) src(%dma_wait3A_154 : memref<8x64xf32, #tpu.memory_space<hbm>>) dst(%dma_wait3A_151 : memref<8x64xf32, #tpu.memory_space<vmem>>)
        %scan3A_155 = arith.constant 3 : i32
        %scan3A_156 = arith.addi %scan3A_103, %scan3A_155 : i32
        %dma_wait3A_157 = arith.constant 1 : i32
        %dma_wait3A_158 = arith.constant 0 : i32
        %dma_wait3A_159 = arith.constant 0 : i32
        %dma_wait3A_160 = arith.constant 0 : i32
        %dma_wait3A_161 = tpu.memref_slice %arg6[%dma_wait3A_157, %dma_wait3A_158, %dma_wait3A_159, %dma_wait3A_160] : memref<2x32x8x64xf32, #tpu.memory_space<vmem>> -> memref<1x1x8x64xf32, #tpu.memory_space<vmem>>
        %dma_wait3A_162 = tpu.memref_squeeze %dma_wait3A_161 : memref<1x1x8x64xf32, #tpu.memory_space<vmem>> -> memref<8x64xf32, #tpu.memory_space<vmem>>
        %dma_wait3A_163 = arith.constant 0 : i32
        %dma_wait3A_164 = arith.constant 0 : i32
        %dma_wait3A_165 = tpu.memref_slice %arg2[%dma_wait3A_163, %dma_wait3A_164] : memref<1000000x64xf32, #tpu.memory_space<hbm>> -> memref<8x64xf32, #tpu.memory_space<hbm>>
        %dma_wait3A_166 = arith.constant 0 : i32
        %dma_wait3A_167 = arith.constant 0 : i32
        %dma_wait3A_168 = tpu.memref_slice %arg6[%dma_wait3A_157, %dma_wait3A_158, %dma_wait3A_166, %dma_wait3A_167] : memref<2x32x8x64xf32, #tpu.memory_space<vmem>> -> memref<1x1x8x64xf32, #tpu.memory_space<vmem>>
        %dma_wait3A_169 = tpu.memref_squeeze %dma_wait3A_168 : memref<1x1x8x64xf32, #tpu.memory_space<vmem>> -> memref<8x64xf32, #tpu.memory_space<vmem>>
        %dma_wait3A_170 = arith.constant 0 : i32
        %dma_wait3A_171 = arith.constant 0 : i32
        %dma_wait3A_172 = tpu.memref_slice %arg2[%dma_wait3A_170, %dma_wait3A_171] : memref<1000000x64xf32, #tpu.memory_space<hbm>> -> memref<8x64xf32, #tpu.memory_space<hbm>>
        tpu.wait_dma2 semaphore(%arg9 : memref<!tpu.dma_semaphore, #tpu.memory_space<semaphore_mem>>) src(%dma_wait3A_172 : memref<8x64xf32, #tpu.memory_space<hbm>>) dst(%dma_wait3A_169 : memref<8x64xf32, #tpu.memory_space<vmem>>)
        %scan3A_173 = arith.constant 4 : i32
        %scan3A_174 = arith.addi %scan3A_103, %scan3A_173 : i32
        %dma_wait3A_175 = arith.constant 1 : i32
        %dma_wait3A_176 = arith.constant 0 : i32
        %dma_wait3A_177 = arith.constant 0 : i32
        %dma_wait3A_178 = arith.constant 0 : i32
        %dma_wait3A_179 = tpu.memref_slice %arg6[%dma_wait3A_175, %dma_wait3A_176, %dma_wait3A_177, %dma_wait3A_178] : memref<2x32x8x64xf32, #tpu.memory_space<vmem>> -> memref<1x1x8x64xf32, #tpu.memory_space<vmem>>
        %dma_wait3A_180 = tpu.memref_squeeze %dma_wait3A_179 : memref<1x1x8x64xf32, #tpu.memory_space<vmem>> -> memref<8x64xf32, #tpu.memory_space<vmem>>
        %dma_wait3A_181 = arith.constant 0 : i32
        %dma_wait3A_182 = arith.constant 0 : i32
        %dma_wait3A_183 = tpu.memref_slice %arg2[%dma_wait3A_181, %dma_wait3A_182] : memref<1000000x64xf32, #tpu.memory_space<hbm>> -> memref<8x64xf32, #tpu.memory_space<hbm>>
        %dma_wait3A_184 = arith.constant 0 : i32
        %dma_wait3A_185 = arith.constant 0 : i32
        %dma_wait3A_186 = tpu.memref_slice %arg6[%dma_wait3A_175, %dma_wait3A_176, %dma_wait3A_184, %dma_wait3A_185] : memref<2x32x8x64xf32, #tpu.memory_space<vmem>> -> memref<1x1x8x64xf32, #tpu.memory_space<vmem>>
        %dma_wait3A_187 = tpu.memref_squeeze %dma_wait3A_186 : memref<1x1x8x64xf32, #tpu.memory_space<vmem>> -> memref<8x64xf32, #tpu.memory_space<vmem>>
        %dma_wait3A_188 = arith.constant 0 : i32
        %dma_wait3A_189 = arith.constant 0 : i32
        %dma_wait3A_190 = tpu.memref_slice %arg2[%dma_wait3A_188, %dma_wait3A_189] : memref<1000000x64xf32, #tpu.memory_space<hbm>> -> memref<8x64xf32, #tpu.memory_space<hbm>>
        tpu.wait_dma2 semaphore(%arg9 : memref<!tpu.dma_semaphore, #tpu.memory_space<semaphore_mem>>) src(%dma_wait3A_190 : memref<8x64xf32, #tpu.memory_space<hbm>>) dst(%dma_wait3A_187 : memref<8x64xf32, #tpu.memory_space<vmem>>)
        %scan3A_191 = arith.constant 5 : i32
        %scan3A_192 = arith.addi %scan3A_103, %scan3A_191 : i32
        %dma_wait3A_193 = arith.constant 1 : i32
        %dma_wait3A_194 = arith.constant 0 : i32
        %dma_wait3A_195 = arith.constant 0 : i32
        %dma_wait3A_196 = arith.constant 0 : i32
        %dma_wait3A_197 = tpu.memref_slice %arg6[%dma_wait3A_193, %dma_wait3A_194, %dma_wait3A_195, %dma_wait3A_196] : memref<2x32x8x64xf32, #tpu.memory_space<vmem>> -> memref<1x1x8x64xf32, #tpu.memory_space<vmem>>
        %dma_wait3A_198 = tpu.memref_squeeze %dma_wait3A_197 : memref<1x1x8x64xf32, #tpu.memory_space<vmem>> -> memref<8x64xf32, #tpu.memory_space<vmem>>
        %dma_wait3A_199 = arith.constant 0 : i32
        %dma_wait3A_200 = arith.constant 0 : i32
        %dma_wait3A_201 = tpu.memref_slice %arg2[%dma_wait3A_199, %dma_wait3A_200] : memref<1000000x64xf32, #tpu.memory_space<hbm>> -> memref<8x64xf32, #tpu.memory_space<hbm>>
        %dma_wait3A_202 = arith.constant 0 : i32
        %dma_wait3A_203 = arith.constant 0 : i32
        %dma_wait3A_204 = tpu.memref_slice %arg6[%dma_wait3A_193, %dma_wait3A_194, %dma_wait3A_202, %dma_wait3A_203] : memref<2x32x8x64xf32, #tpu.memory_space<vmem>> -> memref<1x1x8x64xf32, #tpu.memory_space<vmem>>
        %dma_wait3A_205 = tpu.memref_squeeze %dma_wait3A_204 : memref<1x1x8x64xf32, #tpu.memory_space<vmem>> -> memref<8x64xf32, #tpu.memory_space<vmem>>
        %dma_wait3A_206 = arith.constant 0 : i32
        %dma_wait3A_207 = arith.constant 0 : i32
        %dma_wait3A_208 = tpu.memref_slice %arg2[%dma_wait3A_206, %dma_wait3A_207] : memref<1000000x64xf32, #tpu.memory_space<hbm>> -> memref<8x64xf32, #tpu.memory_space<hbm>>
        tpu.wait_dma2 semaphore(%arg9 : memref<!tpu.dma_semaphore, #tpu.memory_space<semaphore_mem>>) src(%dma_wait3A_208 : memref<8x64xf32, #tpu.memory_space<hbm>>) dst(%dma_wait3A_205 : memref<8x64xf32, #tpu.memory_space<vmem>>)
        %scan3A_209 = arith.constant 6 : i32
        %scan3A_210 = arith.addi %scan3A_103, %scan3A_209 : i32
        %dma_wait3A_211 = arith.constant 1 : i32
        %dma_wait3A_212 = arith.constant 0 : i32
        %dma_wait3A_213 = arith.constant 0 : i32
        %dma_wait3A_214 = arith.constant 0 : i32
        %dma_wait3A_215 = tpu.memref_slice %arg6[%dma_wait3A_211, %dma_wait3A_212, %dma_wait3A_213, %dma_wait3A_214] : memref<2x32x8x64xf32, #tpu.memory_space<vmem>> -> memref<1x1x8x64xf32, #tpu.memory_space<vmem>>
        %dma_wait3A_216 = tpu.memref_squeeze %dma_wait3A_215 : memref<1x1x8x64xf32, #tpu.memory_space<vmem>> -> memref<8x64xf32, #tpu.memory_space<vmem>>
        %dma_wait3A_217 = arith.constant 0 : i32
        %dma_wait3A_218 = arith.constant 0 : i32
        %dma_wait3A_219 = tpu.memref_slice %arg2[%dma_wait3A_217, %dma_wait3A_218] : memref<1000000x64xf32, #tpu.memory_space<hbm>> -> memref<8x64xf32, #tpu.memory_space<hbm>>
        %dma_wait3A_220 = arith.constant 0 : i32
        %dma_wait3A_221 = arith.constant 0 : i32
        %dma_wait3A_222 = tpu.memref_slice %arg6[%dma_wait3A_211, %dma_wait3A_212, %dma_wait3A_220, %dma_wait3A_221] : memref<2x32x8x64xf32, #tpu.memory_space<vmem>> -> memref<1x1x8x64xf32, #tpu.memory_space<vmem>>
        %dma_wait3A_223 = tpu.memref_squeeze %dma_wait3A_222 : memref<1x1x8x64xf32, #tpu.memory_space<vmem>> -> memref<8x64xf32, #tpu.memory_space<vmem>>
        %dma_wait3A_224 = arith.constant 0 : i32
        %dma_wait3A_225 = arith.constant 0 : i32
        %dma_wait3A_226 = tpu.memref_slice %arg2[%dma_wait3A_224, %dma_wait3A_225] : memref<1000000x64xf32, #tpu.memory_space<hbm>> -> memref<8x64xf32, #tpu.memory_space<hbm>>
        tpu.wait_dma2 semaphore(%arg9 : memref<!tpu.dma_semaphore, #tpu.memory_space<semaphore_mem>>) src(%dma_wait3A_226 : memref<8x64xf32, #tpu.memory_space<hbm>>) dst(%dma_wait3A_223 : memref<8x64xf32, #tpu.memory_space<vmem>>)
        %scan3A_227 = arith.constant 7 : i32
        %scan3A_228 = arith.addi %scan3A_103, %scan3A_227 : i32
        %dma_wait3A_229 = arith.constant 1 : i32
        %dma_wait3A_230 = arith.constant 0 : i32
        %dma_wait3A_231 = arith.constant 0 : i32
        %dma_wait3A_232 = arith.constant 0 : i32
        %dma_wait3A_233 = tpu.memref_slice %arg6[%dma_wait3A_229, %dma_wait3A_230, %dma_wait3A_231, %dma_wait3A_232] : memref<2x32x8x64xf32, #tpu.memory_space<vmem>> -> memref<1x1x8x64xf32, #tpu.memory_space<vmem>>
        %dma_wait3A_234 = tpu.memref_squeeze %dma_wait3A_233 : memref<1x1x8x64xf32, #tpu.memory_space<vmem>> -> memref<8x64xf32, #tpu.memory_space<vmem>>
        %dma_wait3A_235 = arith.constant 0 : i32
        %dma_wait3A_236 = arith.constant 0 : i32
        %dma_wait3A_237 = tpu.memref_slice %arg2[%dma_wait3A_235, %dma_wait3A_236] : memref<1000000x64xf32, #tpu.memory_space<hbm>> -> memref<8x64xf32, #tpu.memory_space<hbm>>
        %dma_wait3A_238 = arith.constant 0 : i32
        %dma_wait3A_239 = arith.constant 0 : i32
        %dma_wait3A_240 = tpu.memref_slice %arg6[%dma_wait3A_229, %dma_wait3A_230, %dma_wait3A_238, %dma_wait3A_239] : memref<2x32x8x64xf32, #tpu.memory_space<vmem>> -> memref<1x1x8x64xf32, #tpu.memory_space<vmem>>
        %dma_wait3A_241 = tpu.memref_squeeze %dma_wait3A_240 : memref<1x1x8x64xf32, #tpu.memory_space<vmem>> -> memref<8x64xf32, #tpu.memory_space<vmem>>
        %dma_wait3A_242 = arith.constant 0 : i32
        %dma_wait3A_243 = arith.constant 0 : i32
        %dma_wait3A_244 = tpu.memref_slice %arg2[%dma_wait3A_242, %dma_wait3A_243] : memref<1000000x64xf32, #tpu.memory_space<hbm>> -> memref<8x64xf32, #tpu.memory_space<hbm>>
        tpu.wait_dma2 semaphore(%arg9 : memref<!tpu.dma_semaphore, #tpu.memory_space<semaphore_mem>>) src(%dma_wait3A_244 : memref<8x64xf32, #tpu.memory_space<hbm>>) dst(%dma_wait3A_241 : memref<8x64xf32, #tpu.memory_space<vmem>>)
      }
      %scan3A_66 = arith.constant 32 : i32
      %add3A_67 = arith.constant 1 : i32
      %add3A_68 = arith.addi %mul3A_16, %add3A_67 : i32
      %scan3A_69 = arith.constant 0 : i32
      %scan3A_70 = arith.constant 0 : i32
      %scan3A_71 = arith.constant 2 : i32
      %scan3A_72 = arith.addi %scan3A_70, %scan3A_71 : i32
      %scan3A_73 = arith.constant 1 : i32
      scf.for %scan3A_103 = %scan3A_70 to %scan3A_72 step %scan3A_73  : i32 {
        %iota3A_104 = tpu.iota {dimensions = array<i32: 0>} : vector<16xi32>
        %mul3A_105 = arith.constant 16 : i32
        %mul3A_106 = arith.muli %scan3A_103, %mul3A_105 : i32
        %add3A_107 = vector.broadcast %mul3A_106 : i32 to vector<16xi32>
        %add3A_108 = arith.addi %iota3A_104, %add3A_107 : vector<16xi32>
        %mul3A_109 = arith.constant 32 : i32
        %mul3A_110 = arith.muli %add3A_68, %mul3A_109 : i32
        %mul3A_111 = arith.constant 16 : i32
        %mul3A_112 = arith.muli %scan3A_103, %mul3A_111 : i32
        %add3A_113 = arith.addi %mul3A_110, %mul3A_112 : i32
        %get3A = arith.index_cast %add3A_113 : i32 to index
        %get3A_114 = tpu.vector_load %arg5[%get3A] {strides = array<i32>} : memref<1024xi32, #tpu.memory_space<vmem>>, vector<16xi32>,
        %and3A_115 = arith.constant 7 : i32
        %and3A_116 = vector.broadcast %and3A_115 : i32 to vector<16xi32>
        %and3A_117 = arith.andi %get3A_114, %and3A_116 : vector<16xi32>
        %shift_right_logical3A = arith.constant 1 : i32
        %shift_right_logical3A_118 = vector.broadcast %shift_right_logical3A : i32 to vector<16xi32>
        %shift_right_logical3A_119 = arith.shrui %add3A_108, %shift_right_logical3A_118 : vector<16xi32>
        %and3A_120 = arith.constant 1 : i32
        %and3A_121 = vector.broadcast %and3A_120 : i32 to vector<16xi32>
        %and3A_122 = arith.andi %add3A_108, %and3A_121 : vector<16xi32>
        %shift_left3A = arith.constant 6 : i32
        %shift_left3A_123 = vector.broadcast %shift_left3A : i32 to vector<16xi32>
        %shift_left3A_124 = arith.shli %and3A_122, %shift_left3A_123 : vector<16xi32>
        %broadcast_in_dim3A = arith.constant 1 : i32
        %broadcast_in_dim3A_125 = vector.broadcast %broadcast_in_dim3A : i32 to vector<16xi32>
        %scan3A_126 = arith.constant 0 : i32
        %scan3A_127 = arith.constant 0 : i32
        %scan3A_128 = arith.constant 64 : i32
        %scan3A_129 = arith.addi %scan3A_127, %scan3A_128 : i32
        %scan3A_130 = arith.constant 8 : i32
        scf.for %scan3A_132 = %scan3A_127 to %scan3A_129 step %scan3A_130  : i32 {
          %broadcast_in_dim3A_133 = arith.constant 0 : i32
          %broadcast_in_dim3A_134 = vector.broadcast %broadcast_in_dim3A_133 : i32 to vector<16xi32>
          %add3A_135 = vector.broadcast %scan3A_132 : i32 to vector<16xi32>
          %add3A_136 = arith.addi %broadcast_in_dim3A_134, %add3A_135 : vector<16xi32>
          %gather3A = tpu.vector_load_idx %arg6[%broadcast_in_dim3A_125, %add3A_108, %and3A_117, %add3A_136] : memref<2x32x8x64xf32, #tpu.memory_space<vmem>>[vector<16xi32>, vector<16xi32>, vector<16xi32>, vector<16xi32>], vector<16xf32>,
          %add3A_137 = vector.broadcast %scan3A_132 : i32 to vector<16xi32>
          %add3A_138 = arith.addi %shift_left3A_124, %add3A_137 : vector<16xi32>
          tpu.vector_store_idx %arg7[%shift_right_logical3A_119, %add3A_138], %gather3A : memref<16x128xf32, #tpu.memory_space<vmem>>[vector<16xi32>, vector<16xi32>], vector<16xf32>,
          %scan3A_139 = arith.constant 1 : i32
          %scan3A_140 = arith.addi %scan3A_132, %scan3A_139 : i32
          %broadcast_in_dim3A_141 = arith.constant 0 : i32
          %broadcast_in_dim3A_142 = vector.broadcast %broadcast_in_dim3A_141 : i32 to vector<16xi32>
          %add3A_143 = vector.broadcast %scan3A_140 : i32 to vector<16xi32>
          %add3A_144 = arith.addi %broadcast_in_dim3A_142, %add3A_143 : vector<16xi32>
          %gather3A_145 = tpu.vector_load_idx %arg6[%broadcast_in_dim3A_125, %add3A_108, %and3A_117, %add3A_144] : memref<2x32x8x64xf32, #tpu.memory_space<vmem>>[vector<16xi32>, vector<16xi32>, vector<16xi32>, vector<16xi32>], vector<16xf32>,
          %add3A_146 = vector.broadcast %scan3A_140 : i32 to vector<16xi32>
          %add3A_147 = arith.addi %shift_left3A_124, %add3A_146 : vector<16xi32>
          tpu.vector_store_idx %arg7[%shift_right_logical3A_119, %add3A_147], %gather3A_145 : memref<16x128xf32, #tpu.memory_space<vmem>>[vector<16xi32>, vector<16xi32>], vector<16xf32>,
          %scan3A_148 = arith.constant 2 : i32
          %scan3A_149 = arith.addi %scan3A_132, %scan3A_148 : i32
          %broadcast_in_dim3A_150 = arith.constant 0 : i32
          %broadcast_in_dim3A_151 = vector.broadcast %broadcast_in_dim3A_150 : i32 to vector<16xi32>
          %add3A_152 = vector.broadcast %scan3A_149 : i32 to vector<16xi32>
          %add3A_153 = arith.addi %broadcast_in_dim3A_151, %add3A_152 : vector<16xi32>
          %gather3A_154 = tpu.vector_load_idx %arg6[%broadcast_in_dim3A_125, %add3A_108, %and3A_117, %add3A_153] : memref<2x32x8x64xf32, #tpu.memory_space<vmem>>[vector<16xi32>, vector<16xi32>, vector<16xi32>, vector<16xi32>], vector<16xf32>,
          %add3A_155 = vector.broadcast %scan3A_149 : i32 to vector<16xi32>
          %add3A_156 = arith.addi %shift_left3A_124, %add3A_155 : vector<16xi32>
          tpu.vector_store_idx %arg7[%shift_right_logical3A_119, %add3A_156], %gather3A_154 : memref<16x128xf32, #tpu.memory_space<vmem>>[vector<16xi32>, vector<16xi32>], vector<16xf32>,
          %scan3A_157 = arith.constant 3 : i32
          %scan3A_158 = arith.addi %scan3A_132, %scan3A_157 : i32
          %broadcast_in_dim3A_159 = arith.constant 0 : i32
          %broadcast_in_dim3A_160 = vector.broadcast %broadcast_in_dim3A_159 : i32 to vector<16xi32>
          %add3A_161 = vector.broadcast %scan3A_158 : i32 to vector<16xi32>
          %add3A_162 = arith.addi %broadcast_in_dim3A_160, %add3A_161 : vector<16xi32>
          %gather3A_163 = tpu.vector_load_idx %arg6[%broadcast_in_dim3A_125, %add3A_108, %and3A_117, %add3A_162] : memref<2x32x8x64xf32, #tpu.memory_space<vmem>>[vector<16xi32>, vector<16xi32>, vector<16xi32>, vector<16xi32>], vector<16xf32>,
          %add3A_164 = vector.broadcast %scan3A_158 : i32 to vector<16xi32>
          %add3A_165 = arith.addi %shift_left3A_124, %add3A_164 : vector<16xi32>
          tpu.vector_store_idx %arg7[%shift_right_logical3A_119, %add3A_165], %gather3A_163 : memref<16x128xf32, #tpu.memory_space<vmem>>[vector<16xi32>, vector<16xi32>], vector<16xf32>,
          %scan3A_166 = arith.constant 4 : i32
          %scan3A_167 = arith.addi %scan3A_132, %scan3A_166 : i32
          %broadcast_in_dim3A_168 = arith.constant 0 : i32
          %broadcast_in_dim3A_169 = vector.broadcast %broadcast_in_dim3A_168 : i32 to vector<16xi32>
          %add3A_170 = vector.broadcast %scan3A_167 : i32 to vector<16xi32>
          %add3A_171 = arith.addi %broadcast_in_dim3A_169, %add3A_170 : vector<16xi32>
          %gather3A_172 = tpu.vector_load_idx %arg6[%broadcast_in_dim3A_125, %add3A_108, %and3A_117, %add3A_171] : memref<2x32x8x64xf32, #tpu.memory_space<vmem>>[vector<16xi32>, vector<16xi32>, vector<16xi32>, vector<16xi32>], vector<16xf32>,
          %add3A_173 = vector.broadcast %scan3A_167 : i32 to vector<16xi32>
          %add3A_174 = arith.addi %shift_left3A_124, %add3A_173 : vector<16xi32>
          tpu.vector_store_idx %arg7[%shift_right_logical3A_119, %add3A_174], %gather3A_172 : memref<16x128xf32, #tpu.memory_space<vmem>>[vector<16xi32>, vector<16xi32>], vector<16xf32>,
          %scan3A_175 = arith.constant 5 : i32
          %scan3A_176 = arith.addi %scan3A_132, %scan3A_175 : i32
          %broadcast_in_dim3A_177 = arith.constant 0 : i32
          %broadcast_in_dim3A_178 = vector.broadcast %broadcast_in_dim3A_177 : i32 to vector<16xi32>
          %add3A_179 = vector.broadcast %scan3A_176 : i32 to vector<16xi32>
          %add3A_180 = arith.addi %broadcast_in_dim3A_178, %add3A_179 : vector<16xi32>
          %gather3A_181 = tpu.vector_load_idx %arg6[%broadcast_in_dim3A_125, %add3A_108, %and3A_117, %add3A_180] : memref<2x32x8x64xf32, #tpu.memory_space<vmem>>[vector<16xi32>, vector<16xi32>, vector<16xi32>, vector<16xi32>], vector<16xf32>,
          %add3A_182 = vector.broadcast %scan3A_176 : i32 to vector<16xi32>
          %add3A_183 = arith.addi %shift_left3A_124, %add3A_182 : vector<16xi32>
          tpu.vector_store_idx %arg7[%shift_right_logical3A_119, %add3A_183], %gather3A_181 : memref<16x128xf32, #tpu.memory_space<vmem>>[vector<16xi32>, vector<16xi32>], vector<16xf32>,
          %scan3A_184 = arith.constant 6 : i32
          %scan3A_185 = arith.addi %scan3A_132, %scan3A_184 : i32
          %broadcast_in_dim3A_186 = arith.constant 0 : i32
          %broadcast_in_dim3A_187 = vector.broadcast %broadcast_in_dim3A_186 : i32 to vector<16xi32>
          %add3A_188 = vector.broadcast %scan3A_185 : i32 to vector<16xi32>
          %add3A_189 = arith.addi %broadcast_in_dim3A_187, %add3A_188 : vector<16xi32>
          %gather3A_190 = tpu.vector_load_idx %arg6[%broadcast_in_dim3A_125, %add3A_108, %and3A_117, %add3A_189] : memref<2x32x8x64xf32, #tpu.memory_space<vmem>>[vector<16xi32>, vector<16xi32>, vector<16xi32>, vector<16xi32>], vector<16xf32>,
          %add3A_191 = vector.broadcast %scan3A_185 : i32 to vector<16xi32>
          %add3A_192 = arith.addi %shift_left3A_124, %add3A_191 : vector<16xi32>
          tpu.vector_store_idx %arg7[%shift_right_logical3A_119, %add3A_192], %gather3A_190 : memref<16x128xf32, #tpu.memory_space<vmem>>[vector<16xi32>, vector<16xi32>], vector<16xf32>,
          %scan3A_193 = arith.constant 7 : i32
          %scan3A_194 = arith.addi %scan3A_132, %scan3A_193 : i32
          %broadcast_in_dim3A_195 = arith.constant 0 : i32
          %broadcast_in_dim3A_196 = vector.broadcast %broadcast_in_dim3A_195 : i32 to vector<16xi32>
          %add3A_197 = vector.broadcast %scan3A_194 : i32 to vector<16xi32>
          %add3A_198 = arith.addi %broadcast_in_dim3A_196, %add3A_197 : vector<16xi32>
          %gather3A_199 = tpu.vector_load_idx %arg6[%broadcast_in_dim3A_125, %add3A_108, %and3A_117, %add3A_198] : memref<2x32x8x64xf32, #tpu.memory_space<vmem>>[vector<16xi32>, vector<16xi32>, vector<16xi32>, vector<16xi32>], vector<16xf32>,
          %add3A_200 = vector.broadcast %scan3A_194 : i32 to vector<16xi32>
          %add3A_201 = arith.addi %shift_left3A_124, %add3A_200 : vector<16xi32>
          tpu.vector_store_idx %arg7[%shift_right_logical3A_119, %add3A_201], %gather3A_199 : memref<16x128xf32, #tpu.memory_space<vmem>>[vector<16xi32>, vector<16xi32>], vector<16xf32>,
        }
        %scan3A_131 = arith.constant 64 : i32
      }
      %scan3A_74 = arith.constant 2 : i32
      %mul3A_75 = arith.constant 32 : i32
      %mul3A_76 = arith.muli %add3A_68, %mul3A_75 : i32
      %add3A_77 = arith.addi %multiple_of3A, %mul3A_76 : i32
      %jit3A_78 = arith.constant 2 : i32
      %div3A_79 = arith.divsi %add3A_77, %jit3A_78 : i32
      %sign3A_80 = arith.constant 0 : i32
      %sign3A_81 = arith.cmpi sgt, %add3A_77, %sign3A_80 : i32
      %sign3A_82 = arith.extui %sign3A_81 : i1 to i32
      %sign3A_83 = arith.constant 0 : i32
      %sign3A_84 = arith.cmpi slt, %add3A_77, %sign3A_83 : i32
      %sign3A_85 = arith.extui %sign3A_84 : i1 to i32
      %sign3A_86 = arith.subi %sign3A_82, %sign3A_85 : i32
      %sign3A_87 = arith.constant 0 : i32
      %sign3A_88 = arith.cmpi sgt, %jit3A_78, %sign3A_87 : i32
      %sign3A_89 = arith.extui %sign3A_88 : i1 to i32
      %sign3A_90 = arith.constant 0 : i32
      %sign3A_91 = arith.cmpi slt, %jit3A_78, %sign3A_90 : i32
      %sign3A_92 = arith.extui %sign3A_91 : i1 to i32
      %sign3A_93 = arith.subi %sign3A_89, %sign3A_92 : i32
      %ne3A_94 = arith.cmpi ne, %sign3A_86, %sign3A_93 : i32
      %rem3A_95 = arith.remsi %add3A_77, %jit3A_78 : i32
      %ne3A_96 = arith.constant 0 : i32
      %ne3A_97 = arith.cmpi ne, %rem3A_95, %ne3A_96 : i32
      %and3A_98 = arith.andi %ne3A_94, %ne3A_97 : i1
      %sub3A_99 = arith.constant 1 : i32
      %sub3A_100 = arith.subi %div3A_79, %sub3A_99 : i32
      %select_n3A_101 = arith.select %and3A_98, %sub3A_100, %div3A_79 : i32
      %multiple_of3A_102 = tpu.assume_multiple %select_n3A_101, 16 : i32
      "tpu.region"() ({
        %run_scoped3A = tpu.sem_alloc : memref<!tpu.dma_semaphore, #tpu.memory_space<semaphore_mem>>
        %dma_start3A = arith.constant 0 : i32
        %dma_start3A_103 = tpu.memref_slice %arg4[%multiple_of3A_102, %dma_start3A] : memref<16384x128xf32, #tpu.memory_space<hbm>> -> memref<16x128xf32, #tpu.memory_space<hbm>>
        %dma_start3A_104 = arith.constant 0 : i32
        %dma_start3A_105 = tpu.memref_slice %arg4[%multiple_of3A_102, %dma_start3A_104] : memref<16384x128xf32, #tpu.memory_space<hbm>> -> memref<16x128xf32, #tpu.memory_space<hbm>>
        tpu.enqueue_dma source(%arg7 : memref<16x128xf32, #tpu.memory_space<vmem>>) target(%dma_start3A_105 : memref<16x128xf32, #tpu.memory_space<hbm>>) target_semaphore(%run_scoped3A : memref<!tpu.dma_semaphore, #tpu.memory_space<semaphore_mem>>)
        %dma_wait3A = arith.constant 0 : i32
        %dma_wait3A_106 = tpu.memref_slice %arg4[%multiple_of3A_102, %dma_wait3A] : memref<16384x128xf32, #tpu.memory_space<hbm>> -> memref<16x128xf32, #tpu.memory_space<hbm>>
        %dma_wait3A_107 = arith.constant 0 : i32
        %dma_wait3A_108 = tpu.memref_slice %arg4[%multiple_of3A_102, %dma_wait3A_107] : memref<16384x128xf32, #tpu.memory_space<hbm>> -> memref<16x128xf32, #tpu.memory_space<hbm>>
        tpu.wait_dma2 semaphore(%run_scoped3A : memref<!tpu.dma_semaphore, #tpu.memory_space<semaphore_mem>>) src(%arg7 : memref<16x128xf32, #tpu.memory_space<vmem>>) dst(%dma_wait3A_108 : memref<16x128xf32, #tpu.memory_space<hbm>>)
        tpu.yield
      }) : () -> ()
    }
    %scan3A_13 = arith.constant 16 : i32
    return
  }
}

</mosaic_0001>

<sc_bundles>
// kernel: kernel.3.cloned.1.call-start
scs
__scs_entry_jumppad:
0x0: {  	(pc) =	sbr.rel $0x88, $3  }
0x1: {  	(tag) =	ssettag $0x0;
	lr =	simm.s32 $0x1  }
0x2: {  	[smem:$0x3F9C] =	sst lr;
	_ =	strace $0xD0000000  }
0x3: {  	_ = 	snop  }
0x4: {  	_ = 	snop  }
0x5: {  	_ = 	snop  }
0x6: {  	_ = 	snop  }
0x7: {  	_ = 	snop  }
__scs_overlays_trampoline_lowered:
0x8: {  	[smem:$0x3FAB] =	sst s0  }
0x9: {  	[smem:$0x3FAC] =	sst s1  }
0xa: {  	[smem:$0x3FAD] =	sst s2  }
0xb: {  	[smem:$0x3FAE] =	sst s3  }
0xc: {  	[smem:$0x3FAF] =	sst s4  }
0xd: {  	[smem:$0x3FB0] =	sst s5  }
0xe: {  	[smem:$0x3FB1] =	sst s6  }
0xf: {  	[smem:$0x3FB2] =	sst s7  }
0x10: {  	[smem:$0x3FB3] =	sst s8  }
0x11: {  	[smem:$0x3FB4] =	sst s9;
	s0 =	simm.s32 @!p0 $0x0  }
0x12: {  	s1 =	sld [smem:$0x3F9A];
	s0 =	simm.s32 @p0 $0x1  }
0x13: {  	[smem:$0x3FB5] =	sst s0;
	s0 =	simm.s32 @!p1 $0x0  }
0x14: {  	s2 =	sld [smem:$0x3F99];
	s0 =	simm.s32 @p1 $0x1  }
0x15: {  	[smem:$0x3FB6] =	sst s0;
	s0 =	simm.s32 @!p2 $0x0  }
0x16: {  	s3 =	sld [smem:$0x3FDB];
	s0 =	simm.s32 @p2 $0x1  }
0x17: {  	s4 =	simm.s32 $0x1BF5;
	[smem:$0x3FB8] =	sst s0  }
0x18: {  	s0 =	sld [smem:$0x3F9B];
	_ =	swait.ge [sflag:s4], $0x0  }
0x19: {  	s7 =	sld [smem:$0x3F9C]  }
0x1a: {  	s8 =	sadd.s32 $0xFFFFE003, lr  }
0x1b: {  	s9 =	sadd.s32 $0xFFFFFEF7, lr;
	s5 =	simm.s32 $0xFFFFFFFF;
	p2 =	slt.u32 s8, $0xFFFFF086  }
0x1c: {  	p1 =	slt.u32 s9, $0xF7A;
	s5 =	simm.s32 @!p2 $0x0  }
0x1d: {  	s5 =	simm.s32 @p1 $0x1;
	p0 =	seq.s32 s7, s2  }
0x1e: {  	s7 =	smul.u32 @!p0 $0xF7A, s2;
	p2 =	seq.s32 @!p0 s5, $0x0  }
0x1f: {  	s9 =	smul.u32 $0xF7A, s1;
	s8 =	simm.s32 @!p0 $0x1BF5;
	p2 =	por !p2, p0  }
0x20: {  	[sflag:s8] =	ssyncset.s32 @!p0 $0xFFFFF086;
	s6 =	sadd.s32 @!p0 s3, s7;
	s7 =	simm.s32 @!p0 $0x108  }
0x21: {  	s3 =	sadd.s32 s3, s9;
	s6 =	sadd.s32 @!p0 $0x88, s6;
	s7 =	simm.s32 @p2 $0x1082  }
0x22: {  	[simem:s7], [sflag:s8] =	dma.local @!p0 [hbm:s6], $0xF7A  }
0x23: {  	s9 =	sor.u32 $0xD0000000, s2;
	s6 =	simm.s32 $0x108;
	_ =	swait.ge @!p0 [sflag:s8], $0x0  }
0x24: {  	s3 =	sadd.s32 $0x88, s3;
	s6 =	simm.s32 @!p1 $0x1082;
	[sflag:s4] =	ssyncset.s32 $0xFFFFF086  }
0x25: {  	[simem:s6], [sflag:s4] =	dma.local [hbm:s3], $0xF7A  }
0x26: {  	[smem:$0x3F9C] =	sst s1;
	(tag) =	ssettag s2;
	_ =	strace s9  }
0x27: {  	s1 =	sld [smem:$0x3FAC]  }
0x28: {  	s2 =	sld [smem:$0x3FAD]  }
0x29: {  	s4 =	sld [smem:$0x3FAF]  }
0x2a: {  	p0 =	seq.s32 s5, $0x0;
	s5 =	sld [smem:$0x3FB0]  }
0x2b: {  	s6 =	sld [smem:$0x3FB1]  }
0x2c: {  	s7 =	sld [smem:$0x3FB2]  }
0x2d: {  	s3 =	simm.s32 $0x108;
	s8 =	sld [smem:$0x3FB3]  }
0x2e: {  	s3 =	simm.s32 @!p0 $0x1082;
	s9 =	sld [smem:$0x3FB4]  }
0x2f: {  	lr =	sadd.s32 s0, s3;
	s0 =	sld [smem:$0x3FAB]  }
0x30: {  	s3 =	sld [smem:$0x3FAE]  }
0x31: {  	[smem:$0x3FB7] =	sst s10  }
0x32: {  	s10 =	sld [smem:$0x3FB5];
	_ =	sdelay $0x3  }
0x33: {  	p0 =	seq.s32 s10, $0x1;
	s10 =	sld [smem:$0x3FB7];
	_ =	sdelay $0x3  }
0x34: {  	[smem:$0x3FB7] =	sst s10  }
0x35: {  	s10 =	sld [smem:$0x3FB6];
	_ =	sdelay $0x3  }
0x36: {  	p1 =	seq.s32 s10, $0x1;
	s10 =	sld [smem:$0x3FB7];
	_ =	sdelay $0x3  }
0x37: {  	[smem:$0x3FB7] =	sst s10  }
0x38: {  	s10 =	sld [smem:$0x3FB8]  }
0x39: {  	_ = 	snop;
	(pc) =	sbr.ind lr, $3  }
0x3a: {  	_ = 	snop  }
0x3b: {  	_ = 	snop  }
0x3c: {  	p2 =	seq.s32 s10, $0x1;
	s10 =	sld [smem:$0x3FB7]  }
0x3d: {  	_ =	shalt  }
0x3e: {  	_ =	shalt  }
0x3f: {  	_ =	shalt  }
0x40: {  	_ =	shalt  }
0x41: {  	_ =	shalt  }
0x42: {  	_ =	shalt  }
0x43: {  	_ =	shalt  }
0x44: {  	_ =	shalt  }
0x45: {  	_ =	shalt  }
0x46: {  	_ =	shalt  }
0x47: {  	_ =	shalt  }
0x48: {  	_ =	shalt  }
0x49: {  	_ =	shalt  }
0x4a: {  	_ =	shalt  }
0x4b: {  	_ =	shalt  }
0x4c: {  	_ =	shalt  }
0x4d: {  	_ =	shalt  }
0x4e: {  	_ =	shalt  }
0x4f: {  	_ =	shalt  }
0x50: {  	_ =	shalt  }
0x51: {  	_ =	shalt  }
0x52: {  	_ =	shalt  }
0x53: {  	_ =	shalt  }
0x54: {  	_ =	shalt  }
0x55: {  	_ =	shalt  }
0x56: {  	_ =	shalt  }
0x57: {  	_ =	shalt  }
0x58: {  	_ =	shalt  }
0x59: {  	_ =	shalt  }
0x5a: {  	_ =	shalt  }
0x5b: {  	_ =	shalt  }
0x5c: {  	_ =	shalt  }
0x5d: {  	_ =	shalt  }
0x5e: {  	_ =	shalt  }
0x5f: {  	_ =	shalt  }
0x60: {  	_ =	shalt  }
0x61: {  	_ =	shalt  }
0x62: {  	_ =	shalt  }
0x63: {  	_ =	shalt  }
0x64: {  	_ =	shalt  }
0x65: {  	_ =	shalt  }
0x66: {  	_ =	shalt  }
0x67: {  	_ =	shalt  }
0x68: {  	_ =	shalt  }
0x69: {  	_ =	shalt  }
0x6a: {  	_ =	shalt  }
0x6b: {  	_ =	shalt  }
0x6c: {  	_ =	shalt  }
0x6d: {  	_ =	shalt  }
0x6e: {  	_ =	shalt  }
0x6f: {  	_ =	shalt  }
0x70: {  	_ =	shalt  }
0x71: {  	_ =	shalt  }
0x72: {  	_ =	shalt  }
0x73: {  	_ =	shalt  }
0x74: {  	_ =	shalt  }
0x75: {  	_ =	shalt  }
0x76: {  	_ =	shalt  }
0x77: {  	_ =	shalt  }
0x78: {  	_ =	shalt  }
0x79: {  	_ =	shalt  }
0x7a: {  	_ =	shalt  }
0x7b: {  	_ =	shalt  }
0x7c: {  	_ =	shalt  }
0x7d: {  	_ =	shalt  }
0x7e: {  	_ =	shalt  }
0x7f: {  	_ =	shalt  }
0x80: {  	_ =	shalt  }
0x81: {  	_ =	shalt  }
0x82: {  	_ =	shalt  }
0x83: {  	_ =	shalt  }
0x84: {  	_ =	shalt  }
0x85: {  	_ =	shalt  }
0x86: {  	_ =	shalt  }
0x87: {  	_ =	shalt  }
.Lfunc_end0:
.L_simem_size_0:
called_computation_lowered:
.L_overlay_start_0:
0x88: {  	s2 =	sld [smem:$0x3FD9]  }
0x89: {  	s3 =	sld [smem:$0x3FFE];
	_ =	sdelay $0x1  }
0x8a: {  	s1 =	srdreg.scid  }
0x8b: {  	s0 =	sand.u32 $0x1, s1  }
0x8c: {  	s14 =	sshll.u32 s0, $0xA;
	s2 =	sadd.s32 s3, s2  }
0x8d: {  	s2 =	sadd.s32 s2, s14  }
0x8e: {  	[smem:$0x3FC3] =	sst s2  }
0x8f: {  	_ = 	snop  }
0x90: {  	s2 =	sld [smem:$0x3FD0];
	_ =	sdelay $0x2  }
0x91: {  	s15 =	simm.s32 $0xA;
	s4 =	simm.s32 $0x10  }
0x92: {  	[smem:s4], [sflag:s15] =	dma.local [hbm:s2], $0x1  }
0x93: {  	_ =	swait.eq [sflag:s15], $0x1  }
0x94: {  	[sflag:s15] =	ssyncset.done $0x0  }
0x95: {  	s16 =	sld [smem:$0x10];
	[sflag:s15] =	ssyncadd.s32 $0xFFFFFFFF  }
0x96: {  	s17 =	sld [smem:$0x11];
	(tm) =	ssettm $0x1  }
0x97: {  	s18 =	sld [smem:$0x3FFB];
	_ =	sdelay $0x3  }
0x98: {  	_ =	strace s18  }
0x99: {  	s4 =	sld [smem:$0x3FFC];
	_ =	sdelay $0x3  }
0x9a: {  	_ =	strace s4  }
0x9b: {  	s4 =	sld [smem:$0x3FFD];
	_ =	sdelay $0x3  }
0x9c: {  	_ =	strace s4  }
0x9d: {  	_ =	strace $0x8FFFFFFF  }
0x9e: {  	s19 =	sld [smem:$0x3FDB];
	_ =	sdelay $0x1  }
0x9f: {  	s5 =	simm.s32 $_scs_section_size  }
0xa0: {  	s6 =	simm.s32 $_size__tile_overlayer_lowered;
	s7 =	simm.s32 $_tile_overlayer_lowered  }
0xa1: {  	s22 =	simm.s32 $0x1BFF;
	s21 =	sshll.u32 s7, $0x1;
	s4 =	sadd.s32 s5, s19  }
0xa2: {  	s8 =	simm.s32 $0x0;
	s20 =	sshll.u32 s6, $0x1;
	s6 =	sadd.s32 s21, s4  }
0xa3: {  	[timem:s8], [sflag:s22] =	dma.local [hbm:s6], s20  }
0xa4: {  	_ =	swait.ge [sflag:s22], s20  }
0xa5: {  	s5 =	ssub.s32 $0x0, s20;
	[sflag:s22] =	ssyncset.done $0x0  }
0xa6: {  	[sflag:s22] =	ssyncadd.s32 s5;
	_ =	sdelay $0x1  }
0xa7: {  	s23 =	simm.s32 $0x1B8B  }
0xa8: {  	_ =	swait.ge [sflag:s23], $0x1  }
0xa9: {  	[sflag:s23] =	ssyncset.done $0x0  }
0xaa: {  	s25 =	simm.s32 $0x1B8E;
	s24 =	sld [smem:$0x3FFE];
	[sflag:s23] =	ssyncadd.s32 $0xFFFFFFFF  }
0xab: {  	s26 =	simm.s32 $execute0_lowered;
	[smem:$0x3FD2] =	sst s25  }
0xac: {  	s6 =	sshll.u32 s26, $0x1;
	_ =	strace $0x80000046;
	[dreg:$0x1] =	wrdreg $0xFFFFFFFF  }
0xad: {  	s28 =	simm.s32 $_size_execute0_lowered;
	s4 =	sadd.s32 s4, s6;
	[dreg:$0x0] =	wrdreg $0x0  }
0xae: {  	s6 =	sshll.u32 s28, $0x1;
	[dreg:$0x2] =	wrdreg s4  }
0xaf: {  	[dreg:$0x3] =	wrdreg s6  }
0xb0: {  	[dreg:$0x4] =	wrdreg $0xC0  }
0xb1: {  	_ =	task [dreg:s8], $0x5FFFF  }
0xb2: {  	[dreg:$0x1] =	wrdreg $0xFFFFFFFF  }
0xb3: {  	[dreg:$0x0] =	wrdreg $0x60  }
0xb4: {  	[dreg:$0x2] =	wrdreg s24  }
0xb5: {  	[dreg:$0x3] =	wrdreg s17  }
0xb6: {  	[dreg:$0x4] =	wrdreg s16  }
0xb7: {  	[dreg:$0x5] =	wrdreg $0x9  }
0xb8: {  	_ =	task.clear_ibuf [dreg:s8], $0x6FFFF;
	_ =	strace $0x90000046  }
0xb9: {  	s29 =	simm.s32 $0x9;
	_ =	strace $0x80000048  }
0xba: {  	_ =	swait.ge [sflag:s29], $0x1  }
0xbb: {  	[sflag:s29] =	ssyncadd.s32 $0xFFFFFFFF  }
0xbc: {  	_ =	strace $0x90000048  }
0xbd: {  	_ =	sfence  }
0xbe: {  	s30 =	sld [smem:$0x0];
	_ =	sdelay $0x2  }
0xbf: {  	s31 =	sshll.u32 s1, $0xD;
	s1 =	sshrl.u32 s1, $0x2  }
0xc0: {  	s3 =	sand.u32 $0x4000, s31;
	s1 =	sadd.s32 s1, s30  }
0xc1: {  	s0 =	sor.u32 s3, s0;
	s1 =	sshll.u32 s1, $0x11  }
0xc2: {  	s0 =	sor.u32 s1, s0  }
0xc3: {  	s0 =	sadd.s32 $0x8F2B, s0  }
0xc4: {  	[sflag:s0] =	ssyncadd.remote.s32 $0x1  }
0xc5: {  	_ =	sfence.sel $0xFFFF  }
0xc6: {  	[dreg:$0x0] =	wrdreg $0xFFFFFFFF;
	(pc) =	sbr.abs _section_cstart, $3  }
0xc7: {  	[dreg:$0x1] =	wrdreg $0xFFFFFFFF  }
0xc8: {  	_ =	task.clear_ibuf [dreg:s8], $0x2FFFF;
	_ =	strace $0x9FFFFFFF  }
0xc9: {  	(tm) =	ssettm $0x7FFFFFFF  }
tec
execute0_lowered:
.L_overlay_start_1:
0x0: {  	(tag) =	ssettag $0x1  }
0x1: {  	s3 =	rddreg [dreg:$0x0]  }
0x2: {  	s4 =	rddreg [dreg:$0x1]  }
0x3: {  	s5 =	rddreg [dreg:$0x2]  }
0x4: {  	s0 =	rddreg [dreg:$0x3]  }
0x5: {  	s2 =	simm.s32 $0x0;
	s6 =	srdreg.scid;
	s1 =	stileid.u32  }
0x6: {  	vm0 =	vmmov $0x1;
	s10 =	simm.s32 $0x10400;
	s11 =	simm.s32 $0x2;
	s12 =	simm.s32 $0x0  }
0x7: {  	vm1 =	vcmask $0x308;
	vm2 =	vcmask $0x70C;
	vm3 =	vcmask $0xB10;
	[smem:$0x7FF] =	sst s2;
	s6 =	sand.u32 $0x1, s6;
	s8 =	sshll.u32 s1, $0xB  }
0x8: {  	vm4 =	vcmask $0xF14;
	vm5 =	vcmask $0x1318;
	vm6 =	vcmask $0x171C;
	s3 =	sadd.s32 $0xC00, s3;
	s7 =	ssub.s32 $0x2, s6;
	s6 =	sshll.u32 s6, $0xA  }
0x9: {  	vm7 =	vcmask $0x1B20;
	vm8 =	vcmask $0x1F24;
	vm9 =	vcmask $0x2328;
	_ =	strace $0x80000047;
	s9 =	sshrl.u32 s7, $0x1;
	s6 =	sor.u32 s6, s8  }
0xa: {  	vm10 =	vcmask $0x272C;
	vm11 =	vcmask $0x2B30;
	v0 =	vlaneseq.u32;
	s7 =	ssub.s32 s7, s9;
	s8 =	sshrl.u32 s6, $0x3;
	s6 =	sshll.u32 s6, $0x3  }
0xb: {  	vm12 =	vcmask $0x2F34;
	vm13 =	vcmask $0x3338;
	v1 =	vand.u32 $0x1, v0;
	s9 =	simm.s32 $0x400;
	s4 =	sadd.s32 s4, s8;
	s5 =	sadd.s32 s5, s6  }
0xc: {  	vm14 =	vcmask $0x373C;
	vm15 =	vmmov $0x7fff;
	v1 =	vmul.u32 $0x40, v1;
	s6 =	smax.u32 s7, $0x1;
	s7 =	simm.s32 $0x3;
	s8 =	simm.s32 $0x1  }
.LBB2_1:
0xd: {  	[tilespmem:s2], [sflag:$0x3] =	stream.linear.gather [hbm4b:s4+s2], $0x400, $0x38;
	[tilespmem:$0x10C00] =	vst v63  }
0xe: {  	_ =	swait.ge [sflag:s7], $0x400  }
0xf: {  	[sflag:s7] =	ssyncset.done $0x0  }
0x10: {  	p0 =	por $0x1, $0x1;
	s14 =	simm.s32 $0x0;
	[sflag:s7] =	ssyncadd.s32 $0xFFFFFC00  }
.LBB2_2:
0x11: {  	s13 =	sshll.u32 s14, $0x4  }
0x12: {  	s13 =	sand.u32 $0x3FFFFFF0, s13  }
0x13: {  	v2 =	vld [tilespmem:s13+$0x0];
	_ =	sdelay $0x4  }
0x14: {  	v3 =	vnsel vm0, $0x0, v2  }
0x15: {  	v3 =	vxor.u32 $0x80000000, v3  }
0x16: {  	(xrf0) =	vmax.scan.msk.u32 $0xffff, v3;
	_ =	sdelay $0x1  }
0x17: {  	v3 =	vsel vm1, $0x0, v2  }
0x18: {  	v3 =	vxor.u32 $0x80000000, v3;
	_ =	sdelay $0x1  }
0x19: {  	(xrf0) =	vmax.scan.msk.u32 $0xffff, v3  }
0x1a: {  	v3, _, _ =	vpop (xrf0)  }
0x1b: {  	(v2sf) =	vpush v3, $0xF;
	v3 =	vsel vm2, $0x0, v2  }
0x1c: {  	v3 =	vxor.u32 $0x80000000, v3;
	_ =	sdelay $0x1  }
0x1d: {  	(xrf0) =	vmax.scan.msk.u32 $0xffff, v3  }
0x1e: {  	v3, _, _ =	vpop (xrf0)  }
0x1f: {  	(v2sf) =	vpush v3, $0xF;
	v3 =	vsel vm3, $0x0, v2  }
0x20: {  	v3 =	vxor.u32 $0x80000000, v3;
	_ =	sdelay $0x1  }
0x21: {  	(xrf0) =	vmax.scan.msk.u32 $0xffff, v3  }
0x22: {  	v3, _, _ =	vpop (xrf0)  }
0x23: {  	(v2sf) =	vpush v3, $0xF;
	v3 =	vsel vm4, $0x0, v2  }
0x24: {  	v3 =	vxor.u32 $0x80000000, v3;
	_ =	sdelay $0x1  }
0x25: {  	(xrf0) =	vmax.scan.msk.u32 $0xffff, v3  }
0x26: {  	v3, _, _ =	vpop (xrf0)  }
0x27: {  	s15 =	spop (v2sf);
	(v2sf) =	vpush v3, $0xF;
	v3 =	vsel vm5, $0x0, v2  }
0x28: {  	s16 =	sshll.u32 s14, $0xE;
	s13 =	sshll.u32 s15, $0x4;
	v3 =	vxor.u32 $0x80000000, v3  }
0x29: {  	s14 =	sand.u32 $0x3FFFC000, s16;
	s13 =	sand.u32 $0x1FFFFF80, s13  }
0x2a: {  	s15 =	sor.u32 $0x400, s14;
	(xrf0) =	vmax.scan.msk.u32 $0xffff, v3;
	s16 =	sadd.s32 s3, s13;
	s13 =	simm.s32 $0x0  }
0x2b: {  	[tilespmem:s15], [sflag:$0x1] =	stream.linear.gather [hbm4b:s16+s13], $0x400, $0x38;
	v3, _, _ =	vpop (xrf0);
	[tilespmem:$0x10C00] =	vst v63  }
0x2c: {  	s17 =	spop (v2sf);
	(v2sf) =	vpush v3, $0xF;
	v3 =	vsel vm6, $0x0, v2  }
0x2d: {  	s15 =	sshll.u32 s17, $0x4;
	v3 =	vxor.u32 $0x80000000, v3  }
0x2e: {  	s15 =	sand.u32 $0x1FFFFF80, s15  }
0x2f: {  	s18 =	sor.u32 $0x800, s14;
	(xrf0) =	vmax.scan.msk.u32 $0xffff, v3;
	s15 =	sadd.s32 s3, s15  }
0x30: {  	[tilespmem:s18], [sflag:$0x1] =	stream.linear.gather [hbm4b:s15+s13], $0x400, $0x38;
	v3, _, _ =	vpop (xrf0);
	[tilespmem:$0x10C00] =	vst v63  }
0x31: {  	s19 =	spop (v2sf);
	(v2sf) =	vpush v3, $0xF;
	v3 =	vsel vm7, $0x0, v2  }
0x32: {  	s15 =	sshll.u32 s19, $0x4;
	v3 =	vxor.u32 $0x80000000, v3  }
0x33: {  	s15 =	sand.u32 $0x1FFFFF80, s15  }
0x34: {  	s20 =	sor.u32 $0xC00, s14;
	(xrf0) =	vmax.scan.msk.u32 $0xffff, v3;
	s15 =	sadd.s32 s3, s15  }
0x35: {  	[tilespmem:s20], [sflag:$0x1] =	stream.linear.gather [hbm4b:s15+s13], $0x400, $0x38;
	v3, _, _ =	vpop (xrf0);
	[tilespmem:$0x10C00] =	vst v63  }
0x36: {  	s21 =	spop (v2sf);
	(v2sf) =	vpush v3, $0xF;
	v3 =	vsel vm8, $0x0, v2  }
0x37: {  	s15 =	sshll.u32 s21, $0x4;
	v3 =	vxor.u32 $0x80000000, v3  }
0x38: {  	s15 =	sand.u32 $0x1FFFFF80, s15  }
0x39: {  	s22 =	sor.u32 $0x1000, s14;
	(xrf0) =	vmax.scan.msk.u32 $0xffff, v3;
	s15 =	sadd.s32 s3, s15  }
0x3a: {  	[tilespmem:s22], [sflag:$0x1] =	stream.linear.gather [hbm4b:s15+s13], $0x400, $0x38;
	v3, _, _ =	vpop (xrf0);
	[tilespmem:$0x10C00] =	vst v63  }
0x3b: {  	s23 =	spop (v2sf);
	(v2sf) =	vpush v3, $0xF;
	v3 =	vsel vm9, $0x0, v2  }
0x3c: {  	s15 =	sshll.u32 s23, $0x4;
	v3 =	vxor.u32 $0x80000000, v3  }
0x3d: {  	s15 =	sand.u32 $0x1FFFFF80, s15  }
0x3e: {  	s24 =	sor.u32 $0x1400, s14;
	(xrf0) =	vmax.scan.msk.u32 $0xffff, v3;
	s15 =	sadd.s32 s3, s15  }
0x3f: {  	[tilespmem:s24], [sflag:$0x1] =	stream.linear.gather [hbm4b:s15+s13], $0x400, $0x38;
	v3, _, _ =	vpop (xrf0);
	[tilespmem:$0x10C00] =	vst v63  }
0x40: {  	s25 =	spop (v2sf);
	(v2sf) =	vpush v3, $0xF;
	v3 =	vsel vm10, $0x0, v2  }
0x41: {  	s15 =	sshll.u32 s25, $0x4;
	v3 =	vxor.u32 $0x80000000, v3  }
0x42: {  	s15 =	sand.u32 $0x1FFFFF80, s15  }
0x43: {  	s26 =	sor.u32 $0x1800, s14;
	(xrf0) =	vmax.scan.msk.u32 $0xffff, v3;
	s15 =	sadd.s32 s3, s15  }
0x44: {  	[tilespmem:s26], [sflag:$0x1] =	stream.linear.gather [hbm4b:s15+s13], $0x400, $0x38;
	v3, _, _ =	vpop (xrf0);
	[tilespmem:$0x10C00] =	vst v63  }
0x45: {  	s28 =	spop (v2sf);
	(v2sf) =	vpush v3, $0xF;
	v3 =	vsel vm11, $0x0, v2  }
0x46: {  	s15 =	sshll.u32 s28, $0x4;
	v3 =	vxor.u32 $0x80000000, v3  }
0x47: {  	s15 =	sand.u32 $0x1FFFFF80, s15  }
0x48: {  	s29 =	sor.u32 $0x1C00, s14;
	(xrf0) =	vmax.scan.msk.u32 $0xffff, v3;
	s15 =	sadd.s32 s3, s15  }
0x49: {  	[tilespmem:s29], [sflag:$0x1] =	stream.linear.gather [hbm4b:s15+s13], $0x400, $0x38;
	v3, _, _ =	vpop (xrf0);
	[tilespmem:$0x10C00] =	vst v63  }
0x4a: {  	s30 =	spop (v2sf);
	(v2sf) =	vpush v3, $0xF;
	v3 =	vsel vm12, $0x0, v2  }
0x4b: {  	s15 =	sshll.u32 s30, $0x4;
	v3 =	vxor.u32 $0x80000000, v3  }
0x4c: {  	s15 =	sand.u32 $0x1FFFFF80, s15  }
0x4d: {  	s31 =	sor.u32 $0x2000, s14;
	(xrf0) =	vmax.scan.msk.u32 $0xffff, v3;
	s15 =	sadd.s32 s3, s15  }
0x4e: {  	[tilespmem:s31], [sflag:$0x1] =	stream.linear.gather [hbm4b:s15+s13], $0x400, $0x38;
	v3, _, _ =	vpop (xrf0);
	[tilespmem:$0x10C00] =	vst v63  }
0x4f: {  	s16 =	spop (v2sf);
	(v2sf) =	vpush v3, $0xF;
	v3 =	vsel vm13, $0x0, v2  }
0x50: {  	s15 =	sshll.u32 s16, $0x4;
	v3 =	vxor.u32 $0x80000000, v3  }
0x51: {  	s15 =	sand.u32 $0x1FFFFF80, s15  }
0x52: {  	s17 =	sor.u32 $0x2400, s14;
	(xrf0) =	vmax.scan.msk.u32 $0xffff, v3;
	s15 =	sadd.s32 s3, s15  }
0x53: {  	[tilespmem:s17], [sflag:$0x1] =	stream.linear.gather [hbm4b:s15+s13], $0x400, $0x38;
	v3, _, _ =	vpop (xrf0);
	[tilespmem:$0x10C00] =	vst v63  }
0x54: {  	s18 =	spop (v2sf);
	(v2sf) =	vpush v3, $0xF;
	v3 =	vsel vm14, $0x0, v2  }
0x55: {  	s15 =	sshll.u32 s18, $0x4;
	v3 =	vxor.u32 $0x80000000, v3  }
0x56: {  	s15 =	sand.u32 $0x1FFFFF80, s15  }
0x57: {  	s19 =	sor.u32 $0x2800, s14;
	(xrf0) =	vmax.scan.msk.u32 $0xffff, v3;
	s15 =	sadd.s32 s3, s15  }
0x58: {  	[tilespmem:s19], [sflag:$0x1] =	stream.linear.gather [hbm4b:s15+s13], $0x400, $0x38;
	v3, _, _ =	vpop (xrf0);
	[tilespmem:$0x10C00] =	vst v63  }
0x59: {  	v2 =	vsel vm15, $0x0, v2;
	s20 =	spop (v2sf);
	(v2sf) =	vpush v3, $0xF  }
0x5a: {  	v2 =	vxor.u32 $0x80000000, v2;
	s15 =	sshll.u32 s20, $0x4  }
0x5b: {  	s15 =	sand.u32 $0x1FFFFF80, s15  }
0x5c: {  	s21 =	sor.u32 $0x2C00, s14;
	(xrf0) =	vmax.scan.msk.u32 $0xffff, v2;
	s15 =	sadd.s32 s3, s15  }
0x5d: {  	v2, _, _ =	vpop (xrf0);
	[tilespmem:s21], [sflag:$0x1] =	stream.linear.gather [hbm4b:s15+s13], $0x400, $0x38;
	[tilespmem:$0x10C00] =	vst v63  }
0x5e: {  	s22 =	spop (v2sf);
	(v2sf) =	vpush v2, $0xF  }
0x5f: {  	s15 =	sshll.u32 s22, $0x4  }
0x60: {  	s15 =	sand.u32 $0x1FFFFF80, s15  }
0x61: {  	s23 =	sor.u32 $0x3000, s14;
	s15 =	sadd.s32 s3, s15  }
0x62: {  	v2, _, _ =	vpop (xrf0);
	[tilespmem:s23], [sflag:$0x1] =	stream.linear.gather [hbm4b:s15+s13], $0x400, $0x38;
	[tilespmem:$0x10C00] =	vst v63  }
0x63: {  	s24 =	spop (v2sf);
	(v2sf) =	vpush v2, $0xF  }
0x64: {  	s15 =	sshll.u32 s24, $0x4  }
0x65: {  	s15 =	sand.u32 $0x1FFFFF80, s15  }
0x66: {  	s25 =	sor.u32 $0x3400, s14;
	s15 =	sadd.s32 s3, s15  }
0x67: {  	[tilespmem:s25], [sflag:$0x1] =	stream.linear.gather [hbm4b:s15+s13], $0x400, $0x38;
	[tilespmem:$0x10C00] =	vst v63  }
0x68: {  	s26 =	spop (v2sf)  }
0x69: {  	s15 =	sshll.u32 s26, $0x4  }
0x6a: {  	s15 =	sand.u32 $0x1FFFFF80, s15  }
0x6b: {  	s28 =	sor.u32 $0x3800, s14;
	s15 =	sadd.s32 s3, s15  }
0x6c: {  	[tilespmem:s28], [sflag:$0x1] =	stream.linear.gather [hbm4b:s15+s13], $0x400, $0x38;
	[tilespmem:$0x10C00] =	vst v63  }
0x6d: {  	s29 =	spop (v2sf)  }
0x6e: {  	s15 =	sshll.u32 s29, $0x4  }
0x6f: {  	s15 =	sand.u32 $0x1FFFFF80, s15  }
0x70: {  	s30 =	sor.u32 $0x3C00, s14;
	s15 =	sadd.s32 s3, s15  }
0x71: {  	[tilespmem:s30], [sflag:$0x1] =	stream.linear.gather [hbm4b:s15+s13], $0x400, $0x38;
	[tilespmem:$0x10C00] =	vst v63  }
0x72: {  	p1 =	por p0, p0;
	s31 =	spop (v2sf)  }
.Ltmp0:
0x73: {  	s15 =	sshll.u32 s31, $0x4;
	(pc) =	sbr.rel @p1 .LBB2_2-.Ltmp0, $4  }
0x74: {  	s15 =	sand.u32 $0x1FFFFF80, s15  }
0x75: {  	s14 =	sadd.s32 $0x4000, s14;
	s15 =	sadd.s32 s3, s15  }
0x76: {  	[tilespmem:s14], [sflag:$0x1] =	stream.linear.gather [hbm4b:s15+s13], $0x400, $0x38;
	[tilespmem:$0x10C00] =	vst v63  }
0x77: {  	p0 =	por $0x0, $0x0;
	s14 =	simm.s32 $0x1  }
.LBB2_3:
0x78: {  	s14 =	sshllo.u32 s13, $0x1  }
0x79: {  	s15 =	sshll.u32 s14, $0x5  }
0x7a: {  	s15 =	sand.u32 $0x3FFFFFE0, s15  }
0x7b: {  	v2 =	vmov s15;
	_ =	sdelay $0x1  }
0x7c: {  	p0 =	por $0x1, $0x1;
	s15 =	simm.s32 $0x0  }
.LBB2_4:
0x7d: {  	s16 =	sshll.u32 s15, $0x4  }
0x7e: {  	s16 =	sand.u32 $0x3FFFFFF0, s16  }
0x7f: {  	v3 =	vld.idx.msk [tilespmem:v2+s16+$0x0 ss:$0x1], $0xffff;
	_ =	sdelay $0x4  }
0x80: {  	v4 =	vnsel vm0, $0x0, v3  }
0x81: {  	v4 =	vxor.u32 $0x80000000, v4  }
0x82: {  	(xrf0) =	vmax.scan.msk.u32 $0xffff, v4;
	_ =	sdelay $0x2  }
0x83: {  	v36 =	vsel vm1, $0x0, v3  }
0x84: {  	v4 =	vxor.u32 $0x80000000, v36  }
0x85: {  	(xrf0) =	vmax.scan.msk.u32 $0xffff, v4  }
0x86: {  	v37, _, _ =	vpop (xrf0)  }
0x87: {  	v38 =	vsel vm2, $0x0, v3;
	(v2sf) =	vpush v37, $0xF  }
0x88: {  	v4 =	vxor.u32 $0x80000000, v38  }
0x89: {  	(xrf0) =	vmax.scan.msk.u32 $0xffff, v4;
	_ =	sdelay $0x1  }
0x8a: {  	v39, _, _ =	vpop (xrf0)  }
0x8b: {  	(v2sf) =	vpush v39, $0xF  }
0x8c: {  	v40 =	vsel vm3, $0x0, v3  }
0x8d: {  	v4 =	vxor.u32 $0x80000000, v40  }
0x8e: {  	(xrf0) =	vmax.scan.msk.u32 $0xffff, v4;
	v41, _, _ =	vpop (xrf0)  }
0x8f: {  	(v2sf) =	vpush v41, $0xF;
	_ =	sdelay $0x1  }
0x90: {  	v42 =	vsel vm4, $0x0, v3  }
0x91: {  	v4 =	vxor.u32 $0x80000000, v42  }
0x92: {  	(xrf0) =	vmax.scan.msk.u32 $0xffff, v4  }
0x93: {  	v43, _, _ =	vpop (xrf0)  }
0x94: {  	v44 =	vsel vm5, $0x0, v3;
	s28 =	spop (v2sf);
	(v2sf) =	vpush v43, $0xF  }
0x95: {  	v4 =	vxor.u32 $0x80000000, v44  }
0x96: {  	(xrf0) =	vmax.scan.msk.u32 $0xffff, v4;
	_ =	sdelay $0x1  }
0x97: {  	v45, _, _ =	vpop (xrf0)  }
0x98: {  	s29 =	sshll.u32 s15, $0xE;
	v46 =	vsel vm6, $0x0, v3;
	s16 =	sshll.u32 s28, $0x4;
	s30 =	spop (v2sf);
	(v2sf) =	vpush v45, $0xF  }
0x99: {  	s15 =	sand.u32 $0x3FFFC000, s29;
	v4 =	vxor.u32 $0x80000000, v46;
	s16 =	sand.u32 $0x1FFFFF80, s16  }
0x9a: {  	s17 =	sadd.s32 $0x8400, s15;
	(xrf0) =	vmax.scan.msk.u32 $0xffff, v4;
	s16 =	sadd.s32 s3, s16  }
0x9b: {  	v47, _, _ =	vpop (xrf0);
	[tilespmem:s17], [sflag:$0x2] =	stream.linear.gather [hbm4b:s16+s2], $0x400, $0x38;
	[tilespmem:$0x10C00] =	vst v63  }
0x9c: {  	s17 =	spop (v2sf);
	(v2sf) =	vpush v47, $0xF;
	_ =	sdelay $0x1  }
0x9d: {  	v48 =	vsel vm7, $0x0, v3  }
0x9e: {  	v4 =	vxor.u32 $0x80000000, v48  }
0x9f: {  	(xrf0) =	vmax.scan.msk.u32 $0xffff, v4  }
0xa0: {  	v49, _, _ =	vpop (xrf0)  }
0xa1: {  	v50 =	vsel vm8, $0x0, v3;
	s19 =	spop (v2sf);
	(v2sf) =	vpush v49, $0xF  }
0xa2: {  	v4 =	vxor.u32 $0x80000000, v50;
	s16 =	sshll.u32 s30, $0x4  }
0xa3: {  	(xrf0) =	vmax.scan.msk.u32 $0xffff, v4;
	s16 =	sand.u32 $0x1FFFFF80, s16  }
0xa4: {  	s31 =	sadd.s32 $0x8800, s15;
	s16 =	sadd.s32 s3, s16  }
0xa5: {  	v51, _, _ =	vpop (xrf0);
	[tilespmem:s31], [sflag:$0x2] =	stream.linear.gather [hbm4b:s16+s2], $0x400, $0x38;
	[tilespmem:$0x10C00] =	vst v63  }
0xa6: {  	v52 =	vsel vm9, $0x0, v3;
	s16 =	sshll.u32 s17, $0x4;
	s21 =	spop (v2sf);
	(v2sf) =	vpush v51, $0xF  }
0xa7: {  	v4 =	vxor.u32 $0x80000000, v52;
	s16 =	sand.u32 $0x1FFFFF80, s16  }
0xa8: {  	s18 =	sadd.s32 $0x8C00, s15;
	(xrf0) =	vmax.scan.msk.u32 $0xffff, v4;
	s16 =	sadd.s32 s3, s16  }
0xa9: {  	v53, _, _ =	vpop (xrf0);
	[tilespmem:s18], [sflag:$0x2] =	stream.linear.gather [hbm4b:s16+s2], $0x400, $0x38;
	[tilespmem:$0x10C00] =	vst v63  }
0xaa: {  	s23 =	spop (v2sf);
	(v2sf) =	vpush v53, $0xF  }
0xab: {  	v54 =	vsel vm10, $0x0, v3;
	s16 =	sshll.u32 s19, $0x4  }
0xac: {  	v4 =	vxor.u32 $0x80000000, v54;
	s16 =	sand.u32 $0x1FFFFF80, s16  }
0xad: {  	s20 =	sadd.s32 $0x9000, s15;
	(xrf0) =	vmax.scan.msk.u32 $0xffff, v4;
	s16 =	sadd.s32 s3, s16  }
0xae: {  	[tilespmem:s20], [sflag:$0x2] =	stream.linear.gather [hbm4b:s16+s2], $0x400, $0x38;
	[tilespmem:$0x10C00] =	vst v63  }
0xaf: {  	v56 =	vsel vm11, $0x0, v3;
	v55, _, _ =	vpop (xrf0);
	s16 =	sshll.u32 s21, $0x4  }
0xb0: {  	v4 =	vxor.u32 $0x80000000, v56;
	s16 =	sand.u32 $0x1FFFFF80, s16;
	s25 =	spop (v2sf);
	(v2sf) =	vpush v55, $0xF  }
0xb1: {  	s22 =	sadd.s32 $0x9400, s15;
	(xrf0) =	vmax.scan.msk.u32 $0xffff, v4;
	s16 =	sadd.s32 s3, s16  }
0xb2: {  	[tilespmem:s22], [sflag:$0x2] =	stream.linear.gather [hbm4b:s16+s2], $0x400, $0x38;
	[tilespmem:$0x10C00] =	vst v63  }
0xb3: {  	s16 =	sshll.u32 s23, $0x4  }
0xb4: {  	v57, _, _ =	vpop (xrf0);
	s16 =	sand.u32 $0x1FFFFF80, s16  }
0xb5: {  	s24 =	sadd.s32 $0x9800, s15;
	s16 =	sadd.s32 s3, s16;
	s28 =	spop (v2sf);
	(v2sf) =	vpush v57, $0xF  }
0xb6: {  	v58 =	vsel vm12, $0x0, v3;
	[tilespmem:s24], [sflag:$0x2] =	stream.linear.gather [hbm4b:s16+s2], $0x400, $0x38;
	[tilespmem:$0x10C00] =	vst v63  }
0xb7: {  	v4 =	vxor.u32 $0x80000000, v58;
	s16 =	sshll.u32 s25, $0x4  }
0xb8: {  	(xrf0) =	vmax.scan.msk.u32 $0xffff, v4;
	v59, _, _ =	vpop (xrf0);
	s16 =	sand.u32 $0x1FFFFF80, s16  }
0xb9: {  	s26 =	sadd.s32 $0x9C00, s15;
	s16 =	sadd.s32 s3, s16;
	s30 =	spop (v2sf);
	(v2sf) =	vpush v59, $0xF  }
0xba: {  	[tilespmem:s26], [sflag:$0x2] =	stream.linear.gather [hbm4b:s16+s2], $0x400, $0x38;
	[tilespmem:$0x10C00] =	vst v63  }
0xbb: {  	v60 =	vsel vm13, $0x0, v3;
	s16 =	sshll.u32 s28, $0x4  }
0xbc: {  	v4 =	vxor.u32 $0x80000000, v60;
	s16 =	sand.u32 $0x1FFFFF80, s16  }
0xbd: {  	s29 =	sadd.s32 $0xA000, s15;
	(xrf0) =	vmax.scan.msk.u32 $0xffff, v4;
	s16 =	sadd.s32 s3, s16  }
0xbe: {  	v61, _, _ =	vpop (xrf0);
	[tilespmem:s29], [sflag:$0x2] =	stream.linear.gather [hbm4b:s16+s2], $0x400, $0x38;
	[tilespmem:$0x10C00] =	vst v63  }
0xbf: {  	v62 =	vsel vm14, $0x0, v3;
	s18 =	spop (v2sf);
	(v2sf) =	vpush v61, $0xF  }
0xc0: {  	v4 =	vxor.u32 $0x80000000, v62;
	s16 =	sshll.u32 s30, $0x4  }
0xc1: {  	(xrf0) =	vmax.scan.msk.u32 $0xffff, v4;
	s16 =	sand.u32 $0x1FFFFF80, s16  }
0xc2: {  	s31 =	sadd.s32 $0xA400, s15;
	s16 =	sadd.s32 s3, s16  }
0xc3: {  	v3 =	vsel vm15, $0x0, v3;
	v63, _, _ =	vpop (xrf0);
	[tilespmem:s31], [sflag:$0x2] =	stream.linear.gather [hbm4b:s16+s2], $0x400, $0x38;
	[tilespmem:$0x10C00] =	vst v63  }
0xc4: {  	v3 =	vxor.u32 $0x80000000, v3;
	s16 =	sshll.u32 s18, $0x4;
	s20 =	spop (v2sf);
	(v2sf) =	vpush v63, $0xF  }
0xc5: {  	s16 =	sand.u32 $0x1FFFFF80, s16  }
0xc6: {  	s19 =	sadd.s32 $0xA800, s15;
	(xrf0) =	vmax.scan.msk.u32 $0xffff, v3;
	s16 =	sadd.s32 s3, s16  }
0xc7: {  	v3, _, _ =	vpop (xrf0);
	[tilespmem:s19], [sflag:$0x2] =	stream.linear.gather [hbm4b:s16+s2], $0x400, $0x38;
	[tilespmem:$0x10C00] =	vst v63  }
0xc8: {  	s22 =	spop (v2sf);
	(v2sf) =	vpush v3, $0xF  }
0xc9: {  	s16 =	sshll.u32 s20, $0x4  }
0xca: {  	s16 =	sand.u32 $0x1FFFFF80, s16  }
0xcb: {  	s21 =	sadd.s32 $0xAC00, s15;
	s16 =	sadd.s32 s3, s16  }
0xcc: {  	[tilespmem:s21], [sflag:$0x2] =	stream.linear.gather [hbm4b:s16+s2], $0x400, $0x38;
	[tilespmem:$0x10C00] =	vst v63  }
0xcd: {  	v3, _, _ =	vpop (xrf0);
	s16 =	sshll.u32 s22, $0x4  }
0xce: {  	s16 =	sand.u32 $0x1FFFFF80, s16;
	s24 =	spop (v2sf);
	(v2sf) =	vpush v3, $0xF  }
0xcf: {  	s23 =	sadd.s32 $0xB000, s15;
	s16 =	sadd.s32 s3, s16  }
0xd0: {  	[tilespmem:s23], [sflag:$0x2] =	stream.linear.gather [hbm4b:s16+s2], $0x400, $0x38;
	[tilespmem:$0x10C00] =	vst v63  }
0xd1: {  	s16 =	sshll.u32 s24, $0x4  }
0xd2: {  	s16 =	sand.u32 $0x1FFFFF80, s16  }
0xd3: {  	s25 =	sadd.s32 $0xB400, s15;
	s26 =	spop (v2sf);
	s16 =	sadd.s32 s3, s16  }
0xd4: {  	[tilespmem:s25], [sflag:$0x2] =	stream.linear.gather [hbm4b:s16+s2], $0x400, $0x38;
	[tilespmem:$0x10C00] =	vst v63  }
0xd5: {  	s16 =	sshll.u32 s26, $0x4  }
0xd6: {  	s16 =	sand.u32 $0x1FFFFF80, s16  }
0xd7: {  	s28 =	sadd.s32 $0xB800, s15;
	s16 =	sadd.s32 s3, s16;
	s29 =	spop (v2sf)  }
0xd8: {  	[tilespmem:s28], [sflag:$0x2] =	stream.linear.gather [hbm4b:s16+s2], $0x400, $0x38;
	[tilespmem:$0x10C00] =	vst v63  }
0xd9: {  	s16 =	sshll.u32 s29, $0x4  }
0xda: {  	s16 =	sand.u32 $0x1FFFFF80, s16  }
0xdb: {  	s30 =	sadd.s32 $0xBC00, s15;
	s16 =	sadd.s32 s3, s16  }
0xdc: {  	[tilespmem:s30], [sflag:$0x2] =	stream.linear.gather [hbm4b:s16+s2], $0x400, $0x38;
	[tilespmem:$0x10C00] =	vst v63  }
0xdd: {  	p1 =	por p0, p0;
	s31 =	spop (v2sf)  }
.Ltmp1:
0xde: {  	s16 =	sshll.u32 s31, $0x4;
	(pc) =	sbr.rel @p1 .LBB2_4-.Ltmp1, $4  }
0xdf: {  	s16 =	sand.u32 $0x1FFFFF80, s16  }
0xe0: {  	s15 =	sadd.s32 $0xC000, s15;
	s16 =	sadd.s32 s3, s16  }
0xe1: {  	[tilespmem:s15], [sflag:$0x2] =	stream.linear.gather [hbm4b:s16+s2], $0x400, $0x38;
	[tilespmem:$0x10C00] =	vst v63  }
0xe2: {  	p0 =	por $0x0, $0x0;
	s15 =	simm.s32 $0x1  }
0xe3: {  	_ =	swait.ge [sflag:s8], $0x400  }
0xe4: {  	[sflag:s8] =	ssyncset.done $0x0  }
0xe5: {  	[sflag:s8] =	ssyncadd.s32 $0xFFFFFC00  }
0xe6: {  	_ =	swait.ge [sflag:s8], $0x400  }
0xe7: {  	[sflag:s8] =	ssyncset.done $0x0  }
0xe8: {  	[sflag:s8] =	ssyncadd.s32 $0xFFFFFC00  }
0xe9: {  	_ =	swait.ge [sflag:s8], $0x400  }
0xea: {  	[sflag:s8] =	ssyncset.done $0x0  }
0xeb: {  	[sflag:s8] =	ssyncadd.s32 $0xFFFFFC00  }
0xec: {  	_ =	swait.ge [sflag:s8], $0x400  }
0xed: {  	[sflag:s8] =	ssyncset.done $0x0  }
0xee: {  	[sflag:s8] =	ssyncadd.s32 $0xFFFFFC00  }
0xef: {  	_ =	swait.ge [sflag:s8], $0x400  }
0xf0: {  	[sflag:s8] =	ssyncset.done $0x0  }
0xf1: {  	[sflag:s8] =	ssyncadd.s32 $0xFFFFFC00  }
0xf2: {  	_ =	swait.ge [sflag:s8], $0x400  }
0xf3: {  	[sflag:s8] =	ssyncset.done $0x0  }
0xf4: {  	[sflag:s8] =	ssyncadd.s32 $0xFFFFFC00  }
0xf5: {  	_ =	swait.ge [sflag:s8], $0x400  }
0xf6: {  	[sflag:s8] =	ssyncset.done $0x0  }
0xf7: {  	[sflag:s8] =	ssyncadd.s32 $0xFFFFFC00  }
0xf8: {  	_ =	swait.ge [sflag:s8], $0x400  }
0xf9: {  	[sflag:s8] =	ssyncset.done $0x0  }
0xfa: {  	[sflag:s8] =	ssyncadd.s32 $0xFFFFFC00  }
0xfb: {  	_ =	swait.ge [sflag:s8], $0x400  }
0xfc: {  	[sflag:s8] =	ssyncset.done $0x0  }
0xfd: {  	[sflag:s8] =	ssyncadd.s32 $0xFFFFFC00  }
0xfe: {  	_ =	swait.ge [sflag:s8], $0x400  }
0xff: {  	[sflag:s8] =	ssyncset.done $0x0  }
0x100: {  	[sflag:s8] =	ssyncadd.s32 $0xFFFFFC00  }
0x101: {  	_ =	swait.ge [sflag:s8], $0x400  }
0x102: {  	[sflag:s8] =	ssyncset.done $0x0  }
0x103: {  	[sflag:s8] =	ssyncadd.s32 $0xFFFFFC00  }
0x104: {  	_ =	swait.ge [sflag:s8], $0x400  }
0x105: {  	[sflag:s8] =	ssyncset.done $0x0  }
0x106: {  	[sflag:s8] =	ssyncadd.s32 $0xFFFFFC00  }
0x107: {  	_ =	swait.ge [sflag:s8], $0x400  }
0x108: {  	[sflag:s8] =	ssyncset.done $0x0  }
0x109: {  	[sflag:s8] =	ssyncadd.s32 $0xFFFFFC00  }
0x10a: {  	_ =	swait.ge [sflag:s8], $0x400  }
0x10b: {  	[sflag:s8] =	ssyncset.done $0x0  }
0x10c: {  	[sflag:s8] =	ssyncadd.s32 $0xFFFFFC00  }
0x10d: {  	_ =	swait.ge [sflag:s8], $0x400  }
0x10e: {  	[sflag:s8] =	ssyncset.done $0x0  }
0x10f: {  	[sflag:s8] =	ssyncadd.s32 $0xFFFFFC00  }
0x110: {  	_ =	swait.ge [sflag:s8], $0x400  }
0x111: {  	[sflag:s8] =	ssyncset.done $0x0  }
0x112: {  	[sflag:s8] =	ssyncadd.s32 $0xFFFFFC00  }
0x113: {  	_ =	swait.ge [sflag:s8], $0x400  }
0x114: {  	[sflag:s8] =	ssyncset.done $0x0  }
0x115: {  	[sflag:s8] =	ssyncadd.s32 $0xFFFFFC00  }
0x116: {  	_ =	swait.ge [sflag:s8], $0x400  }
0x117: {  	[sflag:s8] =	ssyncset.done $0x0  }
0x118: {  	[sflag:s8] =	ssyncadd.s32 $0xFFFFFC00  }
0x119: {  	_ =	swait.ge [sflag:s8], $0x400  }
0x11a: {  	[sflag:s8] =	ssyncset.done $0x0  }
0x11b: {  	[sflag:s8] =	ssyncadd.s32 $0xFFFFFC00  }
0x11c: {  	_ =	swait.ge [sflag:s8], $0x400  }
0x11d: {  	[sflag:s8] =	ssyncset.done $0x0  }
0x11e: {  	[sflag:s8] =	ssyncadd.s32 $0xFFFFFC00  }
0x11f: {  	_ =	swait.ge [sflag:s8], $0x400  }
0x120: {  	[sflag:s8] =	ssyncset.done $0x0  }
0x121: {  	[sflag:s8] =	ssyncadd.s32 $0xFFFFFC00  }
0x122: {  	_ =	swait.ge [sflag:s8], $0x400  }
0x123: {  	[sflag:s8] =	ssyncset.done $0x0  }
0x124: {  	[sflag:s8] =	ssyncadd.s32 $0xFFFFFC00  }
0x125: {  	_ =	swait.ge [sflag:s8], $0x400  }
0x126: {  	[sflag:s8] =	ssyncset.done $0x0  }
0x127: {  	[sflag:s8] =	ssyncadd.s32 $0xFFFFFC00  }
0x128: {  	_ =	swait.ge [sflag:s8], $0x400  }
0x129: {  	[sflag:s8] =	ssyncset.done $0x0  }
0x12a: {  	[sflag:s8] =	ssyncadd.s32 $0xFFFFFC00  }
0x12b: {  	_ =	swait.ge [sflag:s8], $0x400  }
0x12c: {  	[sflag:s8] =	ssyncset.done $0x0  }
0x12d: {  	[sflag:s8] =	ssyncadd.s32 $0xFFFFFC00  }
0x12e: {  	_ =	swait.ge [sflag:s8], $0x400  }
0x12f: {  	[sflag:s8] =	ssyncset.done $0x0  }
0x130: {  	[sflag:s8] =	ssyncadd.s32 $0xFFFFFC00  }
0x131: {  	_ =	swait.ge [sflag:s8], $0x400  }
0x132: {  	[sflag:s8] =	ssyncset.done $0x0  }
0x133: {  	[sflag:s8] =	ssyncadd.s32 $0xFFFFFC00  }
0x134: {  	_ =	swait.ge [sflag:s8], $0x400  }
0x135: {  	[sflag:s8] =	ssyncset.done $0x0  }
0x136: {  	[sflag:s8] =	ssyncadd.s32 $0xFFFFFC00  }
0x137: {  	_ =	swait.ge [sflag:s8], $0x400  }
0x138: {  	[sflag:s8] =	ssyncset.done $0x0  }
0x139: {  	[sflag:s8] =	ssyncadd.s32 $0xFFFFFC00  }
0x13a: {  	_ =	swait.ge [sflag:s8], $0x400  }
0x13b: {  	[sflag:s8] =	ssyncset.done $0x0  }
0x13c: {  	[sflag:s8] =	ssyncadd.s32 $0xFFFFFC00  }
0x13d: {  	_ =	swait.ge [sflag:s8], $0x400  }
0x13e: {  	[sflag:s8] =	ssyncset.done $0x0  }
0x13f: {  	[sflag:s8] =	ssyncadd.s32 $0xFFFFFC00  }
0x140: {  	s15 =	sshll.u32 s13, $0x6;
	_ =	swait.ge [sflag:s8], $0x400  }
0x141: {  	s16 =	simm.s32 $0x0;
	s15 =	sand.u32 $0x3FFFFFC0, s15;
	[sflag:s8] =	ssyncset.done $0x0  }
0x142: {  	p1 =	por $0x1, $0x1;
	s17 =	simm.s32 $0x0;
	v3 =	vmov s15;
	[sflag:s8] =	ssyncadd.s32 $0xFFFFFC00  }
.LBB2_6:
0x143: {  	_ =	sdelay $0x3  }
0x144: {  	v4 =	vld.idx.msk [tilespmem:v3+s17+$0x0 ss:$0x1], $0xffff;
	_ =	sdelay $0x4  }
0x145: {  	v5 =	vor.u32 s17, v0;
	v4 =	vshll.u32 v4, $0x7  }
0x146: {  	v6 =	vshll.u32 v5, $0xA;
	v4 =	vand.u32 $0x380, v4  }
0x147: {  	v4 =	vor.u32 v6, v4  }
0x148: {  	v6 =	vor.u32 s16, v4;
	_ =	sdelay $0x1  }
0x149: {  	v5 =	vshll.u32 v5, $0x6  }
0x14a: {  	v5 =	vand.u32 $0x780, v5  }
0x14b: {  	v5 =	vor.u32 v1, v5  }
0x14c: {  	s25 =	simm.s32 $0x1;
	v7 =	vor.u32 s16, v5;
	v6 =	vld.idx.msk [tilespmem:v6+s9+$0x0], $0xffff  }
0x14d: {  	v8 =	vor.u32 s25, v4;
	_ =	sdelay $0x3  }
0x14e: {  	[tilespmem:v7+s10+$0x0] =	vst.idx.msk $0xffff, v6  }
0x14f: {  	s26 =	simm.s32 $0x2;
	v7 =	vor.u32 s25, v5;
	v6 =	vld.idx.msk [tilespmem:v8+s9+$0x0], $0xffff  }
0x150: {  	v8 =	vor.u32 s26, v4;
	_ =	sdelay $0x3  }
0x151: {  	[tilespmem:v7+s10+$0x0] =	vst.idx.msk $0xffff, v6  }
0x152: {  	s28 =	simm.s32 $0x3;
	v7 =	vor.u32 s26, v5;
	v6 =	vld.idx.msk [tilespmem:v8+s9+$0x0], $0xffff  }
0x153: {  	v8 =	vor.u32 s28, v4;
	_ =	sdelay $0x3  }
0x154: {  	[tilespmem:v7+s10+$0x0] =	vst.idx.msk $0xffff, v6  }
0x155: {  	s29 =	simm.s32 $0x4;
	v7 =	vor.u32 s28, v5;
	v6 =	vld.idx.msk [tilespmem:v8+s9+$0x0], $0xffff  }
0x156: {  	v8 =	vor.u32 s29, v4;
	_ =	sdelay $0x3  }
0x157: {  	[tilespmem:v7+s10+$0x0] =	vst.idx.msk $0xffff, v6  }
0x158: {  	s30 =	simm.s32 $0x5;
	v7 =	vor.u32 s29, v5;
	v6 =	vld.idx.msk [tilespmem:v8+s9+$0x0], $0xffff  }
0x159: {  	v8 =	vor.u32 s30, v4;
	_ =	sdelay $0x3  }
0x15a: {  	[tilespmem:v7+s10+$0x0] =	vst.idx.msk $0xffff, v6  }
0x15b: {  	s31 =	simm.s32 $0x6;
	v7 =	vor.u32 s30, v5;
	v6 =	vld.idx.msk [tilespmem:v8+s9+$0x0], $0xffff  }
0x15c: {  	v8 =	vor.u32 s31, v4;
	_ =	sdelay $0x3  }
0x15d: {  	[tilespmem:v7+s10+$0x0] =	vst.idx.msk $0xffff, v6  }
0x15e: {  	s18 =	simm.s32 $0x7;
	v7 =	vor.u32 s31, v5;
	v6 =	vld.idx.msk [tilespmem:v8+s9+$0x0], $0xffff  }
0x15f: {  	v8 =	vor.u32 s18, v4;
	_ =	sdelay $0x3  }
0x160: {  	[tilespmem:v7+s10+$0x0] =	vst.idx.msk $0xffff, v6  }
0x161: {  	s17 =	simm.s32 $0x8;
	v7 =	vor.u32 s18, v5;
	v6 =	vld.idx.msk [tilespmem:v8+s9+$0x0], $0xffff  }
0x162: {  	p0 =	por p1, p1;
	s18 =	simm.s32 $0x10;
	v8 =	vor.u32 s17, v4  }
.LBB2_7:
0x163: {  	p1 =	slt.u32 s18, $0x38;
	_ =	sdelay $0x2  }
0x164: {  	[tilespmem:v7+s10+$0x0] =	vst.idx.msk $0xffff, v6  }
0x165: {  	v6 =	vld.idx.msk [tilespmem:v8+s9+$0x0], $0xffff  }
0x166: {  	s19 =	sadd.s32 $0x1, s17;
	v7 =	vor.u32 s17, v5  }
0x167: {  	v8 =	vor.u32 s19, v4;
	_ =	sdelay $0x3  }
0x168: {  	[tilespmem:v7+s10+$0x0] =	vst.idx.msk $0xffff, v6  }
0x169: {  	v6 =	vld.idx.msk [tilespmem:v8+s9+$0x0], $0xffff  }
0x16a: {  	v7 =	vor.u32 s19, v5;
	s19 =	sadd.s32 $0x2, s17  }
0x16b: {  	v8 =	vor.u32 s19, v4;
	_ =	sdelay $0x3  }
0x16c: {  	[tilespmem:v7+s10+$0x0] =	vst.idx.msk $0xffff, v6  }
0x16d: {  	v6 =	vld.idx.msk [tilespmem:v8+s9+$0x0], $0xffff  }
0x16e: {  	v7 =	vor.u32 s19, v5;
	s19 =	sadd.s32 $0x3, s17  }
0x16f: {  	v8 =	vor.u32 s19, v4;
	_ =	sdelay $0x3  }
0x170: {  	[tilespmem:v7+s10+$0x0] =	vst.idx.msk $0xffff, v6  }
0x171: {  	v6 =	vld.idx.msk [tilespmem:v8+s9+$0x0], $0xffff  }
0x172: {  	v7 =	vor.u32 s19, v5;
	s19 =	sadd.s32 $0x4, s17  }
0x173: {  	v8 =	vor.u32 s19, v4;
	_ =	sdelay $0x3  }
0x174: {  	[tilespmem:v7+s10+$0x0] =	vst.idx.msk $0xffff, v6  }
0x175: {  	v6 =	vld.idx.msk [tilespmem:v8+s9+$0x0], $0xffff  }
0x176: {  	v7 =	vor.u32 s19, v5;
	s19 =	sadd.s32 $0x5, s17  }
0x177: {  	v8 =	vor.u32 s19, v4;
	_ =	sdelay $0x3  }
0x178: {  	[tilespmem:v7+s10+$0x0] =	vst.idx.msk $0xffff, v6  }
0x179: {  	v6 =	vld.idx.msk [tilespmem:v8+s9+$0x0], $0xffff  }
0x17a: {  	v7 =	vor.u32 s19, v5;
	s19 =	sadd.s32 $0x6, s17  }
0x17b: {  	v8 =	vor.u32 s19, v4;
	_ =	sdelay $0x3  }
0x17c: {  	[tilespmem:v7+s10+$0x0] =	vst.idx.msk $0xffff, v6  }
0x17d: {  	v6 =	vld.idx.msk [tilespmem:v8+s9+$0x0], $0xffff  }
0x17e: {  	v7 =	vor.u32 s19, v5;
	s19 =	sadd.s32 $0x7, s17;
	s17 =	smov.u32 s18  }
0x17f: {  	v8 =	vor.u32 s19, v4;
	_ =	sdelay $0x2  }
.Ltmp2:
0x180: {  	(pc) =	sbr.rel @p1 .LBB2_7-.Ltmp2, $4  }
0x181: {  	[tilespmem:v7+s10+$0x0] =	vst.idx.msk $0xffff, v6  }
0x182: {  	v6 =	vld.idx.msk [tilespmem:v8+s9+$0x0], $0xffff  }
0x183: {  	v7 =	vor.u32 s19, v5  }
0x184: {  	s18 =	sadd.s32 $0x8, s18;
	v8 =	vor.u32 s17, v4  }
0x185: {  	_ =	sdelay $0x3  }
0x186: {  	[tilespmem:v7+s10+$0x0] =	vst.idx.msk $0xffff, v6  }
0x187: {  	v51 =	vor.u32 s17, v5;
	s18 =	sadd.s32 $0x1, s17;
	v6 =	vld.idx.msk [tilespmem:v8+s9+$0x0], $0xffff  }
0x188: {  	v52 =	vor.u32 s18, v4;
	_ =	sdelay $0x3  }
0x189: {  	[tilespmem:v51+s10+$0x0] =	vst.idx.msk $0xffff, v6  }
0x18a: {  	s25 =	sadd.s32 $0x2, s17;
	v53 =	vor.u32 s18, v5;
	v6 =	vld.idx.msk [tilespmem:v52+s9+$0x0], $0xffff  }
0x18b: {  	v54 =	vor.u32 s25, v4;
	_ =	sdelay $0x3  }
0x18c: {  	[tilespmem:v53+s10+$0x0] =	vst.idx.msk $0xffff, v6  }
0x18d: {  	s26 =	sadd.s32 $0x3, s17;
	v55 =	vor.u32 s25, v5;
	v6 =	vld.idx.msk [tilespmem:v54+s9+$0x0], $0xffff  }
0x18e: {  	v56 =	vor.u32 s26, v4;
	_ =	sdelay $0x3  }
0x18f: {  	[tilespmem:v55+s10+$0x0] =	vst.idx.msk $0xffff, v6  }
0x190: {  	s28 =	sadd.s32 $0x4, s17;
	v57 =	vor.u32 s26, v5;
	v6 =	vld.idx.msk [tilespmem:v56+s9+$0x0], $0xffff  }
0x191: {  	v58 =	vor.u32 s28, v4;
	_ =	sdelay $0x3  }
0x192: {  	[tilespmem:v57+s10+$0x0] =	vst.idx.msk $0xffff, v6  }
0x193: {  	s29 =	sadd.s32 $0x5, s17;
	v59 =	vor.u32 s28, v5;
	v6 =	vld.idx.msk [tilespmem:v58+s9+$0x0], $0xffff  }
0x194: {  	v60 =	vor.u32 s29, v4;
	_ =	sdelay $0x3  }
0x195: {  	[tilespmem:v59+s10+$0x0] =	vst.idx.msk $0xffff, v6  }
0x196: {  	s30 =	sadd.s32 $0x6, s17;
	v61 =	vor.u32 s29, v5;
	v6 =	vld.idx.msk [tilespmem:v60+s9+$0x0], $0xffff  }
0x197: {  	v62 =	vor.u32 s30, v4;
	_ =	sdelay $0x3  }
0x198: {  	[tilespmem:v61+s10+$0x0] =	vst.idx.msk $0xffff, v6  }
0x199: {  	s31 =	sadd.s32 $0x7, s17;
	v63 =	vor.u32 s30, v5;
	v6 =	vld.idx.msk [tilespmem:v62+s9+$0x0], $0xffff  }
0x19a: {  	v4 =	vor.u32 s31, v4;
	_ =	sdelay $0x3  }
0x19b: {  	[tilespmem:v63+s10+$0x0] =	vst.idx.msk $0xffff, v6  }
0x19c: {  	v5 =	vor.u32 s31, v5;
	v4 =	vld.idx.msk [tilespmem:v4+s9+$0x0], $0xffff  }
.Ltmp3:
0x19d: {  	_ = 	snop;
	(pc) =	sbr.rel @p0 .LBB2_6-.Ltmp3, $2  }
0x19e: {  	_ =	sdelay $0x2  }
0x19f: {  	s17 =	simm.s32 $0x10;
	p1 =	por $0x0, $0x0;
	[tilespmem:v5+s10+$0x0] =	vst.idx.msk $0xffff, v4  }
0x1a0: {  	s16 =	sshll.u32 s13, $0x9;
	p0 =	seq.s32 s13, $0xF  }
.Ltmp4:
0x1a1: {  	s16 =	sadd.s32 s16, s5;
	(pc) =	sbr.rel @p0 .LBB2_12-.Ltmp4, $4  }
0x1a2: {  	[hbm4b:s16+s2] =	stream.linear.scatter [tilespmem:s10], [sflag:$0x3], $0x800, $0x38;
	[tilespmem:$0x10C00] =	vst v63  }
0x1a3: {  	_ =	swait.ge [sflag:s7], $0x800  }
0x1a4: {  	[sflag:s7] =	ssyncset.done $0x0  }
0x1a5: {  	[sflag:s7] =	ssyncadd.s32 $0xFFFFF800  }
0x1a6: {  	s16 =	sadd.s32 $0x40, s15  }
0x1a7: {  	v3 =	vmov s16;
	_ =	sdelay $0x1  }
0x1a8: {  	s15 =	simm.s32 $0x0;
	p0 =	por $0x1, $0x1  }
.LBB2_11:
0x1a9: {  	s16 =	sshll.u32 s15, $0x4  }
0x1aa: {  	s16 =	sand.u32 $0x3FFFFFF0, s16  }
0x1ab: {  	v4 =	vld.idx.msk [tilespmem:v3+s16+$0x0 ss:$0x1], $0xffff;
	_ =	sdelay $0x4  }
0x1ac: {  	v5 =	vnsel vm0, $0x0, v4  }
0x1ad: {  	v5 =	vxor.u32 $0x80000000, v5  }
0x1ae: {  	(xrf0) =	vmax.scan.msk.u32 $0xffff, v5;
	_ =	sdelay $0x1  }
0x1af: {  	v5 =	vsel vm1, $0x0, v4  }
0x1b0: {  	v5 =	vxor.u32 $0x80000000, v5;
	_ =	sdelay $0x1  }
0x1b1: {  	(xrf0) =	vmax.scan.msk.u32 $0xffff, v5  }
0x1b2: {  	v5, _, _ =	vpop (xrf0)  }
0x1b3: {  	(v2sf) =	vpush v5, $0xF;
	v5 =	vsel vm2, $0x0, v4  }
0x1b4: {  	v5 =	vxor.u32 $0x80000000, v5;
	_ =	sdelay $0x1  }
0x1b5: {  	(xrf0) =	vmax.scan.msk.u32 $0xffff, v5  }
0x1b6: {  	v5, _, _ =	vpop (xrf0)  }
0x1b7: {  	(v2sf) =	vpush v5, $0xF;
	v5 =	vsel vm3, $0x0, v4  }
0x1b8: {  	v5 =	vxor.u32 $0x80000000, v5;
	_ =	sdelay $0x1  }
0x1b9: {  	(xrf0) =	vmax.scan.msk.u32 $0xffff, v5  }
0x1ba: {  	v5, _, _ =	vpop (xrf0)  }
0x1bb: {  	(v2sf) =	vpush v5, $0xF;
	v5 =	vsel vm4, $0x0, v4  }
0x1bc: {  	v5 =	vxor.u32 $0x80000000, v5;
	_ =	sdelay $0x1  }
0x1bd: {  	(xrf0) =	vmax.scan.msk.u32 $0xffff, v5  }
0x1be: {  	v5, _, _ =	vpop (xrf0)  }
0x1bf: {  	s28 =	spop (v2sf);
	(v2sf) =	vpush v5, $0xF;
	v5 =	vsel vm5, $0x0, v4  }
0x1c0: {  	s29 =	sshll.u32 s15, $0xE;
	s16 =	sshll.u32 s28, $0x4;
	v5 =	vxor.u32 $0x80000000, v5  }
0x1c1: {  	s15 =	sand.u32 $0x3FFFC000, s29;
	s16 =	sand.u32 $0x1FFFFF80, s16  }
0x1c2: {  	s17 =	sor.u32 $0x400, s15;
	(xrf0) =	vmax.scan.msk.u32 $0xffff, v5;
	s16 =	sadd.s32 s3, s16  }
0x1c3: {  	[tilespmem:s17], [sflag:$0x1] =	stream.linear.gather [hbm4b:s16+s2], $0x400, $0x38;
	v5, _, _ =	vpop (xrf0);
	[tilespmem:$0x10C00] =	vst v63  }
0x1c4: {  	s30 =	spop (v2sf);
	(v2sf) =	vpush v5, $0xF;
	v5 =	vsel vm6, $0x0, v4  }
0x1c5: {  	s16 =	sshll.u32 s30, $0x4;
	v5 =	vxor.u32 $0x80000000, v5  }
0x1c6: {  	s16 =	sand.u32 $0x1FFFFF80, s16  }
0x1c7: {  	s31 =	sor.u32 $0x800, s15;
	(xrf0) =	vmax.scan.msk.u32 $0xffff, v5;
	s16 =	sadd.s32 s3, s16  }
0x1c8: {  	[tilespmem:s31], [sflag:$0x1] =	stream.linear.gather [hbm4b:s16+s2], $0x400, $0x38;
	v5, _, _ =	vpop (xrf0);
	[tilespmem:$0x10C00] =	vst v63  }
0x1c9: {  	s17 =	spop (v2sf);
	(v2sf) =	vpush v5, $0xF;
	v5 =	vsel vm7, $0x0, v4  }
0x1ca: {  	s16 =	sshll.u32 s17, $0x4;
	v5 =	vxor.u32 $0x80000000, v5  }
0x1cb: {  	s16 =	sand.u32 $0x1FFFFF80, s16  }
0x1cc: {  	s18 =	sor.u32 $0xC00, s15;
	(xrf0) =	vmax.scan.msk.u32 $0xffff, v5;
	s16 =	sadd.s32 s3, s16  }
0x1cd: {  	[tilespmem:s18], [sflag:$0x1] =	stream.linear.gather [hbm4b:s16+s2], $0x400, $0x38;
	v5, _, _ =	vpop (xrf0);
	[tilespmem:$0x10C00] =	vst v63  }
0x1ce: {  	s19 =	spop (v2sf);
	(v2sf) =	vpush v5, $0xF;
	v5 =	vsel vm8, $0x0, v4  }
0x1cf: {  	s16 =	sshll.u32 s19, $0x4;
	v5 =	vxor.u32 $0x80000000, v5  }
0x1d0: {  	s16 =	sand.u32 $0x1FFFFF80, s16  }
0x1d1: {  	s20 =	sor.u32 $0x1000, s15;
	(xrf0) =	vmax.scan.msk.u32 $0xffff, v5;
	s16 =	sadd.s32 s3, s16  }
0x1d2: {  	[tilespmem:s20], [sflag:$0x1] =	stream.linear.gather [hbm4b:s16+s2], $0x400, $0x38;
	v5, _, _ =	vpop (xrf0);
	[tilespmem:$0x10C00] =	vst v63  }
0x1d3: {  	s21 =	spop (v2sf);
	(v2sf) =	vpush v5, $0xF;
	v5 =	vsel vm9, $0x0, v4  }
0x1d4: {  	s16 =	sshll.u32 s21, $0x4;
	v5 =	vxor.u32 $0x80000000, v5  }
0x1d5: {  	s16 =	sand.u32 $0x1FFFFF80, s16  }
0x1d6: {  	s22 =	sor.u32 $0x1400, s15;
	(xrf0) =	vmax.scan.msk.u32 $0xffff, v5;
	s16 =	sadd.s32 s3, s16  }
0x1d7: {  	[tilespmem:s22], [sflag:$0x1] =	stream.linear.gather [hbm4b:s16+s2], $0x400, $0x38;
	v5, _, _ =	vpop (xrf0);
	[tilespmem:$0x10C00] =	vst v63  }
0x1d8: {  	s23 =	spop (v2sf);
	(v2sf) =	vpush v5, $0xF;
	v5 =	vsel vm10, $0x0, v4  }
0x1d9: {  	s16 =	sshll.u32 s23, $0x4;
	v5 =	vxor.u32 $0x80000000, v5  }
0x1da: {  	s16 =	sand.u32 $0x1FFFFF80, s16  }
0x1db: {  	s24 =	sor.u32 $0x1800, s15;
	(xrf0) =	vmax.scan.msk.u32 $0xffff, v5;
	s16 =	sadd.s32 s3, s16  }
0x1dc: {  	[tilespmem:s24], [sflag:$0x1] =	stream.linear.gather [hbm4b:s16+s2], $0x400, $0x38;
	v5, _, _ =	vpop (xrf0);
	[tilespmem:$0x10C00] =	vst v63  }
0x1dd: {  	s25 =	spop (v2sf);
	(v2sf) =	vpush v5, $0xF;
	v5 =	vsel vm11, $0x0, v4  }
0x1de: {  	s16 =	sshll.u32 s25, $0x4;
	v5 =	vxor.u32 $0x80000000, v5  }
0x1df: {  	s16 =	sand.u32 $0x1FFFFF80, s16  }
0x1e0: {  	s26 =	sor.u32 $0x1C00, s15;
	(xrf0) =	vmax.scan.msk.u32 $0xffff, v5;
	s16 =	sadd.s32 s3, s16  }
0x1e1: {  	[tilespmem:s26], [sflag:$0x1] =	stream.linear.gather [hbm4b:s16+s2], $0x400, $0x38;
	v5, _, _ =	vpop (xrf0);
	[tilespmem:$0x10C00] =	vst v63  }
0x1e2: {  	s28 =	spop (v2sf);
	(v2sf) =	vpush v5, $0xF;
	v5 =	vsel vm12, $0x0, v4  }
0x1e3: {  	s16 =	sshll.u32 s28, $0x4;
	v5 =	vxor.u32 $0x80000000, v5  }
0x1e4: {  	s16 =	sand.u32 $0x1FFFFF80, s16  }
0x1e5: {  	s29 =	sor.u32 $0x2000, s15;
	(xrf0) =	vmax.scan.msk.u32 $0xffff, v5;
	s16 =	sadd.s32 s3, s16  }
0x1e6: {  	[tilespmem:s29], [sflag:$0x1] =	stream.linear.gather [hbm4b:s16+s2], $0x400, $0x38;
	v5, _, _ =	vpop (xrf0);
	[tilespmem:$0x10C00] =	vst v63  }
0x1e7: {  	s30 =	spop (v2sf);
	(v2sf) =	vpush v5, $0xF;
	v5 =	vsel vm13, $0x0, v4  }
0x1e8: {  	s16 =	sshll.u32 s30, $0x4;
	v5 =	vxor.u32 $0x80000000, v5  }
0x1e9: {  	s16 =	sand.u32 $0x1FFFFF80, s16  }
0x1ea: {  	s31 =	sor.u32 $0x2400, s15;
	(xrf0) =	vmax.scan.msk.u32 $0xffff, v5;
	s16 =	sadd.s32 s3, s16  }
0x1eb: {  	[tilespmem:s31], [sflag:$0x1] =	stream.linear.gather [hbm4b:s16+s2], $0x400, $0x38;
	v5, _, _ =	vpop (xrf0);
	[tilespmem:$0x10C00] =	vst v63  }
0x1ec: {  	s18 =	spop (v2sf);
	(v2sf) =	vpush v5, $0xF;
	v5 =	vsel vm14, $0x0, v4  }
0x1ed: {  	s16 =	sshll.u32 s18, $0x4;
	v5 =	vxor.u32 $0x80000000, v5  }
0x1ee: {  	s16 =	sand.u32 $0x1FFFFF80, s16  }
0x1ef: {  	s19 =	sor.u32 $0x2800, s15;
	(xrf0) =	vmax.scan.msk.u32 $0xffff, v5;
	s16 =	sadd.s32 s3, s16  }
0x1f0: {  	[tilespmem:s19], [sflag:$0x1] =	stream.linear.gather [hbm4b:s16+s2], $0x400, $0x38;
	v5, _, _ =	vpop (xrf0);
	[tilespmem:$0x10C00] =	vst v63  }
0x1f1: {  	v4 =	vsel vm15, $0x0, v4;
	s20 =	spop (v2sf);
	(v2sf) =	vpush v5, $0xF  }
0x1f2: {  	v4 =	vxor.u32 $0x80000000, v4;
	s16 =	sshll.u32 s20, $0x4  }
0x1f3: {  	s16 =	sand.u32 $0x1FFFFF80, s16  }
0x1f4: {  	s21 =	sor.u32 $0x2C00, s15;
	(xrf0) =	vmax.scan.msk.u32 $0xffff, v4;
	s16 =	sadd.s32 s3, s16  }
0x1f5: {  	v4, _, _ =	vpop (xrf0);
	[tilespmem:s21], [sflag:$0x1] =	stream.linear.gather [hbm4b:s16+s2], $0x400, $0x38;
	[tilespmem:$0x10C00] =	vst v63  }
0x1f6: {  	s22 =	spop (v2sf);
	(v2sf) =	vpush v4, $0xF  }
0x1f7: {  	s16 =	sshll.u32 s22, $0x4  }
0x1f8: {  	s16 =	sand.u32 $0x1FFFFF80, s16  }
0x1f9: {  	s23 =	sor.u32 $0x3000, s15;
	s16 =	sadd.s32 s3, s16  }
0x1fa: {  	v4, _, _ =	vpop (xrf0);
	[tilespmem:s23], [sflag:$0x1] =	stream.linear.gather [hbm4b:s16+s2], $0x400, $0x38;
	[tilespmem:$0x10C00] =	vst v63  }
0x1fb: {  	s24 =	spop (v2sf);
	(v2sf) =	vpush v4, $0xF  }
0x1fc: {  	s16 =	sshll.u32 s24, $0x4  }
0x1fd: {  	s16 =	sand.u32 $0x1FFFFF80, s16  }
0x1fe: {  	s25 =	sor.u32 $0x3400, s15;
	s16 =	sadd.s32 s3, s16  }
0x1ff: {  	[tilespmem:s25], [sflag:$0x1] =	stream.linear.gather [hbm4b:s16+s2], $0x400, $0x38;
	[tilespmem:$0x10C00] =	vst v63  }
0x200: {  	s26 =	spop (v2sf)  }
0x201: {  	s16 =	sshll.u32 s26, $0x4  }
0x202: {  	s16 =	sand.u32 $0x1FFFFF80, s16  }
0x203: {  	s28 =	sor.u32 $0x3800, s15;
	s16 =	sadd.s32 s3, s16  }
0x204: {  	[tilespmem:s28], [sflag:$0x1] =	stream.linear.gather [hbm4b:s16+s2], $0x400, $0x38;
	[tilespmem:$0x10C00] =	vst v63  }
0x205: {  	s29 =	spop (v2sf)  }
0x206: {  	s16 =	sshll.u32 s29, $0x4  }
0x207: {  	s16 =	sand.u32 $0x1FFFFF80, s16  }
0x208: {  	s30 =	sor.u32 $0x3C00, s15;
	s16 =	sadd.s32 s3, s16  }
0x209: {  	[tilespmem:s30], [sflag:$0x1] =	stream.linear.gather [hbm4b:s16+s2], $0x400, $0x38;
	[tilespmem:$0x10C00] =	vst v63  }
0x20a: {  	p1 =	por p0, p0;
	s31 =	spop (v2sf)  }
.Ltmp5:
0x20b: {  	s16 =	sshll.u32 s31, $0x4;
	(pc) =	sbr.rel @p1 .LBB2_11-.Ltmp5, $4  }
0x20c: {  	s16 =	sand.u32 $0x1FFFFF80, s16  }
0x20d: {  	s15 =	sadd.s32 $0x4000, s15;
	s16 =	sadd.s32 s3, s16  }
0x20e: {  	[tilespmem:s15], [sflag:$0x1] =	stream.linear.gather [hbm4b:s16+s2], $0x400, $0x38;
	[tilespmem:$0x10C00] =	vst v63  }
0x20f: {  	p0 =	por $0x0, $0x0;
	s15 =	simm.s32 $0x1  }
.LBB2_12:
0x210: {  	_ =	swait.ge [sflag:s11], $0x400  }
0x211: {  	[sflag:s11] =	ssyncset.done $0x0  }
0x212: {  	[sflag:s11] =	ssyncadd.s32 $0xFFFFFC00  }
0x213: {  	_ =	swait.ge [sflag:s11], $0x400  }
0x214: {  	[sflag:s11] =	ssyncset.done $0x0  }
0x215: {  	[sflag:s11] =	ssyncadd.s32 $0xFFFFFC00  }
0x216: {  	_ =	swait.ge [sflag:s11], $0x400  }
0x217: {  	[sflag:s11] =	ssyncset.done $0x0  }
0x218: {  	[sflag:s11] =	ssyncadd.s32 $0xFFFFFC00  }
0x219: {  	_ =	swait.ge [sflag:s11], $0x400  }
0x21a: {  	[sflag:s11] =	ssyncset.done $0x0  }
0x21b: {  	[sflag:s11] =	ssyncadd.s32 $0xFFFFFC00  }
0x21c: {  	_ =	swait.ge [sflag:s11], $0x400  }
0x21d: {  	[sflag:s11] =	ssyncset.done $0x0  }
0x21e: {  	[sflag:s11] =	ssyncadd.s32 $0xFFFFFC00  }
0x21f: {  	_ =	swait.ge [sflag:s11], $0x400  }
0x220: {  	[sflag:s11] =	ssyncset.done $0x0  }
0x221: {  	[sflag:s11] =	ssyncadd.s32 $0xFFFFFC00  }
0x222: {  	_ =	swait.ge [sflag:s11], $0x400  }
0x223: {  	[sflag:s11] =	ssyncset.done $0x0  }
0x224: {  	[sflag:s11] =	ssyncadd.s32 $0xFFFFFC00  }
0x225: {  	_ =	swait.ge [sflag:s11], $0x400  }
0x226: {  	[sflag:s11] =	ssyncset.done $0x0  }
0x227: {  	[sflag:s11] =	ssyncadd.s32 $0xFFFFFC00  }
0x228: {  	_ =	swait.ge [sflag:s11], $0x400  }
0x229: {  	[sflag:s11] =	ssyncset.done $0x0  }
0x22a: {  	[sflag:s11] =	ssyncadd.s32 $0xFFFFFC00  }
0x22b: {  	_ =	swait.ge [sflag:s11], $0x400  }
0x22c: {  	[sflag:s11] =	ssyncset.done $0x0  }
0x22d: {  	[sflag:s11] =	ssyncadd.s32 $0xFFFFFC00  }
0x22e: {  	_ =	swait.ge [sflag:s11], $0x400  }
0x22f: {  	[sflag:s11] =	ssyncset.done $0x0  }
0x230: {  	[sflag:s11] =	ssyncadd.s32 $0xFFFFFC00  }
0x231: {  	_ =	swait.ge [sflag:s11], $0x400  }
0x232: {  	[sflag:s11] =	ssyncset.done $0x0  }
0x233: {  	[sflag:s11] =	ssyncadd.s32 $0xFFFFFC00  }
0x234: {  	_ =	swait.ge [sflag:s11], $0x400  }
0x235: {  	[sflag:s11] =	ssyncset.done $0x0  }
0x236: {  	[sflag:s11] =	ssyncadd.s32 $0xFFFFFC00  }
0x237: {  	_ =	swait.ge [sflag:s11], $0x400  }
0x238: {  	[sflag:s11] =	ssyncset.done $0x0  }
0x239: {  	[sflag:s11] =	ssyncadd.s32 $0xFFFFFC00  }
0x23a: {  	_ =	swait.ge [sflag:s11], $0x400  }
0x23b: {  	[sflag:s11] =	ssyncset.done $0x0  }
0x23c: {  	[sflag:s11] =	ssyncadd.s32 $0xFFFFFC00  }
0x23d: {  	_ =	swait.ge [sflag:s11], $0x400  }
0x23e: {  	[sflag:s11] =	ssyncset.done $0x0  }
0x23f: {  	[sflag:s11] =	ssyncadd.s32 $0xFFFFFC00  }
0x240: {  	_ =	swait.ge [sflag:s11], $0x400  }
0x241: {  	[sflag:s11] =	ssyncset.done $0x0  }
0x242: {  	[sflag:s11] =	ssyncadd.s32 $0xFFFFFC00  }
0x243: {  	_ =	swait.ge [sflag:s11], $0x400  }
0x244: {  	[sflag:s11] =	ssyncset.done $0x0  }
0x245: {  	[sflag:s11] =	ssyncadd.s32 $0xFFFFFC00  }
0x246: {  	_ =	swait.ge [sflag:s11], $0x400  }
0x247: {  	[sflag:s11] =	ssyncset.done $0x0  }
0x248: {  	[sflag:s11] =	ssyncadd.s32 $0xFFFFFC00  }
0x249: {  	_ =	swait.ge [sflag:s11], $0x400  }
0x24a: {  	[sflag:s11] =	ssyncset.done $0x0  }
0x24b: {  	[sflag:s11] =	ssyncadd.s32 $0xFFFFFC00  }
0x24c: {  	_ =	swait.ge [sflag:s11], $0x400  }
0x24d: {  	[sflag:s11] =	ssyncset.done $0x0  }
0x24e: {  	[sflag:s11] =	ssyncadd.s32 $0xFFFFFC00  }
0x24f: {  	_ =	swait.ge [sflag:s11], $0x400  }
0x250: {  	[sflag:s11] =	ssyncset.done $0x0  }
0x251: {  	[sflag:s11] =	ssyncadd.s32 $0xFFFFFC00  }
0x252: {  	_ =	swait.ge [sflag:s11], $0x400  }
0x253: {  	[sflag:s11] =	ssyncset.done $0x0  }
0x254: {  	[sflag:s11] =	ssyncadd.s32 $0xFFFFFC00  }
0x255: {  	_ =	swait.ge [sflag:s11], $0x400  }
0x256: {  	[sflag:s11] =	ssyncset.done $0x0  }
0x257: {  	[sflag:s11] =	ssyncadd.s32 $0xFFFFFC00  }
0x258: {  	_ =	swait.ge [sflag:s11], $0x400  }
0x259: {  	[sflag:s11] =	ssyncset.done $0x0  }
0x25a: {  	[sflag:s11] =	ssyncadd.s32 $0xFFFFFC00  }
0x25b: {  	_ =	swait.ge [sflag:s11], $0x400  }
0x25c: {  	[sflag:s11] =	ssyncset.done $0x0  }
0x25d: {  	[sflag:s11] =	ssyncadd.s32 $0xFFFFFC00  }
0x25e: {  	_ =	swait.ge [sflag:s11], $0x400  }
0x25f: {  	[sflag:s11] =	ssyncset.done $0x0  }
0x260: {  	[sflag:s11] =	ssyncadd.s32 $0xFFFFFC00  }
0x261: {  	_ =	swait.ge [sflag:s11], $0x400  }
0x262: {  	[sflag:s11] =	ssyncset.done $0x0  }
0x263: {  	[sflag:s11] =	ssyncadd.s32 $0xFFFFFC00  }
0x264: {  	_ =	swait.ge [sflag:s11], $0x400  }
0x265: {  	[sflag:s11] =	ssyncset.done $0x0  }
0x266: {  	[sflag:s11] =	ssyncadd.s32 $0xFFFFFC00  }
0x267: {  	_ =	swait.ge [sflag:s11], $0x400  }
0x268: {  	[sflag:s11] =	ssyncset.done $0x0  }
0x269: {  	[sflag:s11] =	ssyncadd.s32 $0xFFFFFC00  }
0x26a: {  	_ =	swait.ge [sflag:s11], $0x400  }
0x26b: {  	[sflag:s11] =	ssyncset.done $0x0  }
0x26c: {  	[sflag:s11] =	ssyncadd.s32 $0xFFFFFC00  }
0x26d: {  	_ =	swait.ge [sflag:s11], $0x400  }
0x26e: {  	s13 =	sadd.s32 $0x1, s13;
	s15 =	simm.s32 $0x0;
	[sflag:s11] =	ssyncset.done $0x0  }
0x26f: {  	p1 =	por $0x1, $0x1;
	s16 =	simm.s32 $0x0;
	[sflag:s11] =	ssyncadd.s32 $0xFFFFFC00  }
.LBB2_13:
0x270: {  	_ =	sdelay $0x3  }
0x271: {  	v3 =	vld.idx.msk [tilespmem:v2+s16+$0x0 ss:$0x1], $0xffff;
	_ =	sdelay $0x4  }
0x272: {  	v4 =	vor.u32 s16, v0;
	v3 =	vshll.u32 v3, $0x7  }
0x273: {  	v5 =	vshll.u32 v4, $0xA;
	v3 =	vand.u32 $0x380, v3  }
0x274: {  	v3 =	vor.u32 v3, v5  }
0x275: {  	v3 =	vor.u32 $0x8000, v3  }
0x276: {  	v5 =	vor.u32 s15, v3;
	_ =	sdelay $0x1  }
0x277: {  	v4 =	vshll.u32 v4, $0x6  }
0x278: {  	v4 =	vand.u32 $0x780, v4  }
0x279: {  	v4 =	vor.u32 v1, v4  }
0x27a: {  	s25 =	simm.s32 $0x1;
	v6 =	vor.u32 s15, v4;
	v5 =	vld.idx.msk [tilespmem:v5+s9+$0x0], $0xffff  }
0x27b: {  	v7 =	vor.u32 s25, v3;
	_ =	sdelay $0x3  }
0x27c: {  	[tilespmem:v6+s10+$0x0] =	vst.idx.msk $0xffff, v5  }
0x27d: {  	s26 =	simm.s32 $0x2;
	v6 =	vor.u32 s25, v4;
	v5 =	vld.idx.msk [tilespmem:v7+s9+$0x0], $0xffff  }
0x27e: {  	v7 =	vor.u32 s26, v3;
	_ =	sdelay $0x3  }
0x27f: {  	[tilespmem:v6+s10+$0x0] =	vst.idx.msk $0xffff, v5  }
0x280: {  	s28 =	simm.s32 $0x3;
	v6 =	vor.u32 s26, v4;
	v5 =	vld.idx.msk [tilespmem:v7+s9+$0x0], $0xffff  }
0x281: {  	v7 =	vor.u32 s28, v3;
	_ =	sdelay $0x3  }
0x282: {  	[tilespmem:v6+s10+$0x0] =	vst.idx.msk $0xffff, v5  }
0x283: {  	s29 =	simm.s32 $0x4;
	v6 =	vor.u32 s28, v4;
	v5 =	vld.idx.msk [tilespmem:v7+s9+$0x0], $0xffff  }
0x284: {  	v7 =	vor.u32 s29, v3;
	_ =	sdelay $0x3  }
0x285: {  	[tilespmem:v6+s10+$0x0] =	vst.idx.msk $0xffff, v5  }
0x286: {  	s30 =	simm.s32 $0x5;
	v6 =	vor.u32 s29, v4;
	v5 =	vld.idx.msk [tilespmem:v7+s9+$0x0], $0xffff  }
0x287: {  	v7 =	vor.u32 s30, v3;
	_ =	sdelay $0x3  }
0x288: {  	[tilespmem:v6+s10+$0x0] =	vst.idx.msk $0xffff, v5  }
0x289: {  	s31 =	simm.s32 $0x6;
	v6 =	vor.u32 s30, v4;
	v5 =	vld.idx.msk [tilespmem:v7+s9+$0x0], $0xffff  }
0x28a: {  	v7 =	vor.u32 s31, v3;
	_ =	sdelay $0x3  }
0x28b: {  	[tilespmem:v6+s10+$0x0] =	vst.idx.msk $0xffff, v5  }
0x28c: {  	s17 =	simm.s32 $0x7;
	v6 =	vor.u32 s31, v4;
	v5 =	vld.idx.msk [tilespmem:v7+s9+$0x0], $0xffff  }
0x28d: {  	v7 =	vor.u32 s17, v3;
	_ =	sdelay $0x3  }
0x28e: {  	[tilespmem:v6+s10+$0x0] =	vst.idx.msk $0xffff, v5  }
0x28f: {  	s16 =	simm.s32 $0x8;
	v6 =	vor.u32 s17, v4;
	v5 =	vld.idx.msk [tilespmem:v7+s9+$0x0], $0xffff  }
0x290: {  	p0 =	por p1, p1;
	s17 =	simm.s32 $0x10;
	v7 =	vor.u32 s16, v3  }
.LBB2_14:
0x291: {  	p1 =	slt.u32 s17, $0x38;
	_ =	sdelay $0x2  }
0x292: {  	[tilespmem:v6+s10+$0x0] =	vst.idx.msk $0xffff, v5  }
0x293: {  	v5 =	vld.idx.msk [tilespmem:v7+s9+$0x0], $0xffff  }
0x294: {  	s18 =	sadd.s32 $0x1, s16;
	v6 =	vor.u32 s16, v4  }
0x295: {  	v7 =	vor.u32 s18, v3;
	_ =	sdelay $0x3  }
0x296: {  	[tilespmem:v6+s10+$0x0] =	vst.idx.msk $0xffff, v5  }
0x297: {  	v5 =	vld.idx.msk [tilespmem:v7+s9+$0x0], $0xffff  }
0x298: {  	v6 =	vor.u32 s18, v4;
	s18 =	sadd.s32 $0x2, s16  }
0x299: {  	v7 =	vor.u32 s18, v3;
	_ =	sdelay $0x3  }
0x29a: {  	[tilespmem:v6+s10+$0x0] =	vst.idx.msk $0xffff, v5  }
0x29b: {  	v5 =	vld.idx.msk [tilespmem:v7+s9+$0x0], $0xffff  }
0x29c: {  	v6 =	vor.u32 s18, v4;
	s18 =	sadd.s32 $0x3, s16  }
0x29d: {  	v7 =	vor.u32 s18, v3;
	_ =	sdelay $0x3  }
0x29e: {  	[tilespmem:v6+s10+$0x0] =	vst.idx.msk $0xffff, v5  }
0x29f: {  	v5 =	vld.idx.msk [tilespmem:v7+s9+$0x0], $0xffff  }
0x2a0: {  	v6 =	vor.u32 s18, v4;
	s18 =	sadd.s32 $0x4, s16  }
0x2a1: {  	v7 =	vor.u32 s18, v3;
	_ =	sdelay $0x3  }
0x2a2: {  	[tilespmem:v6+s10+$0x0] =	vst.idx.msk $0xffff, v5  }
0x2a3: {  	v5 =	vld.idx.msk [tilespmem:v7+s9+$0x0], $0xffff  }
0x2a4: {  	v6 =	vor.u32 s18, v4;
	s18 =	sadd.s32 $0x5, s16  }
0x2a5: {  	v7 =	vor.u32 s18, v3;
	_ =	sdelay $0x3  }
0x2a6: {  	[tilespmem:v6+s10+$0x0] =	vst.idx.msk $0xffff, v5  }
0x2a7: {  	v5 =	vld.idx.msk [tilespmem:v7+s9+$0x0], $0xffff  }
0x2a8: {  	v6 =	vor.u32 s18, v4;
	s18 =	sadd.s32 $0x6, s16  }
0x2a9: {  	v7 =	vor.u32 s18, v3;
	_ =	sdelay $0x3  }
0x2aa: {  	[tilespmem:v6+s10+$0x0] =	vst.idx.msk $0xffff, v5  }
0x2ab: {  	v5 =	vld.idx.msk [tilespmem:v7+s9+$0x0], $0xffff  }
0x2ac: {  	v6 =	vor.u32 s18, v4;
	s18 =	sadd.s32 $0x7, s16;
	s16 =	smov.u32 s17  }
0x2ad: {  	v7 =	vor.u32 s18, v3;
	_ =	sdelay $0x2  }
.Ltmp6:
0x2ae: {  	(pc) =	sbr.rel @p1 .LBB2_14-.Ltmp6, $4  }
0x2af: {  	[tilespmem:v6+s10+$0x0] =	vst.idx.msk $0xffff, v5  }
0x2b0: {  	v5 =	vld.idx.msk [tilespmem:v7+s9+$0x0], $0xffff  }
0x2b1: {  	v6 =	vor.u32 s18, v4  }
0x2b2: {  	s17 =	sadd.s32 $0x8, s17;
	v7 =	vor.u32 s16, v3  }
0x2b3: {  	_ =	sdelay $0x3  }
0x2b4: {  	[tilespmem:v6+s10+$0x0] =	vst.idx.msk $0xffff, v5  }
0x2b5: {  	v50 =	vor.u32 s16, v4;
	s17 =	sadd.s32 $0x1, s16;
	v5 =	vld.idx.msk [tilespmem:v7+s9+$0x0], $0xffff  }
0x2b6: {  	v51 =	vor.u32 s17, v3;
	_ =	sdelay $0x3  }
0x2b7: {  	[tilespmem:v50+s10+$0x0] =	vst.idx.msk $0xffff, v5  }
0x2b8: {  	s25 =	sadd.s32 $0x2, s16;
	v52 =	vor.u32 s17, v4;
	v5 =	vld.idx.msk [tilespmem:v51+s9+$0x0], $0xffff  }
0x2b9: {  	v53 =	vor.u32 s25, v3;
	_ =	sdelay $0x3  }
0x2ba: {  	[tilespmem:v52+s10+$0x0] =	vst.idx.msk $0xffff, v5  }
0x2bb: {  	s26 =	sadd.s32 $0x3, s16;
	v54 =	vor.u32 s25, v4;
	v5 =	vld.idx.msk [tilespmem:v53+s9+$0x0], $0xffff  }
0x2bc: {  	v55 =	vor.u32 s26, v3;
	_ =	sdelay $0x3  }
0x2bd: {  	[tilespmem:v54+s10+$0x0] =	vst.idx.msk $0xffff, v5  }
0x2be: {  	s28 =	sadd.s32 $0x4, s16;
	v56 =	vor.u32 s26, v4;
	v5 =	vld.idx.msk [tilespmem:v55+s9+$0x0], $0xffff  }
0x2bf: {  	v57 =	vor.u32 s28, v3;
	_ =	sdelay $0x3  }
0x2c0: {  	[tilespmem:v56+s10+$0x0] =	vst.idx.msk $0xffff, v5  }
0x2c1: {  	s29 =	sadd.s32 $0x5, s16;
	v58 =	vor.u32 s28, v4;
	v5 =	vld.idx.msk [tilespmem:v57+s9+$0x0], $0xffff  }
0x2c2: {  	v59 =	vor.u32 s29, v3;
	_ =	sdelay $0x3  }
0x2c3: {  	[tilespmem:v58+s10+$0x0] =	vst.idx.msk $0xffff, v5  }
0x2c4: {  	s30 =	sadd.s32 $0x6, s16;
	v60 =	vor.u32 s29, v4;
	v5 =	vld.idx.msk [tilespmem:v59+s9+$0x0], $0xffff  }
0x2c5: {  	v61 =	vor.u32 s30, v3;
	_ =	sdelay $0x3  }
0x2c6: {  	[tilespmem:v60+s10+$0x0] =	vst.idx.msk $0xffff, v5  }
0x2c7: {  	s31 =	sadd.s32 $0x7, s16;
	v62 =	vor.u32 s30, v4;
	v5 =	vld.idx.msk [tilespmem:v61+s9+$0x0], $0xffff  }
0x2c8: {  	v3 =	vor.u32 s31, v3;
	_ =	sdelay $0x3  }
0x2c9: {  	[tilespmem:v62+s10+$0x0] =	vst.idx.msk $0xffff, v5  }
0x2ca: {  	v63 =	vor.u32 s31, v4;
	v3 =	vld.idx.msk [tilespmem:v3+s9+$0x0], $0xffff  }
.Ltmp7:
0x2cb: {  	_ = 	snop;
	(pc) =	sbr.rel @p0 .LBB2_13-.Ltmp7, $2  }
0x2cc: {  	_ =	sdelay $0x2  }
0x2cd: {  	s16 =	simm.s32 $0x10;
	p1 =	por $0x0, $0x0;
	[tilespmem:v63+s10+$0x0] =	vst.idx.msk $0xffff, v3  }
0x2ce: {  	s14 =	sshll.u32 s14, $0x8;
	p0 =	sne.s32 s13, $0x10  }
.Ltmp8:
0x2cf: {  	s14 =	sadd.s32 s14, s5;
	(pc) =	sbr.rel @p0 .LBB2_3-.Ltmp8, $4  }
0x2d0: {  	[hbm4b:s14+s2] =	stream.linear.scatter [tilespmem:s10], [sflag:$0x3], $0x800, $0x38;
	[tilespmem:$0x10C00] =	vst v63  }
0x2d1: {  	_ =	swait.ge [sflag:s7], $0x800  }
0x2d2: {  	[sflag:s7] =	ssyncset.done $0x0  }
0x2d3: {  	[sflag:s7] =	ssyncadd.s32 $0xFFFFF800  }
0x2d4: {  	s12 =	sadd.s32 $0x1, s12  }
0x2d5: {  	p0 =	sne.s32 s12, s6  }
.Ltmp9:
0x2d6: {  	_ = 	snop;
	(pc) =	sbr.rel @p0 .LBB2_1-.Ltmp9, $1  }
0x2d7: {  	_ =	sdelay $0x3  }
0x2d8: {  	_ =	sfence.sel $0x180000  }
0x2d9: {  	[bflag:$0x0] =	sbarrier.arrive $0xFFFF  }
0x2da: {  	p0 =	sne.s32 s1, $0x0;
	_ =	strace $0x90000047  }
0x2db: {  	s0 =	sadd.s32 @!p0 $0x100000, s0;
	[bflag:$0x2] =	sbarrier.arrive $0xFFFF  }
0x2dc: {  	[sflag:s0] =	ssyncadd.tile.s32 @!p0 $0x1;
	_ =	shalt  }
.Lfunc_end2:
_tile_overlayer_lowered:
.L_overlay_start_2:
0x2dd: {  	(tag) =	ssettag $0x2  }
0x2de: {  	s0 =	rddreg [dreg:$0x0];
	s2 =	stileid.u32  }
0x2df: {  	s1 =	rddreg [dreg:$0x1];
	p0 =	sne.s32 s2, $0x0  }
0x2e0: {  	s3 =	rddreg [dreg:$0x2];
	[bflag:$0x3] =	sbarrier.arrive $0xFFFF;
	s2 =	simm.s32 @!p0 $0x1C03  }
0x2e1: {  	[timem:s3], [sflag:s2] =	dma.local @!p0 [hbm:s0], s1  }
0x2e2: {  	s0 =	simm.s32 @!p0 $0x3  }
0x2e3: {  	_ =	swait.ge @!p0 [sflag:s0], s1  }
0x2e4: {  	s1 =	ssub.s32 @!p0 $0x0, s1;
	[sflag:s0] =	ssyncset.done @!p0 $0x0  }
0x2e5: {  	[sflag:s0] =	ssyncadd.s32 @!p0 s1  }
0x2e6: {  	[bflag:$0x3] =	sbarrier.arrive $0xFFFF  }
0x2e7: {  	_ =	shalt  }

</sc_bundles>
